<compile_context>
chip_gen: v7x
topology: tpu7x:2x2x1
jax: 0.10.2.dev20260603
libtpu: 0.0.44.dev20260713+nightly
codegen_flags: <defaults>
</compile_context>

<pallas_src>
import functools

import jax
import jax.numpy as jnp
from jax import lax
from jax.experimental import pallas as pl
from jax.experimental.pallas import tpu as pltpu
from jax.experimental.pallas import tpu_sc as plsc

_NUM_BINS = 10000
_EMBED_DIM = 64
_BATCH = 16384

_info = plsc.get_sparse_core_info()
_NC, _NS, _L = _info.num_cores, _info.num_subcores, _info.num_lanes
_NW = _NC * _NS
_BPW = _BATCH // _NW
_CHUNK = 128
_KCH = _BPW // _CHUNK


def _sc_body(sid_hbm, eid_hbm, stab_hbm, etab_hbm, out_hbm,
             ids_v, sidx, eidx, comb, gsems, osem):
    wid = lax.axis_index("s") * _NC + lax.axis_index("c")
    base = wid * _BPW

    id0 = pltpu.async_copy(sid_hbm.at[pl.ds(base, _BPW)], ids_v.at[0], osem)
    id1 = pltpu.async_copy(eid_hbm.at[pl.ds(base, _BPW)], ids_v.at[1], osem)
    id0.wait()
    id1.wait()

    inv = 1.0 / _NUM_BINS

    def _mod(v):
        q = (v.astype(jnp.float32) * inv).astype(jnp.int32)
        r = v - q * _NUM_BINS
        r = jnp.where(r < 0, r + _NUM_BINS, r)
        return jnp.where(r >= _NUM_BINS, r - _NUM_BINS, r)

    gd = []
    for j in range(_KCH):
        for t in range(_CHUNK // _L):
            col = t * _L
            i0 = j * _CHUNK + col
            sidx[j, pl.ds(col, _L)] = _mod(ids_v[0, pl.ds(i0, _L)])
            eidx[j, pl.ds(col, _L)] = _mod(ids_v[1, pl.ds(i0, _L)])
        rows = pl.ds(j * _CHUNK, _CHUNK)
        gd.append(pltpu.async_copy(stab_hbm.at[sidx.at[j]], comb.at[0, rows], gsems.at[j]))
        gd.append(pltpu.async_copy(etab_hbm.at[eidx.at[j]], comb.at[1, rows], gsems.at[j]))
    od = []
    for j in range(_KCH):
        gd[2 * j].wait()
        gd[2 * j + 1].wait()
        rows = pl.ds(j * _CHUNK, _CHUNK)
        orows = pl.ds(base + j * _CHUNK, _CHUNK)
        od.append(pltpu.async_copy(comb.at[0, rows],
                                   out_hbm.at[orows, pl.ds(0, _EMBED_DIM)], osem))
        od.append(pltpu.async_copy(comb.at[1, rows],
                                   out_hbm.at[orows, pl.ds(_EMBED_DIM, _EMBED_DIM)], osem))
    for d in od:
        d.wait()


_sc_call = functools.partial(
    pl.kernel,
    mesh=plsc.VectorSubcoreMesh(core_axis_name="c", subcore_axis_name="s"),
    out_type=jax.ShapeDtypeStruct((_BATCH, 2 * _EMBED_DIM), jnp.float32),
    scratch_types=[
        pltpu.VMEM((2, _BPW), jnp.int32),
        pltpu.VMEM((_KCH, _CHUNK), jnp.int32),
        pltpu.VMEM((_KCH, _CHUNK), jnp.int32),
        pltpu.VMEM((2, _BPW, _EMBED_DIM), jnp.float32),
        pltpu.SemaphoreType.DMA((_KCH,)),
        pltpu.SemaphoreType.DMA,
    ],
    compiler_params=pltpu.CompilerParams(use_tc_tiling_on_sc=False),
)(_sc_body)


def kernel(student_id, engagement_id, student_table, engagement_table):
    return _sc_call(student_id.astype(jnp.int32), engagement_id.astype(jnp.int32),
                    student_table, engagement_table)

# --- scband reference (transcript-rebuilt; emitter-appended) ---
"""Pipeline reference for scband-recommender-model-798863917611 (READ-ONLY COPY).

The authoritative reference and input builder live on the scoring server;
editing this copy changes nothing except your own understanding.
"""

import jax, jax.numpy as jnp
import numpy as np

NUM_BINS = 10000
EMBED_DIM = 64
BATCH = 16384


def setup_inputs(seed: int = 0) -> dict:
    key = jax.random.key(seed)
    k1, k2, k3, k4 = jax.random.split(key, 4)
    student_id = jax.random.randint(k1, (BATCH,), 0, 1000000)
    engagement_id = jax.random.randint(k2, (BATCH,), 0, 1000000)
    student_table = jax.random.normal(k3, (NUM_BINS, EMBED_DIM), dtype=jnp.float32) * 0.05
    engagement_table = jax.random.normal(k4, (NUM_BINS, EMBED_DIM), dtype=jnp.float32) * 0.05
    return {
        'student_id': student_id,
        'engagement_id': engagement_id,
        'student_table': student_table,
        'engagement_table': engagement_table,
    }


def reference(student_id, engagement_id, student_table, engagement_table):
    # tf.keras.layers.Hashing(num_bins=10000): model hashing as modulo bucketing
    student_index = jnp.mod(student_id, NUM_BINS)
    engagement_index = jnp.mod(engagement_id, NUM_BINS)
    # Embedding lookups (gather) - SparseCore-mappable
    student_emb = jnp.take(student_table, student_index, axis=0)
    engagement_emb = jnp.take(engagement_table, engagement_index, axis=0)
    # No optional per-feature dicts passed -> towers return base embeddings.
    # RecommenderModel combines the two tower outputs.
    combined = jnp.concatenate([student_emb, engagement_emb], axis=1)
    return combined

if __name__ == "__main__":
    import jax
    _d = setup_inputs()
    print(jax.jit(kernel)(*tuple(_d.values())))

</pallas_src>

<mosaic_0001>
#map = affine_map<(d0, d1) -> (0)>
#map1 = affine_map<(d0, d1) -> (0, 0)>
module attributes {stable_mosaic.version = 14 : i64} {
  func.func @_sc_body(%arg0: i32, %arg1: i32, %arg2: memref<16384xi32, #tpu.memory_space<hbm>>, %arg3: memref<16384xi32, #tpu.memory_space<hbm>>, %arg4: memref<10000x64xf32, #tpu.memory_space<hbm>>, %arg5: memref<10000x64xf32, #tpu.memory_space<hbm>>, %arg6: memref<16384x128xf32, #tpu.memory_space<hbm>>, %arg7: memref<2x512xi32, #tpu.memory_space<vmem>>, %arg8: memref<4x128xi32, #tpu.memory_space<vmem>>, %arg9: memref<4x128xi32, #tpu.memory_space<vmem>>, %arg10: memref<2x512x64xf32, #tpu.memory_space<vmem>>, %arg11: memref<4x!tpu.dma_semaphore, #tpu.memory_space<semaphore_mem>>, %arg12: memref<!tpu.dma_semaphore, #tpu.memory_space<semaphore_mem>>) attributes {dimension_semantics = [#tpu.dimension_semantics<core_parallel>, #tpu.dimension_semantics<subcore_parallel>], iteration_bounds = array<i64: 2, 16>, scalar_prefetch = 0 : i64, scratch_operands = 6 : i64, tpu.core_type = #tpu.core_type<sc_vector_subcore>, window_params = [{transform_indices = #map}, {transform_indices = #map}, {transform_indices = #map1}, {transform_indices = #map1}, {transform_indices = #map1}]} {
    %mul3A = arith.constant 2 : i32
    %mul3A_0 = arith.muli %arg1, %mul3A : i32
    %add3A = arith.addi %mul3A_0, %arg0 : i32
    %mul3A_1 = arith.constant 512 : i32
    %mul3A_2 = arith.muli %add3A, %mul3A_1 : i32
    %dma_start3A = arith.constant 0 : i32
    %dma_start3A_3 = arith.constant 0 : i32
    %dma_start3A_4 = tpu.memref_slice %arg7[%dma_start3A, %dma_start3A_3] : memref<2x512xi32, #tpu.memory_space<vmem>> -> memref<1x512xi32, #tpu.memory_space<vmem>>
    %dma_start3A_5 = tpu.memref_squeeze %dma_start3A_4 : memref<1x512xi32, #tpu.memory_space<vmem>> -> memref<512xi32, #tpu.memory_space<vmem>>
    %dma_start3A_6 = tpu.memref_slice %arg2[%mul3A_2] : memref<16384xi32, #tpu.memory_space<hbm>> -> memref<512xi32, #tpu.memory_space<hbm>>
    %dma_start3A_7 = arith.constant 0 : i32
    %dma_start3A_8 = tpu.memref_slice %arg7[%dma_start3A, %dma_start3A_7] : memref<2x512xi32, #tpu.memory_space<vmem>> -> memref<1x512xi32, #tpu.memory_space<vmem>>
    %dma_start3A_9 = tpu.memref_squeeze %dma_start3A_8 : memref<1x512xi32, #tpu.memory_space<vmem>> -> memref<512xi32, #tpu.memory_space<vmem>>
    %dma_start3A_10 = tpu.memref_slice %arg2[%mul3A_2] : memref<16384xi32, #tpu.memory_space<hbm>> -> memref<512xi32, #tpu.memory_space<hbm>>
    tpu.enqueue_dma source(%dma_start3A_10 : memref<512xi32, #tpu.memory_space<hbm>>) target(%dma_start3A_9 : memref<512xi32, #tpu.memory_space<vmem>>) target_semaphore(%arg12 : memref<!tpu.dma_semaphore, #tpu.memory_space<semaphore_mem>>)
    %dma_start3A_11 = arith.constant 1 : i32
    %dma_start3A_12 = arith.constant 0 : i32
    %dma_start3A_13 = tpu.memref_slice %arg7[%dma_start3A_11, %dma_start3A_12] : memref<2x512xi32, #tpu.memory_space<vmem>> -> memref<1x512xi32, #tpu.memory_space<vmem>>
    %dma_start3A_14 = tpu.memref_squeeze %dma_start3A_13 : memref<1x512xi32, #tpu.memory_space<vmem>> -> memref<512xi32, #tpu.memory_space<vmem>>
    %dma_start3A_15 = tpu.memref_slice %arg3[%mul3A_2] : memref<16384xi32, #tpu.memory_space<hbm>> -> memref<512xi32, #tpu.memory_space<hbm>>
    %dma_start3A_16 = arith.constant 0 : i32
    %dma_start3A_17 = tpu.memref_slice %arg7[%dma_start3A_11, %dma_start3A_16] : memref<2x512xi32, #tpu.memory_space<vmem>> -> memref<1x512xi32, #tpu.memory_space<vmem>>
    %dma_start3A_18 = tpu.memref_squeeze %dma_start3A_17 : memref<1x512xi32, #tpu.memory_space<vmem>> -> memref<512xi32, #tpu.memory_space<vmem>>
    %dma_start3A_19 = tpu.memref_slice %arg3[%mul3A_2] : memref<16384xi32, #tpu.memory_space<hbm>> -> memref<512xi32, #tpu.memory_space<hbm>>
    tpu.enqueue_dma source(%dma_start3A_19 : memref<512xi32, #tpu.memory_space<hbm>>) target(%dma_start3A_18 : memref<512xi32, #tpu.memory_space<vmem>>) target_semaphore(%arg12 : memref<!tpu.dma_semaphore, #tpu.memory_space<semaphore_mem>>)
    %dma_wait3A = arith.constant 0 : i32
    %dma_wait3A_20 = arith.constant 0 : i32
    %dma_wait3A_21 = tpu.memref_slice %arg7[%dma_wait3A, %dma_wait3A_20] : memref<2x512xi32, #tpu.memory_space<vmem>> -> memref<1x512xi32, #tpu.memory_space<vmem>>
    %dma_wait3A_22 = tpu.memref_squeeze %dma_wait3A_21 : memref<1x512xi32, #tpu.memory_space<vmem>> -> memref<512xi32, #tpu.memory_space<vmem>>
    %dma_wait3A_23 = tpu.memref_slice %arg2[%mul3A_2] : memref<16384xi32, #tpu.memory_space<hbm>> -> memref<512xi32, #tpu.memory_space<hbm>>
    %dma_wait3A_24 = arith.constant 0 : i32
    %dma_wait3A_25 = tpu.memref_slice %arg7[%dma_wait3A, %dma_wait3A_24] : memref<2x512xi32, #tpu.memory_space<vmem>> -> memref<1x512xi32, #tpu.memory_space<vmem>>
    %dma_wait3A_26 = tpu.memref_squeeze %dma_wait3A_25 : memref<1x512xi32, #tpu.memory_space<vmem>> -> memref<512xi32, #tpu.memory_space<vmem>>
    %dma_wait3A_27 = tpu.memref_slice %arg2[%mul3A_2] : memref<16384xi32, #tpu.memory_space<hbm>> -> memref<512xi32, #tpu.memory_space<hbm>>
    tpu.wait_dma2 semaphore(%arg12 : memref<!tpu.dma_semaphore, #tpu.memory_space<semaphore_mem>>) src(%dma_wait3A_27 : memref<512xi32, #tpu.memory_space<hbm>>) dst(%dma_wait3A_26 : memref<512xi32, #tpu.memory_space<vmem>>)
    %dma_wait3A_28 = arith.constant 1 : i32
    %dma_wait3A_29 = arith.constant 0 : i32
    %dma_wait3A_30 = tpu.memref_slice %arg7[%dma_wait3A_28, %dma_wait3A_29] : memref<2x512xi32, #tpu.memory_space<vmem>> -> memref<1x512xi32, #tpu.memory_space<vmem>>
    %dma_wait3A_31 = tpu.memref_squeeze %dma_wait3A_30 : memref<1x512xi32, #tpu.memory_space<vmem>> -> memref<512xi32, #tpu.memory_space<vmem>>
    %dma_wait3A_32 = tpu.memref_slice %arg3[%mul3A_2] : memref<16384xi32, #tpu.memory_space<hbm>> -> memref<512xi32, #tpu.memory_space<hbm>>
    %dma_wait3A_33 = arith.constant 0 : i32
    %dma_wait3A_34 = tpu.memref_slice %arg7[%dma_wait3A_28, %dma_wait3A_33] : memref<2x512xi32, #tpu.memory_space<vmem>> -> memref<1x512xi32, #tpu.memory_space<vmem>>
    %dma_wait3A_35 = tpu.memref_squeeze %dma_wait3A_34 : memref<1x512xi32, #tpu.memory_space<vmem>> -> memref<512xi32, #tpu.memory_space<vmem>>
    %dma_wait3A_36 = tpu.memref_slice %arg3[%mul3A_2] : memref<16384xi32, #tpu.memory_space<hbm>> -> memref<512xi32, #tpu.memory_space<hbm>>
    tpu.wait_dma2 semaphore(%arg12 : memref<!tpu.dma_semaphore, #tpu.memory_space<semaphore_mem>>) src(%dma_wait3A_36 : memref<512xi32, #tpu.memory_space<hbm>>) dst(%dma_wait3A_35 : memref<512xi32, #tpu.memory_space<vmem>>)
    %get3A = arith.constant 0 : i32
    %get3A_37 = arith.index_cast %get3A : i32 to index
    %get3A_38 = arith.constant 0 : index
    %get3A_39 = tpu.vector_load %arg7[%get3A_37, %get3A_38] {strides = array<i32>} : memref<2x512xi32, #tpu.memory_space<vmem>>, vector<1x16xi32>,
    %get3A_40 = vector.shape_cast %get3A_39 : vector<1x16xi32> to vector<16xi32>
    %convert_element_type3A = arith.sitofp %get3A_40 : vector<16xi32> to vector<16xf32>
    %mul3A_41 = arith.constant 9.99999974E-5 : f32
    %mul3A_42 = vector.broadcast %mul3A_41 : f32 to vector<16xf32>
    %mul3A_43 = arith.mulf %convert_element_type3A, %mul3A_42 : vector<16xf32>
    %convert_element_type3A_44 = arith.fptosi %mul3A_43 : vector<16xf32> to vector<16xi32>
    %mul3A_45 = arith.constant 10000 : i32
    %mul3A_46 = vector.broadcast %mul3A_45 : i32 to vector<16xi32>
    %mul3A_47 = arith.muli %convert_element_type3A_44, %mul3A_46 : vector<16xi32>
    %sub3A = arith.subi %get3A_40, %mul3A_47 : vector<16xi32>
    %lt3A = arith.constant 0 : i32
    %lt3A_48 = vector.broadcast %lt3A : i32 to vector<16xi32>
    %lt3A_49 = arith.cmpi slt, %sub3A, %lt3A_48 : vector<16xi32>
    %add3A_50 = arith.constant 10000 : i32
    %add3A_51 = vector.broadcast %add3A_50 : i32 to vector<16xi32>
    %add3A_52 = arith.addi %sub3A, %add3A_51 : vector<16xi32>
    %select_n3A = arith.select %lt3A_49, %add3A_52, %sub3A : vector<16xi1>, vector<16xi32>
    %ge3A = arith.constant 10000 : i32
    %ge3A_53 = vector.broadcast %ge3A : i32 to vector<16xi32>
    %ge3A_54 = arith.cmpi sge, %select_n3A, %ge3A_53 : vector<16xi32>
    %sub3A_55 = arith.constant 10000 : i32
    %sub3A_56 = vector.broadcast %sub3A_55 : i32 to vector<16xi32>
    %sub3A_57 = arith.subi %select_n3A, %sub3A_56 : vector<16xi32>
    %select_n3A_58 = arith.select %ge3A_54, %sub3A_57, %select_n3A : vector<16xi1>, vector<16xi32>
    %swap3A = arith.constant 0 : i32
    %swap3A_59 = arith.index_cast %swap3A : i32 to index
    %swap3A_60 = arith.constant 0 : index
    %swap3A_61 = tpu.vector_load %arg8[%swap3A_59, %swap3A_60] {strides = array<i32>} : memref<4x128xi32, #tpu.memory_space<vmem>>, vector<1x16xi32>,
    %swap3A_62 = vector.shape_cast %swap3A_61 : vector<1x16xi32> to vector<16xi32>
    %swap3A_63 = vector.shape_cast %select_n3A_58 : vector<16xi32> to vector<1x16xi32>
    tpu.vector_store %arg8[%swap3A_59, %swap3A_60], %swap3A_63 {strides = array<i32>} : memref<4x128xi32, #tpu.memory_space<vmem>>, vector<1x16xi32>,
    %get3A_64 = arith.constant 1 : i32
    %get3A_65 = arith.index_cast %get3A_64 : i32 to index
    %get3A_66 = arith.constant 0 : index
    %get3A_67 = tpu.vector_load %arg7[%get3A_65, %get3A_66] {strides = array<i32>} : memref<2x512xi32, #tpu.memory_space<vmem>>, vector<1x16xi32>,
    %get3A_68 = vector.shape_cast %get3A_67 : vector<1x16xi32> to vector<16xi32>
    %convert_element_type3A_69 = arith.sitofp %get3A_68 : vector<16xi32> to vector<16xf32>
    %mul3A_70 = arith.constant 9.99999974E-5 : f32
    %mul3A_71 = vector.broadcast %mul3A_70 : f32 to vector<16xf32>
    %mul3A_72 = arith.mulf %convert_element_type3A_69, %mul3A_71 : vector<16xf32>
    %convert_element_type3A_73 = arith.fptosi %mul3A_72 : vector<16xf32> to vector<16xi32>
    %mul3A_74 = arith.constant 10000 : i32
    %mul3A_75 = vector.broadcast %mul3A_74 : i32 to vector<16xi32>
    %mul3A_76 = arith.muli %convert_element_type3A_73, %mul3A_75 : vector<16xi32>
    %sub3A_77 = arith.subi %get3A_68, %mul3A_76 : vector<16xi32>
    %lt3A_78 = arith.constant 0 : i32
    %lt3A_79 = vector.broadcast %lt3A_78 : i32 to vector<16xi32>
    %lt3A_80 = arith.cmpi slt, %sub3A_77, %lt3A_79 : vector<16xi32>
    %add3A_81 = arith.constant 10000 : i32
    %add3A_82 = vector.broadcast %add3A_81 : i32 to vector<16xi32>
    %add3A_83 = arith.addi %sub3A_77, %add3A_82 : vector<16xi32>
    %select_n3A_84 = arith.select %lt3A_80, %add3A_83, %sub3A_77 : vector<16xi1>, vector<16xi32>
    %ge3A_85 = arith.constant 10000 : i32
    %ge3A_86 = vector.broadcast %ge3A_85 : i32 to vector<16xi32>
    %ge3A_87 = arith.cmpi sge, %select_n3A_84, %ge3A_86 : vector<16xi32>
    %sub3A_88 = arith.constant 10000 : i32
    %sub3A_89 = vector.broadcast %sub3A_88 : i32 to vector<16xi32>
    %sub3A_90 = arith.subi %select_n3A_84, %sub3A_89 : vector<16xi32>
    %select_n3A_91 = arith.select %ge3A_87, %sub3A_90, %select_n3A_84 : vector<16xi1>, vector<16xi32>
    %swap3A_92 = arith.constant 0 : i32
    %swap3A_93 = arith.index_cast %swap3A_92 : i32 to index
    %swap3A_94 = arith.constant 0 : index
    %swap3A_95 = tpu.vector_load %arg9[%swap3A_93, %swap3A_94] {strides = array<i32>} : memref<4x128xi32, #tpu.memory_space<vmem>>, vector<1x16xi32>,
    %swap3A_96 = vector.shape_cast %swap3A_95 : vector<1x16xi32> to vector<16xi32>
    %swap3A_97 = vector.shape_cast %select_n3A_91 : vector<16xi32> to vector<1x16xi32>
    tpu.vector_store %arg9[%swap3A_93, %swap3A_94], %swap3A_97 {strides = array<i32>} : memref<4x128xi32, #tpu.memory_space<vmem>>, vector<1x16xi32>,
    %get3A_98 = arith.constant 0 : i32
    %get3A_99 = arith.index_cast %get3A_98 : i32 to index
    %get3A_100 = arith.constant 16 : index
    %get3A_101 = tpu.vector_load %arg7[%get3A_99, %get3A_100] {strides = array<i32>} : memref<2x512xi32, #tpu.memory_space<vmem>>, vector<1x16xi32>,
    %get3A_102 = vector.shape_cast %get3A_101 : vector<1x16xi32> to vector<16xi32>
    %convert_element_type3A_103 = arith.sitofp %get3A_102 : vector<16xi32> to vector<16xf32>
    %mul3A_104 = arith.constant 9.99999974E-5 : f32
    %mul3A_105 = vector.broadcast %mul3A_104 : f32 to vector<16xf32>
    %mul3A_106 = arith.mulf %convert_element_type3A_103, %mul3A_105 : vector<16xf32>
    %convert_element_type3A_107 = arith.fptosi %mul3A_106 : vector<16xf32> to vector<16xi32>
    %mul3A_108 = arith.constant 10000 : i32
    %mul3A_109 = vector.broadcast %mul3A_108 : i32 to vector<16xi32>
    %mul3A_110 = arith.muli %convert_element_type3A_107, %mul3A_109 : vector<16xi32>
    %sub3A_111 = arith.subi %get3A_102, %mul3A_110 : vector<16xi32>
    %lt3A_112 = arith.constant 0 : i32
    %lt3A_113 = vector.broadcast %lt3A_112 : i32 to vector<16xi32>
    %lt3A_114 = arith.cmpi slt, %sub3A_111, %lt3A_113 : vector<16xi32>
    %add3A_115 = arith.constant 10000 : i32
    %add3A_116 = vector.broadcast %add3A_115 : i32 to vector<16xi32>
    %add3A_117 = arith.addi %sub3A_111, %add3A_116 : vector<16xi32>
    %select_n3A_118 = arith.select %lt3A_114, %add3A_117, %sub3A_111 : vector<16xi1>, vector<16xi32>
    %ge3A_119 = arith.constant 10000 : i32
    %ge3A_120 = vector.broadcast %ge3A_119 : i32 to vector<16xi32>
    %ge3A_121 = arith.cmpi sge, %select_n3A_118, %ge3A_120 : vector<16xi32>
    %sub3A_122 = arith.constant 10000 : i32
    %sub3A_123 = vector.broadcast %sub3A_122 : i32 to vector<16xi32>
    %sub3A_124 = arith.subi %select_n3A_118, %sub3A_123 : vector<16xi32>
    %select_n3A_125 = arith.select %ge3A_121, %sub3A_124, %select_n3A_118 : vector<16xi1>, vector<16xi32>
    %swap3A_126 = arith.constant 0 : i32
    %swap3A_127 = arith.index_cast %swap3A_126 : i32 to index
    %swap3A_128 = arith.constant 16 : index
    %swap3A_129 = tpu.vector_load %arg8[%swap3A_127, %swap3A_128] {strides = array<i32>} : memref<4x128xi32, #tpu.memory_space<vmem>>, vector<1x16xi32>,
    %swap3A_130 = vector.shape_cast %swap3A_129 : vector<1x16xi32> to vector<16xi32>
    %swap3A_131 = vector.shape_cast %select_n3A_125 : vector<16xi32> to vector<1x16xi32>
    tpu.vector_store %arg8[%swap3A_127, %swap3A_128], %swap3A_131 {strides = array<i32>} : memref<4x128xi32, #tpu.memory_space<vmem>>, vector<1x16xi32>,
    %get3A_132 = arith.constant 1 : i32
    %get3A_133 = arith.index_cast %get3A_132 : i32 to index
    %get3A_134 = arith.constant 16 : index
    %get3A_135 = tpu.vector_load %arg7[%get3A_133, %get3A_134] {strides = array<i32>} : memref<2x512xi32, #tpu.memory_space<vmem>>, vector<1x16xi32>,
    %get3A_136 = vector.shape_cast %get3A_135 : vector<1x16xi32> to vector<16xi32>
    %convert_element_type3A_137 = arith.sitofp %get3A_136 : vector<16xi32> to vector<16xf32>
    %mul3A_138 = arith.constant 9.99999974E-5 : f32
    %mul3A_139 = vector.broadcast %mul3A_138 : f32 to vector<16xf32>
    %mul3A_140 = arith.mulf %convert_element_type3A_137, %mul3A_139 : vector<16xf32>
    %convert_element_type3A_141 = arith.fptosi %mul3A_140 : vector<16xf32> to vector<16xi32>
    %mul3A_142 = arith.constant 10000 : i32
    %mul3A_143 = vector.broadcast %mul3A_142 : i32 to vector<16xi32>
    %mul3A_144 = arith.muli %convert_element_type3A_141, %mul3A_143 : vector<16xi32>
    %sub3A_145 = arith.subi %get3A_136, %mul3A_144 : vector<16xi32>
    %lt3A_146 = arith.constant 0 : i32
    %lt3A_147 = vector.broadcast %lt3A_146 : i32 to vector<16xi32>
    %lt3A_148 = arith.cmpi slt, %sub3A_145, %lt3A_147 : vector<16xi32>
    %add3A_149 = arith.constant 10000 : i32
    %add3A_150 = vector.broadcast %add3A_149 : i32 to vector<16xi32>
    %add3A_151 = arith.addi %sub3A_145, %add3A_150 : vector<16xi32>
    %select_n3A_152 = arith.select %lt3A_148, %add3A_151, %sub3A_145 : vector<16xi1>, vector<16xi32>
    %ge3A_153 = arith.constant 10000 : i32
    %ge3A_154 = vector.broadcast %ge3A_153 : i32 to vector<16xi32>
    %ge3A_155 = arith.cmpi sge, %select_n3A_152, %ge3A_154 : vector<16xi32>
    %sub3A_156 = arith.constant 10000 : i32
    %sub3A_157 = vector.broadcast %sub3A_156 : i32 to vector<16xi32>
    %sub3A_158 = arith.subi %select_n3A_152, %sub3A_157 : vector<16xi32>
    %select_n3A_159 = arith.select %ge3A_155, %sub3A_158, %select_n3A_152 : vector<16xi1>, vector<16xi32>
    %swap3A_160 = arith.constant 0 : i32
    %swap3A_161 = arith.index_cast %swap3A_160 : i32 to index
    %swap3A_162 = arith.constant 16 : index
    %swap3A_163 = tpu.vector_load %arg9[%swap3A_161, %swap3A_162] {strides = array<i32>} : memref<4x128xi32, #tpu.memory_space<vmem>>, vector<1x16xi32>,
    %swap3A_164 = vector.shape_cast %swap3A_163 : vector<1x16xi32> to vector<16xi32>
    %swap3A_165 = vector.shape_cast %select_n3A_159 : vector<16xi32> to vector<1x16xi32>
    tpu.vector_store %arg9[%swap3A_161, %swap3A_162], %swap3A_165 {strides = array<i32>} : memref<4x128xi32, #tpu.memory_space<vmem>>, vector<1x16xi32>,
    %get3A_166 = arith.constant 0 : i32
    %get3A_167 = arith.index_cast %get3A_166 : i32 to index
    %get3A_168 = arith.constant 32 : index
    %get3A_169 = tpu.vector_load %arg7[%get3A_167, %get3A_168] {strides = array<i32>} : memref<2x512xi32, #tpu.memory_space<vmem>>, vector<1x16xi32>,
    %get3A_170 = vector.shape_cast %get3A_169 : vector<1x16xi32> to vector<16xi32>
    %convert_element_type3A_171 = arith.sitofp %get3A_170 : vector<16xi32> to vector<16xf32>
    %mul3A_172 = arith.constant 9.99999974E-5 : f32
    %mul3A_173 = vector.broadcast %mul3A_172 : f32 to vector<16xf32>
    %mul3A_174 = arith.mulf %convert_element_type3A_171, %mul3A_173 : vector<16xf32>
    %convert_element_type3A_175 = arith.fptosi %mul3A_174 : vector<16xf32> to vector<16xi32>
    %mul3A_176 = arith.constant 10000 : i32
    %mul3A_177 = vector.broadcast %mul3A_176 : i32 to vector<16xi32>
    %mul3A_178 = arith.muli %convert_element_type3A_175, %mul3A_177 : vector<16xi32>
    %sub3A_179 = arith.subi %get3A_170, %mul3A_178 : vector<16xi32>
    %lt3A_180 = arith.constant 0 : i32
    %lt3A_181 = vector.broadcast %lt3A_180 : i32 to vector<16xi32>
    %lt3A_182 = arith.cmpi slt, %sub3A_179, %lt3A_181 : vector<16xi32>
    %add3A_183 = arith.constant 10000 : i32
    %add3A_184 = vector.broadcast %add3A_183 : i32 to vector<16xi32>
    %add3A_185 = arith.addi %sub3A_179, %add3A_184 : vector<16xi32>
    %select_n3A_186 = arith.select %lt3A_182, %add3A_185, %sub3A_179 : vector<16xi1>, vector<16xi32>
    %ge3A_187 = arith.constant 10000 : i32
    %ge3A_188 = vector.broadcast %ge3A_187 : i32 to vector<16xi32>
    %ge3A_189 = arith.cmpi sge, %select_n3A_186, %ge3A_188 : vector<16xi32>
    %sub3A_190 = arith.constant 10000 : i32
    %sub3A_191 = vector.broadcast %sub3A_190 : i32 to vector<16xi32>
    %sub3A_192 = arith.subi %select_n3A_186, %sub3A_191 : vector<16xi32>
    %select_n3A_193 = arith.select %ge3A_189, %sub3A_192, %select_n3A_186 : vector<16xi1>, vector<16xi32>
    %swap3A_194 = arith.constant 0 : i32
    %swap3A_195 = arith.index_cast %swap3A_194 : i32 to index
    %swap3A_196 = arith.constant 32 : index
    %swap3A_197 = tpu.vector_load %arg8[%swap3A_195, %swap3A_196] {strides = array<i32>} : memref<4x128xi32, #tpu.memory_space<vmem>>, vector<1x16xi32>,
    %swap3A_198 = vector.shape_cast %swap3A_197 : vector<1x16xi32> to vector<16xi32>
    %swap3A_199 = vector.shape_cast %select_n3A_193 : vector<16xi32> to vector<1x16xi32>
    tpu.vector_store %arg8[%swap3A_195, %swap3A_196], %swap3A_199 {strides = array<i32>} : memref<4x128xi32, #tpu.memory_space<vmem>>, vector<1x16xi32>,
    %get3A_200 = arith.constant 1 : i32
    %get3A_201 = arith.index_cast %get3A_200 : i32 to index
    %get3A_202 = arith.constant 32 : index
    %get3A_203 = tpu.vector_load %arg7[%get3A_201, %get3A_202] {strides = array<i32>} : memref<2x512xi32, #tpu.memory_space<vmem>>, vector<1x16xi32>,
    %get3A_204 = vector.shape_cast %get3A_203 : vector<1x16xi32> to vector<16xi32>
    %convert_element_type3A_205 = arith.sitofp %get3A_204 : vector<16xi32> to vector<16xf32>
    %mul3A_206 = arith.constant 9.99999974E-5 : f32
    %mul3A_207 = vector.broadcast %mul3A_206 : f32 to vector<16xf32>
    %mul3A_208 = arith.mulf %convert_element_type3A_205, %mul3A_207 : vector<16xf32>
    %convert_element_type3A_209 = arith.fptosi %mul3A_208 : vector<16xf32> to vector<16xi32>
    %mul3A_210 = arith.constant 10000 : i32
    %mul3A_211 = vector.broadcast %mul3A_210 : i32 to vector<16xi32>
    %mul3A_212 = arith.muli %convert_element_type3A_209, %mul3A_211 : vector<16xi32>
    %sub3A_213 = arith.subi %get3A_204, %mul3A_212 : vector<16xi32>
    %lt3A_214 = arith.constant 0 : i32
    %lt3A_215 = vector.broadcast %lt3A_214 : i32 to vector<16xi32>
    %lt3A_216 = arith.cmpi slt, %sub3A_213, %lt3A_215 : vector<16xi32>
    %add3A_217 = arith.constant 10000 : i32
    %add3A_218 = vector.broadcast %add3A_217 : i32 to vector<16xi32>
    %add3A_219 = arith.addi %sub3A_213, %add3A_218 : vector<16xi32>
    %select_n3A_220 = arith.select %lt3A_216, %add3A_219, %sub3A_213 : vector<16xi1>, vector<16xi32>
    %ge3A_221 = arith.constant 10000 : i32
    %ge3A_222 = vector.broadcast %ge3A_221 : i32 to vector<16xi32>
    %ge3A_223 = arith.cmpi sge, %select_n3A_220, %ge3A_222 : vector<16xi32>
    %sub3A_224 = arith.constant 10000 : i32
    %sub3A_225 = vector.broadcast %sub3A_224 : i32 to vector<16xi32>
    %sub3A_226 = arith.subi %select_n3A_220, %sub3A_225 : vector<16xi32>
    %select_n3A_227 = arith.select %ge3A_223, %sub3A_226, %select_n3A_220 : vector<16xi1>, vector<16xi32>
    %swap3A_228 = arith.constant 0 : i32
    %swap3A_229 = arith.index_cast %swap3A_228 : i32 to index
    %swap3A_230 = arith.constant 32 : index
    %swap3A_231 = tpu.vector_load %arg9[%swap3A_229, %swap3A_230] {strides = array<i32>} : memref<4x128xi32, #tpu.memory_space<vmem>>, vector<1x16xi32>,
    %swap3A_232 = vector.shape_cast %swap3A_231 : vector<1x16xi32> to vector<16xi32>
    %swap3A_233 = vector.shape_cast %select_n3A_227 : vector<16xi32> to vector<1x16xi32>
    tpu.vector_store %arg9[%swap3A_229, %swap3A_230], %swap3A_233 {strides = array<i32>} : memref<4x128xi32, #tpu.memory_space<vmem>>, vector<1x16xi32>,
    %get3A_234 = arith.constant 0 : i32
    %get3A_235 = arith.index_cast %get3A_234 : i32 to index
    %get3A_236 = arith.constant 48 : index
    %get3A_237 = tpu.vector_load %arg7[%get3A_235, %get3A_236] {strides = array<i32>} : memref<2x512xi32, #tpu.memory_space<vmem>>, vector<1x16xi32>,
    %get3A_238 = vector.shape_cast %get3A_237 : vector<1x16xi32> to vector<16xi32>
    %convert_element_type3A_239 = arith.sitofp %get3A_238 : vector<16xi32> to vector<16xf32>
    %mul3A_240 = arith.constant 9.99999974E-5 : f32
    %mul3A_241 = vector.broadcast %mul3A_240 : f32 to vector<16xf32>
    %mul3A_242 = arith.mulf %convert_element_type3A_239, %mul3A_241 : vector<16xf32>
    %convert_element_type3A_243 = arith.fptosi %mul3A_242 : vector<16xf32> to vector<16xi32>
    %mul3A_244 = arith.constant 10000 : i32
    %mul3A_245 = vector.broadcast %mul3A_244 : i32 to vector<16xi32>
    %mul3A_246 = arith.muli %convert_element_type3A_243, %mul3A_245 : vector<16xi32>
    %sub3A_247 = arith.subi %get3A_238, %mul3A_246 : vector<16xi32>
    %lt3A_248 = arith.constant 0 : i32
    %lt3A_249 = vector.broadcast %lt3A_248 : i32 to vector<16xi32>
    %lt3A_250 = arith.cmpi slt, %sub3A_247, %lt3A_249 : vector<16xi32>
    %add3A_251 = arith.constant 10000 : i32
    %add3A_252 = vector.broadcast %add3A_251 : i32 to vector<16xi32>
    %add3A_253 = arith.addi %sub3A_247, %add3A_252 : vector<16xi32>
    %select_n3A_254 = arith.select %lt3A_250, %add3A_253, %sub3A_247 : vector<16xi1>, vector<16xi32>
    %ge3A_255 = arith.constant 10000 : i32
    %ge3A_256 = vector.broadcast %ge3A_255 : i32 to vector<16xi32>
    %ge3A_257 = arith.cmpi sge, %select_n3A_254, %ge3A_256 : vector<16xi32>
    %sub3A_258 = arith.constant 10000 : i32
    %sub3A_259 = vector.broadcast %sub3A_258 : i32 to vector<16xi32>
    %sub3A_260 = arith.subi %select_n3A_254, %sub3A_259 : vector<16xi32>
    %select_n3A_261 = arith.select %ge3A_257, %sub3A_260, %select_n3A_254 : vector<16xi1>, vector<16xi32>
    %swap3A_262 = arith.constant 0 : i32
    %swap3A_263 = arith.index_cast %swap3A_262 : i32 to index
    %swap3A_264 = arith.constant 48 : index
    %swap3A_265 = tpu.vector_load %arg8[%swap3A_263, %swap3A_264] {strides = array<i32>} : memref<4x128xi32, #tpu.memory_space<vmem>>, vector<1x16xi32>,
    %swap3A_266 = vector.shape_cast %swap3A_265 : vector<1x16xi32> to vector<16xi32>
    %swap3A_267 = vector.shape_cast %select_n3A_261 : vector<16xi32> to vector<1x16xi32>
    tpu.vector_store %arg8[%swap3A_263, %swap3A_264], %swap3A_267 {strides = array<i32>} : memref<4x128xi32, #tpu.memory_space<vmem>>, vector<1x16xi32>,
    %get3A_268 = arith.constant 1 : i32
    %get3A_269 = arith.index_cast %get3A_268 : i32 to index
    %get3A_270 = arith.constant 48 : index
    %get3A_271 = tpu.vector_load %arg7[%get3A_269, %get3A_270] {strides = array<i32>} : memref<2x512xi32, #tpu.memory_space<vmem>>, vector<1x16xi32>,
    %get3A_272 = vector.shape_cast %get3A_271 : vector<1x16xi32> to vector<16xi32>
    %convert_element_type3A_273 = arith.sitofp %get3A_272 : vector<16xi32> to vector<16xf32>
    %mul3A_274 = arith.constant 9.99999974E-5 : f32
    %mul3A_275 = vector.broadcast %mul3A_274 : f32 to vector<16xf32>
    %mul3A_276 = arith.mulf %convert_element_type3A_273, %mul3A_275 : vector<16xf32>
    %convert_element_type3A_277 = arith.fptosi %mul3A_276 : vector<16xf32> to vector<16xi32>
    %mul3A_278 = arith.constant 10000 : i32
    %mul3A_279 = vector.broadcast %mul3A_278 : i32 to vector<16xi32>
    %mul3A_280 = arith.muli %convert_element_type3A_277, %mul3A_279 : vector<16xi32>
    %sub3A_281 = arith.subi %get3A_272, %mul3A_280 : vector<16xi32>
    %lt3A_282 = arith.constant 0 : i32
    %lt3A_283 = vector.broadcast %lt3A_282 : i32 to vector<16xi32>
    %lt3A_284 = arith.cmpi slt, %sub3A_281, %lt3A_283 : vector<16xi32>
    %add3A_285 = arith.constant 10000 : i32
    %add3A_286 = vector.broadcast %add3A_285 : i32 to vector<16xi32>
    %add3A_287 = arith.addi %sub3A_281, %add3A_286 : vector<16xi32>
    %select_n3A_288 = arith.select %lt3A_284, %add3A_287, %sub3A_281 : vector<16xi1>, vector<16xi32>
    %ge3A_289 = arith.constant 10000 : i32
    %ge3A_290 = vector.broadcast %ge3A_289 : i32 to vector<16xi32>
    %ge3A_291 = arith.cmpi sge, %select_n3A_288, %ge3A_290 : vector<16xi32>
    %sub3A_292 = arith.constant 10000 : i32
    %sub3A_293 = vector.broadcast %sub3A_292 : i32 to vector<16xi32>
    %sub3A_294 = arith.subi %select_n3A_288, %sub3A_293 : vector<16xi32>
    %select_n3A_295 = arith.select %ge3A_291, %sub3A_294, %select_n3A_288 : vector<16xi1>, vector<16xi32>
    %swap3A_296 = arith.constant 0 : i32
    %swap3A_297 = arith.index_cast %swap3A_296 : i32 to index
    %swap3A_298 = arith.constant 48 : index
    %swap3A_299 = tpu.vector_load %arg9[%swap3A_297, %swap3A_298] {strides = array<i32>} : memref<4x128xi32, #tpu.memory_space<vmem>>, vector<1x16xi32>,
    %swap3A_300 = vector.shape_cast %swap3A_299 : vector<1x16xi32> to vector<16xi32>
    %swap3A_301 = vector.shape_cast %select_n3A_295 : vector<16xi32> to vector<1x16xi32>
    tpu.vector_store %arg9[%swap3A_297, %swap3A_298], %swap3A_301 {strides = array<i32>} : memref<4x128xi32, #tpu.memory_space<vmem>>, vector<1x16xi32>,
    %get3A_302 = arith.constant 0 : i32
    %get3A_303 = arith.index_cast %get3A_302 : i32 to index
    %get3A_304 = arith.constant 64 : index
    %get3A_305 = tpu.vector_load %arg7[%get3A_303, %get3A_304] {strides = array<i32>} : memref<2x512xi32, #tpu.memory_space<vmem>>, vector<1x16xi32>,
    %get3A_306 = vector.shape_cast %get3A_305 : vector<1x16xi32> to vector<16xi32>
    %convert_element_type3A_307 = arith.sitofp %get3A_306 : vector<16xi32> to vector<16xf32>
    %mul3A_308 = arith.constant 9.99999974E-5 : f32
    %mul3A_309 = vector.broadcast %mul3A_308 : f32 to vector<16xf32>
    %mul3A_310 = arith.mulf %convert_element_type3A_307, %mul3A_309 : vector<16xf32>
    %convert_element_type3A_311 = arith.fptosi %mul3A_310 : vector<16xf32> to vector<16xi32>
    %mul3A_312 = arith.constant 10000 : i32
    %mul3A_313 = vector.broadcast %mul3A_312 : i32 to vector<16xi32>
    %mul3A_314 = arith.muli %convert_element_type3A_311, %mul3A_313 : vector<16xi32>
    %sub3A_315 = arith.subi %get3A_306, %mul3A_314 : vector<16xi32>
    %lt3A_316 = arith.constant 0 : i32
    %lt3A_317 = vector.broadcast %lt3A_316 : i32 to vector<16xi32>
    %lt3A_318 = arith.cmpi slt, %sub3A_315, %lt3A_317 : vector<16xi32>
    %add3A_319 = arith.constant 10000 : i32
    %add3A_320 = vector.broadcast %add3A_319 : i32 to vector<16xi32>
    %add3A_321 = arith.addi %sub3A_315, %add3A_320 : vector<16xi32>
    %select_n3A_322 = arith.select %lt3A_318, %add3A_321, %sub3A_315 : vector<16xi1>, vector<16xi32>
    %ge3A_323 = arith.constant 10000 : i32
    %ge3A_324 = vector.broadcast %ge3A_323 : i32 to vector<16xi32>
    %ge3A_325 = arith.cmpi sge, %select_n3A_322, %ge3A_324 : vector<16xi32>
    %sub3A_326 = arith.constant 10000 : i32
    %sub3A_327 = vector.broadcast %sub3A_326 : i32 to vector<16xi32>
    %sub3A_328 = arith.subi %select_n3A_322, %sub3A_327 : vector<16xi32>
    %select_n3A_329 = arith.select %ge3A_325, %sub3A_328, %select_n3A_322 : vector<16xi1>, vector<16xi32>
    %swap3A_330 = arith.constant 0 : i32
    %swap3A_331 = arith.index_cast %swap3A_330 : i32 to index
    %swap3A_332 = arith.constant 64 : index
    %swap3A_333 = tpu.vector_load %arg8[%swap3A_331, %swap3A_332] {strides = array<i32>} : memref<4x128xi32, #tpu.memory_space<vmem>>, vector<1x16xi32>,
    %swap3A_334 = vector.shape_cast %swap3A_333 : vector<1x16xi32> to vector<16xi32>
    %swap3A_335 = vector.shape_cast %select_n3A_329 : vector<16xi32> to vector<1x16xi32>
    tpu.vector_store %arg8[%swap3A_331, %swap3A_332], %swap3A_335 {strides = array<i32>} : memref<4x128xi32, #tpu.memory_space<vmem>>, vector<1x16xi32>,
    %get3A_336 = arith.constant 1 : i32
    %get3A_337 = arith.index_cast %get3A_336 : i32 to index
    %get3A_338 = arith.constant 64 : index
    %get3A_339 = tpu.vector_load %arg7[%get3A_337, %get3A_338] {strides = array<i32>} : memref<2x512xi32, #tpu.memory_space<vmem>>, vector<1x16xi32>,
    %get3A_340 = vector.shape_cast %get3A_339 : vector<1x16xi32> to vector<16xi32>
    %convert_element_type3A_341 = arith.sitofp %get3A_340 : vector<16xi32> to vector<16xf32>
    %mul3A_342 = arith.constant 9.99999974E-5 : f32
    %mul3A_343 = vector.broadcast %mul3A_342 : f32 to vector<16xf32>
    %mul3A_344 = arith.mulf %convert_element_type3A_341, %mul3A_343 : vector<16xf32>
    %convert_element_type3A_345 = arith.fptosi %mul3A_344 : vector<16xf32> to vector<16xi32>
    %mul3A_346 = arith.constant 10000 : i32
    %mul3A_347 = vector.broadcast %mul3A_346 : i32 to vector<16xi32>
    %mul3A_348 = arith.muli %convert_element_type3A_345, %mul3A_347 : vector<16xi32>
    %sub3A_349 = arith.subi %get3A_340, %mul3A_348 : vector<16xi32>
    %lt3A_350 = arith.constant 0 : i32
    %lt3A_351 = vector.broadcast %lt3A_350 : i32 to vector<16xi32>
    %lt3A_352 = arith.cmpi slt, %sub3A_349, %lt3A_351 : vector<16xi32>
    %add3A_353 = arith.constant 10000 : i32
    %add3A_354 = vector.broadcast %add3A_353 : i32 to vector<16xi32>
    %add3A_355 = arith.addi %sub3A_349, %add3A_354 : vector<16xi32>
    %select_n3A_356 = arith.select %lt3A_352, %add3A_355, %sub3A_349 : vector<16xi1>, vector<16xi32>
    %ge3A_357 = arith.constant 10000 : i32
    %ge3A_358 = vector.broadcast %ge3A_357 : i32 to vector<16xi32>
    %ge3A_359 = arith.cmpi sge, %select_n3A_356, %ge3A_358 : vector<16xi32>
    %sub3A_360 = arith.constant 10000 : i32
    %sub3A_361 = vector.broadcast %sub3A_360 : i32 to vector<16xi32>
    %sub3A_362 = arith.subi %select_n3A_356, %sub3A_361 : vector<16xi32>
    %select_n3A_363 = arith.select %ge3A_359, %sub3A_362, %select_n3A_356 : vector<16xi1>, vector<16xi32>
    %swap3A_364 = arith.constant 0 : i32
    %swap3A_365 = arith.index_cast %swap3A_364 : i32 to index
    %swap3A_366 = arith.constant 64 : index
    %swap3A_367 = tpu.vector_load %arg9[%swap3A_365, %swap3A_366] {strides = array<i32>} : memref<4x128xi32, #tpu.memory_space<vmem>>, vector<1x16xi32>,
    %swap3A_368 = vector.shape_cast %swap3A_367 : vector<1x16xi32> to vector<16xi32>
    %swap3A_369 = vector.shape_cast %select_n3A_363 : vector<16xi32> to vector<1x16xi32>
    tpu.vector_store %arg9[%swap3A_365, %swap3A_366], %swap3A_369 {strides = array<i32>} : memref<4x128xi32, #tpu.memory_space<vmem>>, vector<1x16xi32>,
    %get3A_370 = arith.constant 0 : i32
    %get3A_371 = arith.index_cast %get3A_370 : i32 to index
    %get3A_372 = arith.constant 80 : index
    %get3A_373 = tpu.vector_load %arg7[%get3A_371, %get3A_372] {strides = array<i32>} : memref<2x512xi32, #tpu.memory_space<vmem>>, vector<1x16xi32>,
    %get3A_374 = vector.shape_cast %get3A_373 : vector<1x16xi32> to vector<16xi32>
    %convert_element_type3A_375 = arith.sitofp %get3A_374 : vector<16xi32> to vector<16xf32>
    %mul3A_376 = arith.constant 9.99999974E-5 : f32
    %mul3A_377 = vector.broadcast %mul3A_376 : f32 to vector<16xf32>
    %mul3A_378 = arith.mulf %convert_element_type3A_375, %mul3A_377 : vector<16xf32>
    %convert_element_type3A_379 = arith.fptosi %mul3A_378 : vector<16xf32> to vector<16xi32>
    %mul3A_380 = arith.constant 10000 : i32
    %mul3A_381 = vector.broadcast %mul3A_380 : i32 to vector<16xi32>
    %mul3A_382 = arith.muli %convert_element_type3A_379, %mul3A_381 : vector<16xi32>
    %sub3A_383 = arith.subi %get3A_374, %mul3A_382 : vector<16xi32>
    %lt3A_384 = arith.constant 0 : i32
    %lt3A_385 = vector.broadcast %lt3A_384 : i32 to vector<16xi32>
    %lt3A_386 = arith.cmpi slt, %sub3A_383, %lt3A_385 : vector<16xi32>
    %add3A_387 = arith.constant 10000 : i32
    %add3A_388 = vector.broadcast %add3A_387 : i32 to vector<16xi32>
    %add3A_389 = arith.addi %sub3A_383, %add3A_388 : vector<16xi32>
    %select_n3A_390 = arith.select %lt3A_386, %add3A_389, %sub3A_383 : vector<16xi1>, vector<16xi32>
    %ge3A_391 = arith.constant 10000 : i32
    %ge3A_392 = vector.broadcast %ge3A_391 : i32 to vector<16xi32>
    %ge3A_393 = arith.cmpi sge, %select_n3A_390, %ge3A_392 : vector<16xi32>
    %sub3A_394 = arith.constant 10000 : i32
    %sub3A_395 = vector.broadcast %sub3A_394 : i32 to vector<16xi32>
    %sub3A_396 = arith.subi %select_n3A_390, %sub3A_395 : vector<16xi32>
    %select_n3A_397 = arith.select %ge3A_393, %sub3A_396, %select_n3A_390 : vector<16xi1>, vector<16xi32>
    %swap3A_398 = arith.constant 0 : i32
    %swap3A_399 = arith.index_cast %swap3A_398 : i32 to index
    %swap3A_400 = arith.constant 80 : index
    %swap3A_401 = tpu.vector_load %arg8[%swap3A_399, %swap3A_400] {strides = array<i32>} : memref<4x128xi32, #tpu.memory_space<vmem>>, vector<1x16xi32>,
    %swap3A_402 = vector.shape_cast %swap3A_401 : vector<1x16xi32> to vector<16xi32>
    %swap3A_403 = vector.shape_cast %select_n3A_397 : vector<16xi32> to vector<1x16xi32>
    tpu.vector_store %arg8[%swap3A_399, %swap3A_400], %swap3A_403 {strides = array<i32>} : memref<4x128xi32, #tpu.memory_space<vmem>>, vector<1x16xi32>,
    %get3A_404 = arith.constant 1 : i32
    %get3A_405 = arith.index_cast %get3A_404 : i32 to index
    %get3A_406 = arith.constant 80 : index
    %get3A_407 = tpu.vector_load %arg7[%get3A_405, %get3A_406] {strides = array<i32>} : memref<2x512xi32, #tpu.memory_space<vmem>>, vector<1x16xi32>,
    %get3A_408 = vector.shape_cast %get3A_407 : vector<1x16xi32> to vector<16xi32>
    %convert_element_type3A_409 = arith.sitofp %get3A_408 : vector<16xi32> to vector<16xf32>
    %mul3A_410 = arith.constant 9.99999974E-5 : f32
    %mul3A_411 = vector.broadcast %mul3A_410 : f32 to vector<16xf32>
    %mul3A_412 = arith.mulf %convert_element_type3A_409, %mul3A_411 : vector<16xf32>
    %convert_element_type3A_413 = arith.fptosi %mul3A_412 : vector<16xf32> to vector<16xi32>
    %mul3A_414 = arith.constant 10000 : i32
    %mul3A_415 = vector.broadcast %mul3A_414 : i32 to vector<16xi32>
    %mul3A_416 = arith.muli %convert_element_type3A_413, %mul3A_415 : vector<16xi32>
    %sub3A_417 = arith.subi %get3A_408, %mul3A_416 : vector<16xi32>
    %lt3A_418 = arith.constant 0 : i32
    %lt3A_419 = vector.broadcast %lt3A_418 : i32 to vector<16xi32>
    %lt3A_420 = arith.cmpi slt, %sub3A_417, %lt3A_419 : vector<16xi32>
    %add3A_421 = arith.constant 10000 : i32
    %add3A_422 = vector.broadcast %add3A_421 : i32 to vector<16xi32>
    %add3A_423 = arith.addi %sub3A_417, %add3A_422 : vector<16xi32>
    %select_n3A_424 = arith.select %lt3A_420, %add3A_423, %sub3A_417 : vector<16xi1>, vector<16xi32>
    %ge3A_425 = arith.constant 10000 : i32
    %ge3A_426 = vector.broadcast %ge3A_425 : i32 to vector<16xi32>
    %ge3A_427 = arith.cmpi sge, %select_n3A_424, %ge3A_426 : vector<16xi32>
    %sub3A_428 = arith.constant 10000 : i32
    %sub3A_429 = vector.broadcast %sub3A_428 : i32 to vector<16xi32>
    %sub3A_430 = arith.subi %select_n3A_424, %sub3A_429 : vector<16xi32>
    %select_n3A_431 = arith.select %ge3A_427, %sub3A_430, %select_n3A_424 : vector<16xi1>, vector<16xi32>
    %swap3A_432 = arith.constant 0 : i32
    %swap3A_433 = arith.index_cast %swap3A_432 : i32 to index
    %swap3A_434 = arith.constant 80 : index
    %swap3A_435 = tpu.vector_load %arg9[%swap3A_433, %swap3A_434] {strides = array<i32>} : memref<4x128xi32, #tpu.memory_space<vmem>>, vector<1x16xi32>,
    %swap3A_436 = vector.shape_cast %swap3A_435 : vector<1x16xi32> to vector<16xi32>
    %swap3A_437 = vector.shape_cast %select_n3A_431 : vector<16xi32> to vector<1x16xi32>
    tpu.vector_store %arg9[%swap3A_433, %swap3A_434], %swap3A_437 {strides = array<i32>} : memref<4x128xi32, #tpu.memory_space<vmem>>, vector<1x16xi32>,
    %get3A_438 = arith.constant 0 : i32
    %get3A_439 = arith.index_cast %get3A_438 : i32 to index
    %get3A_440 = arith.constant 96 : index
    %get3A_441 = tpu.vector_load %arg7[%get3A_439, %get3A_440] {strides = array<i32>} : memref<2x512xi32, #tpu.memory_space<vmem>>, vector<1x16xi32>,
    %get3A_442 = vector.shape_cast %get3A_441 : vector<1x16xi32> to vector<16xi32>
    %convert_element_type3A_443 = arith.sitofp %get3A_442 : vector<16xi32> to vector<16xf32>
    %mul3A_444 = arith.constant 9.99999974E-5 : f32
    %mul3A_445 = vector.broadcast %mul3A_444 : f32 to vector<16xf32>
    %mul3A_446 = arith.mulf %convert_element_type3A_443, %mul3A_445 : vector<16xf32>
    %convert_element_type3A_447 = arith.fptosi %mul3A_446 : vector<16xf32> to vector<16xi32>
    %mul3A_448 = arith.constant 10000 : i32
    %mul3A_449 = vector.broadcast %mul3A_448 : i32 to vector<16xi32>
    %mul3A_450 = arith.muli %convert_element_type3A_447, %mul3A_449 : vector<16xi32>
    %sub3A_451 = arith.subi %get3A_442, %mul3A_450 : vector<16xi32>
    %lt3A_452 = arith.constant 0 : i32
    %lt3A_453 = vector.broadcast %lt3A_452 : i32 to vector<16xi32>
    %lt3A_454 = arith.cmpi slt, %sub3A_451, %lt3A_453 : vector<16xi32>
    %add3A_455 = arith.constant 10000 : i32
    %add3A_456 = vector.broadcast %add3A_455 : i32 to vector<16xi32>
    %add3A_457 = arith.addi %sub3A_451, %add3A_456 : vector<16xi32>
    %select_n3A_458 = arith.select %lt3A_454, %add3A_457, %sub3A_451 : vector<16xi1>, vector<16xi32>
    %ge3A_459 = arith.constant 10000 : i32
    %ge3A_460 = vector.broadcast %ge3A_459 : i32 to vector<16xi32>
    %ge3A_461 = arith.cmpi sge, %select_n3A_458, %ge3A_460 : vector<16xi32>
    %sub3A_462 = arith.constant 10000 : i32
    %sub3A_463 = vector.broadcast %sub3A_462 : i32 to vector<16xi32>
    %sub3A_464 = arith.subi %select_n3A_458, %sub3A_463 : vector<16xi32>
    %select_n3A_465 = arith.select %ge3A_461, %sub3A_464, %select_n3A_458 : vector<16xi1>, vector<16xi32>
    %swap3A_466 = arith.constant 0 : i32
    %swap3A_467 = arith.index_cast %swap3A_466 : i32 to index
    %swap3A_468 = arith.constant 96 : index
    %swap3A_469 = tpu.vector_load %arg8[%swap3A_467, %swap3A_468] {strides = array<i32>} : memref<4x128xi32, #tpu.memory_space<vmem>>, vector<1x16xi32>,
    %swap3A_470 = vector.shape_cast %swap3A_469 : vector<1x16xi32> to vector<16xi32>
    %swap3A_471 = vector.shape_cast %select_n3A_465 : vector<16xi32> to vector<1x16xi32>
    tpu.vector_store %arg8[%swap3A_467, %swap3A_468], %swap3A_471 {strides = array<i32>} : memref<4x128xi32, #tpu.memory_space<vmem>>, vector<1x16xi32>,
    %get3A_472 = arith.constant 1 : i32
    %get3A_473 = arith.index_cast %get3A_472 : i32 to index
    %get3A_474 = arith.constant 96 : index
    %get3A_475 = tpu.vector_load %arg7[%get3A_473, %get3A_474] {strides = array<i32>} : memref<2x512xi32, #tpu.memory_space<vmem>>, vector<1x16xi32>,
    %get3A_476 = vector.shape_cast %get3A_475 : vector<1x16xi32> to vector<16xi32>
    %convert_element_type3A_477 = arith.sitofp %get3A_476 : vector<16xi32> to vector<16xf32>
    %mul3A_478 = arith.constant 9.99999974E-5 : f32
    %mul3A_479 = vector.broadcast %mul3A_478 : f32 to vector<16xf32>
    %mul3A_480 = arith.mulf %convert_element_type3A_477, %mul3A_479 : vector<16xf32>
    %convert_element_type3A_481 = arith.fptosi %mul3A_480 : vector<16xf32> to vector<16xi32>
    %mul3A_482 = arith.constant 10000 : i32
    %mul3A_483 = vector.broadcast %mul3A_482 : i32 to vector<16xi32>
    %mul3A_484 = arith.muli %convert_element_type3A_481, %mul3A_483 : vector<16xi32>
    %sub3A_485 = arith.subi %get3A_476, %mul3A_484 : vector<16xi32>
    %lt3A_486 = arith.constant 0 : i32
    %lt3A_487 = vector.broadcast %lt3A_486 : i32 to vector<16xi32>
    %lt3A_488 = arith.cmpi slt, %sub3A_485, %lt3A_487 : vector<16xi32>
    %add3A_489 = arith.constant 10000 : i32
    %add3A_490 = vector.broadcast %add3A_489 : i32 to vector<16xi32>
    %add3A_491 = arith.addi %sub3A_485, %add3A_490 : vector<16xi32>
    %select_n3A_492 = arith.select %lt3A_488, %add3A_491, %sub3A_485 : vector<16xi1>, vector<16xi32>
    %ge3A_493 = arith.constant 10000 : i32
    %ge3A_494 = vector.broadcast %ge3A_493 : i32 to vector<16xi32>
    %ge3A_495 = arith.cmpi sge, %select_n3A_492, %ge3A_494 : vector<16xi32>
    %sub3A_496 = arith.constant 10000 : i32
    %sub3A_497 = vector.broadcast %sub3A_496 : i32 to vector<16xi32>
    %sub3A_498 = arith.subi %select_n3A_492, %sub3A_497 : vector<16xi32>
    %select_n3A_499 = arith.select %ge3A_495, %sub3A_498, %select_n3A_492 : vector<16xi1>, vector<16xi32>
    %swap3A_500 = arith.constant 0 : i32
    %swap3A_501 = arith.index_cast %swap3A_500 : i32 to index
    %swap3A_502 = arith.constant 96 : index
    %swap3A_503 = tpu.vector_load %arg9[%swap3A_501, %swap3A_502] {strides = array<i32>} : memref<4x128xi32, #tpu.memory_space<vmem>>, vector<1x16xi32>,
    %swap3A_504 = vector.shape_cast %swap3A_503 : vector<1x16xi32> to vector<16xi32>
    %swap3A_505 = vector.shape_cast %select_n3A_499 : vector<16xi32> to vector<1x16xi32>
    tpu.vector_store %arg9[%swap3A_501, %swap3A_502], %swap3A_505 {strides = array<i32>} : memref<4x128xi32, #tpu.memory_space<vmem>>, vector<1x16xi32>,
    %get3A_506 = arith.constant 0 : i32
    %get3A_507 = arith.index_cast %get3A_506 : i32 to index
    %get3A_508 = arith.constant 112 : index
    %get3A_509 = tpu.vector_load %arg7[%get3A_507, %get3A_508] {strides = array<i32>} : memref<2x512xi32, #tpu.memory_space<vmem>>, vector<1x16xi32>,
    %get3A_510 = vector.shape_cast %get3A_509 : vector<1x16xi32> to vector<16xi32>
    %convert_element_type3A_511 = arith.sitofp %get3A_510 : vector<16xi32> to vector<16xf32>
    %mul3A_512 = arith.constant 9.99999974E-5 : f32
    %mul3A_513 = vector.broadcast %mul3A_512 : f32 to vector<16xf32>
    %mul3A_514 = arith.mulf %convert_element_type3A_511, %mul3A_513 : vector<16xf32>
    %convert_element_type3A_515 = arith.fptosi %mul3A_514 : vector<16xf32> to vector<16xi32>
    %mul3A_516 = arith.constant 10000 : i32
    %mul3A_517 = vector.broadcast %mul3A_516 : i32 to vector<16xi32>
    %mul3A_518 = arith.muli %convert_element_type3A_515, %mul3A_517 : vector<16xi32>
    %sub3A_519 = arith.subi %get3A_510, %mul3A_518 : vector<16xi32>
    %lt3A_520 = arith.constant 0 : i32
    %lt3A_521 = vector.broadcast %lt3A_520 : i32 to vector<16xi32>
    %lt3A_522 = arith.cmpi slt, %sub3A_519, %lt3A_521 : vector<16xi32>
    %add3A_523 = arith.constant 10000 : i32
    %add3A_524 = vector.broadcast %add3A_523 : i32 to vector<16xi32>
    %add3A_525 = arith.addi %sub3A_519, %add3A_524 : vector<16xi32>
    %select_n3A_526 = arith.select %lt3A_522, %add3A_525, %sub3A_519 : vector<16xi1>, vector<16xi32>
    %ge3A_527 = arith.constant 10000 : i32
    %ge3A_528 = vector.broadcast %ge3A_527 : i32 to vector<16xi32>
    %ge3A_529 = arith.cmpi sge, %select_n3A_526, %ge3A_528 : vector<16xi32>
    %sub3A_530 = arith.constant 10000 : i32
    %sub3A_531 = vector.broadcast %sub3A_530 : i32 to vector<16xi32>
    %sub3A_532 = arith.subi %select_n3A_526, %sub3A_531 : vector<16xi32>
    %select_n3A_533 = arith.select %ge3A_529, %sub3A_532, %select_n3A_526 : vector<16xi1>, vector<16xi32>
    %swap3A_534 = arith.constant 0 : i32
    %swap3A_535 = arith.index_cast %swap3A_534 : i32 to index
    %swap3A_536 = arith.constant 112 : index
    %swap3A_537 = tpu.vector_load %arg8[%swap3A_535, %swap3A_536] {strides = array<i32>} : memref<4x128xi32, #tpu.memory_space<vmem>>, vector<1x16xi32>,
    %swap3A_538 = vector.shape_cast %swap3A_537 : vector<1x16xi32> to vector<16xi32>
    %swap3A_539 = vector.shape_cast %select_n3A_533 : vector<16xi32> to vector<1x16xi32>
    tpu.vector_store %arg8[%swap3A_535, %swap3A_536], %swap3A_539 {strides = array<i32>} : memref<4x128xi32, #tpu.memory_space<vmem>>, vector<1x16xi32>,
    %get3A_540 = arith.constant 1 : i32
    %get3A_541 = arith.index_cast %get3A_540 : i32 to index
    %get3A_542 = arith.constant 112 : index
    %get3A_543 = tpu.vector_load %arg7[%get3A_541, %get3A_542] {strides = array<i32>} : memref<2x512xi32, #tpu.memory_space<vmem>>, vector<1x16xi32>,
    %get3A_544 = vector.shape_cast %get3A_543 : vector<1x16xi32> to vector<16xi32>
    %convert_element_type3A_545 = arith.sitofp %get3A_544 : vector<16xi32> to vector<16xf32>
    %mul3A_546 = arith.constant 9.99999974E-5 : f32
    %mul3A_547 = vector.broadcast %mul3A_546 : f32 to vector<16xf32>
    %mul3A_548 = arith.mulf %convert_element_type3A_545, %mul3A_547 : vector<16xf32>
    %convert_element_type3A_549 = arith.fptosi %mul3A_548 : vector<16xf32> to vector<16xi32>
    %mul3A_550 = arith.constant 10000 : i32
    %mul3A_551 = vector.broadcast %mul3A_550 : i32 to vector<16xi32>
    %mul3A_552 = arith.muli %convert_element_type3A_549, %mul3A_551 : vector<16xi32>
    %sub3A_553 = arith.subi %get3A_544, %mul3A_552 : vector<16xi32>
    %lt3A_554 = arith.constant 0 : i32
    %lt3A_555 = vector.broadcast %lt3A_554 : i32 to vector<16xi32>
    %lt3A_556 = arith.cmpi slt, %sub3A_553, %lt3A_555 : vector<16xi32>
    %add3A_557 = arith.constant 10000 : i32
    %add3A_558 = vector.broadcast %add3A_557 : i32 to vector<16xi32>
    %add3A_559 = arith.addi %sub3A_553, %add3A_558 : vector<16xi32>
    %select_n3A_560 = arith.select %lt3A_556, %add3A_559, %sub3A_553 : vector<16xi1>, vector<16xi32>
    %ge3A_561 = arith.constant 10000 : i32
    %ge3A_562 = vector.broadcast %ge3A_561 : i32 to vector<16xi32>
    %ge3A_563 = arith.cmpi sge, %select_n3A_560, %ge3A_562 : vector<16xi32>
    %sub3A_564 = arith.constant 10000 : i32
    %sub3A_565 = vector.broadcast %sub3A_564 : i32 to vector<16xi32>
    %sub3A_566 = arith.subi %select_n3A_560, %sub3A_565 : vector<16xi32>
    %select_n3A_567 = arith.select %ge3A_563, %sub3A_566, %select_n3A_560 : vector<16xi1>, vector<16xi32>
    %swap3A_568 = arith.constant 0 : i32
    %swap3A_569 = arith.index_cast %swap3A_568 : i32 to index
    %swap3A_570 = arith.constant 112 : index
    %swap3A_571 = tpu.vector_load %arg9[%swap3A_569, %swap3A_570] {strides = array<i32>} : memref<4x128xi32, #tpu.memory_space<vmem>>, vector<1x16xi32>,
    %swap3A_572 = vector.shape_cast %swap3A_571 : vector<1x16xi32> to vector<16xi32>
    %swap3A_573 = vector.shape_cast %select_n3A_567 : vector<16xi32> to vector<1x16xi32>
    tpu.vector_store %arg9[%swap3A_569, %swap3A_570], %swap3A_573 {strides = array<i32>} : memref<4x128xi32, #tpu.memory_space<vmem>>, vector<1x16xi32>,
    %dma_start3A_574 = arith.constant 0 : i32
    %dma_start3A_575 = arith.constant 0 : i32
    %dma_start3A_576 = arith.constant 0 : i32
    %dma_start3A_577 = arith.constant 0 : i32
    %dma_start3A_578 = arith.constant 0 : i32
    %dma_start3A_579 = tpu.memref_slice %arg10[%dma_start3A_575, %dma_start3A_577, %dma_start3A_578] : memref<2x512x64xf32, #tpu.memory_space<vmem>> -> memref<1x128x64xf32, #tpu.memory_space<vmem>>
    %dma_start3A_580 = tpu.memref_squeeze %dma_start3A_579 : memref<1x128x64xf32, #tpu.memory_space<vmem>> -> memref<128x64xf32, #tpu.memory_space<vmem>>
    %dma_start3A_581 = arith.constant 0 : i32
    %dma_start3A_582 = tpu.memref_slice %arg8[%dma_start3A_574, %dma_start3A_581] : memref<4x128xi32, #tpu.memory_space<vmem>> -> memref<1x128xi32, #tpu.memory_space<vmem>>
    %dma_start3A_583 = tpu.memref_squeeze %dma_start3A_582 : memref<1x128xi32, #tpu.memory_space<vmem>> -> memref<128xi32, #tpu.memory_space<vmem>>
    %dma_start3A_584 = arith.constant 0 : i32
    %dma_start3A_585 = arith.constant 0 : i32
    %dma_start3A_586 = tpu.memref_slice %arg4[%dma_start3A_584, %dma_start3A_585] : memref<10000x64xf32, #tpu.memory_space<hbm>> -> memref<10000x64xf32, #tpu.memory_space<hbm>>
    %dma_start3A_587 = tpu.memref_slice %arg11[%dma_start3A_576] : memref<4x!tpu.dma_semaphore, #tpu.memory_space<semaphore_mem>> -> memref<1x!tpu.dma_semaphore, #tpu.memory_space<semaphore_mem>>
    %dma_start3A_588 = tpu.memref_squeeze %dma_start3A_587 : memref<1x!tpu.dma_semaphore, #tpu.memory_space<semaphore_mem>> -> memref<!tpu.dma_semaphore, #tpu.memory_space<semaphore_mem>>
    tpu.enqueue_indirect_dma source(%dma_start3A_586 : memref<10000x64xf32, #tpu.memory_space<hbm>>) target(%dma_start3A_580 : memref<128x64xf32, #tpu.memory_space<vmem>>) offsets(%dma_start3A_583 : memref<128xi32, #tpu.memory_space<vmem>>) semaphore(%dma_start3A_588 : memref<!tpu.dma_semaphore, #tpu.memory_space<semaphore_mem>>)
    %dma_start3A_589 = arith.constant 0 : i32
    %dma_start3A_590 = arith.constant 1 : i32
    %dma_start3A_591 = arith.constant 0 : i32
    %dma_start3A_592 = arith.constant 0 : i32
    %dma_start3A_593 = arith.constant 0 : i32
    %dma_start3A_594 = tpu.memref_slice %arg10[%dma_start3A_590, %dma_start3A_592, %dma_start3A_593] : memref<2x512x64xf32, #tpu.memory_space<vmem>> -> memref<1x128x64xf32, #tpu.memory_space<vmem>>
    %dma_start3A_595 = tpu.memref_squeeze %dma_start3A_594 : memref<1x128x64xf32, #tpu.memory_space<vmem>> -> memref<128x64xf32, #tpu.memory_space<vmem>>
    %dma_start3A_596 = arith.constant 0 : i32
    %dma_start3A_597 = tpu.memref_slice %arg9[%dma_start3A_589, %dma_start3A_596] : memref<4x128xi32, #tpu.memory_space<vmem>> -> memref<1x128xi32, #tpu.memory_space<vmem>>
    %dma_start3A_598 = tpu.memref_squeeze %dma_start3A_597 : memref<1x128xi32, #tpu.memory_space<vmem>> -> memref<128xi32, #tpu.memory_space<vmem>>
    %dma_start3A_599 = arith.constant 0 : i32
    %dma_start3A_600 = arith.constant 0 : i32
    %dma_start3A_601 = tpu.memref_slice %arg5[%dma_start3A_599, %dma_start3A_600] : memref<10000x64xf32, #tpu.memory_space<hbm>> -> memref<10000x64xf32, #tpu.memory_space<hbm>>
    %dma_start3A_602 = tpu.memref_slice %arg11[%dma_start3A_591] : memref<4x!tpu.dma_semaphore, #tpu.memory_space<semaphore_mem>> -> memref<1x!tpu.dma_semaphore, #tpu.memory_space<semaphore_mem>>
    %dma_start3A_603 = tpu.memref_squeeze %dma_start3A_602 : memref<1x!tpu.dma_semaphore, #tpu.memory_space<semaphore_mem>> -> memref<!tpu.dma_semaphore, #tpu.memory_space<semaphore_mem>>
    tpu.enqueue_indirect_dma source(%dma_start3A_601 : memref<10000x64xf32, #tpu.memory_space<hbm>>) target(%dma_start3A_595 : memref<128x64xf32, #tpu.memory_space<vmem>>) offsets(%dma_start3A_598 : memref<128xi32, #tpu.memory_space<vmem>>) semaphore(%dma_start3A_603 : memref<!tpu.dma_semaphore, #tpu.memory_space<semaphore_mem>>)
    %get3A_604 = arith.constant 0 : i32
    %get3A_605 = arith.index_cast %get3A_604 : i32 to index
    %get3A_606 = arith.constant 128 : index
    %get3A_607 = tpu.vector_load %arg7[%get3A_605, %get3A_606] {strides = array<i32>} : memref<2x512xi32, #tpu.memory_space<vmem>>, vector<1x16xi32>,
    %get3A_608 = vector.shape_cast %get3A_607 : vector<1x16xi32> to vector<16xi32>
    %convert_element_type3A_609 = arith.sitofp %get3A_608 : vector<16xi32> to vector<16xf32>
    %mul3A_610 = arith.constant 9.99999974E-5 : f32
    %mul3A_611 = vector.broadcast %mul3A_610 : f32 to vector<16xf32>
    %mul3A_612 = arith.mulf %convert_element_type3A_609, %mul3A_611 : vector<16xf32>
    %convert_element_type3A_613 = arith.fptosi %mul3A_612 : vector<16xf32> to vector<16xi32>
    %mul3A_614 = arith.constant 10000 : i32
    %mul3A_615 = vector.broadcast %mul3A_614 : i32 to vector<16xi32>
    %mul3A_616 = arith.muli %convert_element_type3A_613, %mul3A_615 : vector<16xi32>
    %sub3A_617 = arith.subi %get3A_608, %mul3A_616 : vector<16xi32>
    %lt3A_618 = arith.constant 0 : i32
    %lt3A_619 = vector.broadcast %lt3A_618 : i32 to vector<16xi32>
    %lt3A_620 = arith.cmpi slt, %sub3A_617, %lt3A_619 : vector<16xi32>
    %add3A_621 = arith.constant 10000 : i32
    %add3A_622 = vector.broadcast %add3A_621 : i32 to vector<16xi32>
    %add3A_623 = arith.addi %sub3A_617, %add3A_622 : vector<16xi32>
    %select_n3A_624 = arith.select %lt3A_620, %add3A_623, %sub3A_617 : vector<16xi1>, vector<16xi32>
    %ge3A_625 = arith.constant 10000 : i32
    %ge3A_626 = vector.broadcast %ge3A_625 : i32 to vector<16xi32>
    %ge3A_627 = arith.cmpi sge, %select_n3A_624, %ge3A_626 : vector<16xi32>
    %sub3A_628 = arith.constant 10000 : i32
    %sub3A_629 = vector.broadcast %sub3A_628 : i32 to vector<16xi32>
    %sub3A_630 = arith.subi %select_n3A_624, %sub3A_629 : vector<16xi32>
    %select_n3A_631 = arith.select %ge3A_627, %sub3A_630, %select_n3A_624 : vector<16xi1>, vector<16xi32>
    %swap3A_632 = arith.constant 1 : i32
    %swap3A_633 = arith.index_cast %swap3A_632 : i32 to index
    %swap3A_634 = arith.constant 0 : index
    %swap3A_635 = tpu.vector_load %arg8[%swap3A_633, %swap3A_634] {strides = array<i32>} : memref<4x128xi32, #tpu.memory_space<vmem>>, vector<1x16xi32>,
    %swap3A_636 = vector.shape_cast %swap3A_635 : vector<1x16xi32> to vector<16xi32>
    %swap3A_637 = vector.shape_cast %select_n3A_631 : vector<16xi32> to vector<1x16xi32>
    tpu.vector_store %arg8[%swap3A_633, %swap3A_634], %swap3A_637 {strides = array<i32>} : memref<4x128xi32, #tpu.memory_space<vmem>>, vector<1x16xi32>,
    %get3A_638 = arith.constant 1 : i32
    %get3A_639 = arith.index_cast %get3A_638 : i32 to index
    %get3A_640 = arith.constant 128 : index
    %get3A_641 = tpu.vector_load %arg7[%get3A_639, %get3A_640] {strides = array<i32>} : memref<2x512xi32, #tpu.memory_space<vmem>>, vector<1x16xi32>,
    %get3A_642 = vector.shape_cast %get3A_641 : vector<1x16xi32> to vector<16xi32>
    %convert_element_type3A_643 = arith.sitofp %get3A_642 : vector<16xi32> to vector<16xf32>
    %mul3A_644 = arith.constant 9.99999974E-5 : f32
    %mul3A_645 = vector.broadcast %mul3A_644 : f32 to vector<16xf32>
    %mul3A_646 = arith.mulf %convert_element_type3A_643, %mul3A_645 : vector<16xf32>
    %convert_element_type3A_647 = arith.fptosi %mul3A_646 : vector<16xf32> to vector<16xi32>
    %mul3A_648 = arith.constant 10000 : i32
    %mul3A_649 = vector.broadcast %mul3A_648 : i32 to vector<16xi32>
    %mul3A_650 = arith.muli %convert_element_type3A_647, %mul3A_649 : vector<16xi32>
    %sub3A_651 = arith.subi %get3A_642, %mul3A_650 : vector<16xi32>
    %lt3A_652 = arith.constant 0 : i32
    %lt3A_653 = vector.broadcast %lt3A_652 : i32 to vector<16xi32>
    %lt3A_654 = arith.cmpi slt, %sub3A_651, %lt3A_653 : vector<16xi32>
    %add3A_655 = arith.constant 10000 : i32
    %add3A_656 = vector.broadcast %add3A_655 : i32 to vector<16xi32>
    %add3A_657 = arith.addi %sub3A_651, %add3A_656 : vector<16xi32>
    %select_n3A_658 = arith.select %lt3A_654, %add3A_657, %sub3A_651 : vector<16xi1>, vector<16xi32>
    %ge3A_659 = arith.constant 10000 : i32
    %ge3A_660 = vector.broadcast %ge3A_659 : i32 to vector<16xi32>
    %ge3A_661 = arith.cmpi sge, %select_n3A_658, %ge3A_660 : vector<16xi32>
    %sub3A_662 = arith.constant 10000 : i32
    %sub3A_663 = vector.broadcast %sub3A_662 : i32 to vector<16xi32>
    %sub3A_664 = arith.subi %select_n3A_658, %sub3A_663 : vector<16xi32>
    %select_n3A_665 = arith.select %ge3A_661, %sub3A_664, %select_n3A_658 : vector<16xi1>, vector<16xi32>
    %swap3A_666 = arith.constant 1 : i32
    %swap3A_667 = arith.index_cast %swap3A_666 : i32 to index
    %swap3A_668 = arith.constant 0 : index
    %swap3A_669 = tpu.vector_load %arg9[%swap3A_667, %swap3A_668] {strides = array<i32>} : memref<4x128xi32, #tpu.memory_space<vmem>>, vector<1x16xi32>,
    %swap3A_670 = vector.shape_cast %swap3A_669 : vector<1x16xi32> to vector<16xi32>
    %swap3A_671 = vector.shape_cast %select_n3A_665 : vector<16xi32> to vector<1x16xi32>
    tpu.vector_store %arg9[%swap3A_667, %swap3A_668], %swap3A_671 {strides = array<i32>} : memref<4x128xi32, #tpu.memory_space<vmem>>, vector<1x16xi32>,
    %get3A_672 = arith.constant 0 : i32
    %get3A_673 = arith.index_cast %get3A_672 : i32 to index
    %get3A_674 = arith.constant 144 : index
    %get3A_675 = tpu.vector_load %arg7[%get3A_673, %get3A_674] {strides = array<i32>} : memref<2x512xi32, #tpu.memory_space<vmem>>, vector<1x16xi32>,
    %get3A_676 = vector.shape_cast %get3A_675 : vector<1x16xi32> to vector<16xi32>
    %convert_element_type3A_677 = arith.sitofp %get3A_676 : vector<16xi32> to vector<16xf32>
    %mul3A_678 = arith.constant 9.99999974E-5 : f32
    %mul3A_679 = vector.broadcast %mul3A_678 : f32 to vector<16xf32>
    %mul3A_680 = arith.mulf %convert_element_type3A_677, %mul3A_679 : vector<16xf32>
    %convert_element_type3A_681 = arith.fptosi %mul3A_680 : vector<16xf32> to vector<16xi32>
    %mul3A_682 = arith.constant 10000 : i32
    %mul3A_683 = vector.broadcast %mul3A_682 : i32 to vector<16xi32>
    %mul3A_684 = arith.muli %convert_element_type3A_681, %mul3A_683 : vector<16xi32>
    %sub3A_685 = arith.subi %get3A_676, %mul3A_684 : vector<16xi32>
    %lt3A_686 = arith.constant 0 : i32
    %lt3A_687 = vector.broadcast %lt3A_686 : i32 to vector<16xi32>
    %lt3A_688 = arith.cmpi slt, %sub3A_685, %lt3A_687 : vector<16xi32>
    %add3A_689 = arith.constant 10000 : i32
    %add3A_690 = vector.broadcast %add3A_689 : i32 to vector<16xi32>
    %add3A_691 = arith.addi %sub3A_685, %add3A_690 : vector<16xi32>
    %select_n3A_692 = arith.select %lt3A_688, %add3A_691, %sub3A_685 : vector<16xi1>, vector<16xi32>
    %ge3A_693 = arith.constant 10000 : i32
    %ge3A_694 = vector.broadcast %ge3A_693 : i32 to vector<16xi32>
    %ge3A_695 = arith.cmpi sge, %select_n3A_692, %ge3A_694 : vector<16xi32>
    %sub3A_696 = arith.constant 10000 : i32
    %sub3A_697 = vector.broadcast %sub3A_696 : i32 to vector<16xi32>
    %sub3A_698 = arith.subi %select_n3A_692, %sub3A_697 : vector<16xi32>
    %select_n3A_699 = arith.select %ge3A_695, %sub3A_698, %select_n3A_692 : vector<16xi1>, vector<16xi32>
    %swap3A_700 = arith.constant 1 : i32
    %swap3A_701 = arith.index_cast %swap3A_700 : i32 to index
    %swap3A_702 = arith.constant 16 : index
    %swap3A_703 = tpu.vector_load %arg8[%swap3A_701, %swap3A_702] {strides = array<i32>} : memref<4x128xi32, #tpu.memory_space<vmem>>, vector<1x16xi32>,
    %swap3A_704 = vector.shape_cast %swap3A_703 : vector<1x16xi32> to vector<16xi32>
    %swap3A_705 = vector.shape_cast %select_n3A_699 : vector<16xi32> to vector<1x16xi32>
    tpu.vector_store %arg8[%swap3A_701, %swap3A_702], %swap3A_705 {strides = array<i32>} : memref<4x128xi32, #tpu.memory_space<vmem>>, vector<1x16xi32>,
    %get3A_706 = arith.constant 1 : i32
    %get3A_707 = arith.index_cast %get3A_706 : i32 to index
    %get3A_708 = arith.constant 144 : index
    %get3A_709 = tpu.vector_load %arg7[%get3A_707, %get3A_708] {strides = array<i32>} : memref<2x512xi32, #tpu.memory_space<vmem>>, vector<1x16xi32>,
    %get3A_710 = vector.shape_cast %get3A_709 : vector<1x16xi32> to vector<16xi32>
    %convert_element_type3A_711 = arith.sitofp %get3A_710 : vector<16xi32> to vector<16xf32>
    %mul3A_712 = arith.constant 9.99999974E-5 : f32
    %mul3A_713 = vector.broadcast %mul3A_712 : f32 to vector<16xf32>
    %mul3A_714 = arith.mulf %convert_element_type3A_711, %mul3A_713 : vector<16xf32>
    %convert_element_type3A_715 = arith.fptosi %mul3A_714 : vector<16xf32> to vector<16xi32>
    %mul3A_716 = arith.constant 10000 : i32
    %mul3A_717 = vector.broadcast %mul3A_716 : i32 to vector<16xi32>
    %mul3A_718 = arith.muli %convert_element_type3A_715, %mul3A_717 : vector<16xi32>
    %sub3A_719 = arith.subi %get3A_710, %mul3A_718 : vector<16xi32>
    %lt3A_720 = arith.constant 0 : i32
    %lt3A_721 = vector.broadcast %lt3A_720 : i32 to vector<16xi32>
    %lt3A_722 = arith.cmpi slt, %sub3A_719, %lt3A_721 : vector<16xi32>
    %add3A_723 = arith.constant 10000 : i32
    %add3A_724 = vector.broadcast %add3A_723 : i32 to vector<16xi32>
    %add3A_725 = arith.addi %sub3A_719, %add3A_724 : vector<16xi32>
    %select_n3A_726 = arith.select %lt3A_722, %add3A_725, %sub3A_719 : vector<16xi1>, vector<16xi32>
    %ge3A_727 = arith.constant 10000 : i32
    %ge3A_728 = vector.broadcast %ge3A_727 : i32 to vector<16xi32>
    %ge3A_729 = arith.cmpi sge, %select_n3A_726, %ge3A_728 : vector<16xi32>
    %sub3A_730 = arith.constant 10000 : i32
    %sub3A_731 = vector.broadcast %sub3A_730 : i32 to vector<16xi32>
    %sub3A_732 = arith.subi %select_n3A_726, %sub3A_731 : vector<16xi32>
    %select_n3A_733 = arith.select %ge3A_729, %sub3A_732, %select_n3A_726 : vector<16xi1>, vector<16xi32>
    %swap3A_734 = arith.constant 1 : i32
    %swap3A_735 = arith.index_cast %swap3A_734 : i32 to index
    %swap3A_736 = arith.constant 16 : index
    %swap3A_737 = tpu.vector_load %arg9[%swap3A_735, %swap3A_736] {strides = array<i32>} : memref<4x128xi32, #tpu.memory_space<vmem>>, vector<1x16xi32>,
    %swap3A_738 = vector.shape_cast %swap3A_737 : vector<1x16xi32> to vector<16xi32>
    %swap3A_739 = vector.shape_cast %select_n3A_733 : vector<16xi32> to vector<1x16xi32>
    tpu.vector_store %arg9[%swap3A_735, %swap3A_736], %swap3A_739 {strides = array<i32>} : memref<4x128xi32, #tpu.memory_space<vmem>>, vector<1x16xi32>,
    %get3A_740 = arith.constant 0 : i32
    %get3A_741 = arith.index_cast %get3A_740 : i32 to index
    %get3A_742 = arith.constant 160 : index
    %get3A_743 = tpu.vector_load %arg7[%get3A_741, %get3A_742] {strides = array<i32>} : memref<2x512xi32, #tpu.memory_space<vmem>>, vector<1x16xi32>,
    %get3A_744 = vector.shape_cast %get3A_743 : vector<1x16xi32> to vector<16xi32>
    %convert_element_type3A_745 = arith.sitofp %get3A_744 : vector<16xi32> to vector<16xf32>
    %mul3A_746 = arith.constant 9.99999974E-5 : f32
    %mul3A_747 = vector.broadcast %mul3A_746 : f32 to vector<16xf32>
    %mul3A_748 = arith.mulf %convert_element_type3A_745, %mul3A_747 : vector<16xf32>
    %convert_element_type3A_749 = arith.fptosi %mul3A_748 : vector<16xf32> to vector<16xi32>
    %mul3A_750 = arith.constant 10000 : i32
    %mul3A_751 = vector.broadcast %mul3A_750 : i32 to vector<16xi32>
    %mul3A_752 = arith.muli %convert_element_type3A_749, %mul3A_751 : vector<16xi32>
    %sub3A_753 = arith.subi %get3A_744, %mul3A_752 : vector<16xi32>
    %lt3A_754 = arith.constant 0 : i32
    %lt3A_755 = vector.broadcast %lt3A_754 : i32 to vector<16xi32>
    %lt3A_756 = arith.cmpi slt, %sub3A_753, %lt3A_755 : vector<16xi32>
    %add3A_757 = arith.constant 10000 : i32
    %add3A_758 = vector.broadcast %add3A_757 : i32 to vector<16xi32>
    %add3A_759 = arith.addi %sub3A_753, %add3A_758 : vector<16xi32>
    %select_n3A_760 = arith.select %lt3A_756, %add3A_759, %sub3A_753 : vector<16xi1>, vector<16xi32>
    %ge3A_761 = arith.constant 10000 : i32
    %ge3A_762 = vector.broadcast %ge3A_761 : i32 to vector<16xi32>
    %ge3A_763 = arith.cmpi sge, %select_n3A_760, %ge3A_762 : vector<16xi32>
    %sub3A_764 = arith.constant 10000 : i32
    %sub3A_765 = vector.broadcast %sub3A_764 : i32 to vector<16xi32>
    %sub3A_766 = arith.subi %select_n3A_760, %sub3A_765 : vector<16xi32>
    %select_n3A_767 = arith.select %ge3A_763, %sub3A_766, %select_n3A_760 : vector<16xi1>, vector<16xi32>
    %swap3A_768 = arith.constant 1 : i32
    %swap3A_769 = arith.index_cast %swap3A_768 : i32 to index
    %swap3A_770 = arith.constant 32 : index
    %swap3A_771 = tpu.vector_load %arg8[%swap3A_769, %swap3A_770] {strides = array<i32>} : memref<4x128xi32, #tpu.memory_space<vmem>>, vector<1x16xi32>,
    %swap3A_772 = vector.shape_cast %swap3A_771 : vector<1x16xi32> to vector<16xi32>
    %swap3A_773 = vector.shape_cast %select_n3A_767 : vector<16xi32> to vector<1x16xi32>
    tpu.vector_store %arg8[%swap3A_769, %swap3A_770], %swap3A_773 {strides = array<i32>} : memref<4x128xi32, #tpu.memory_space<vmem>>, vector<1x16xi32>,
    %get3A_774 = arith.constant 1 : i32
    %get3A_775 = arith.index_cast %get3A_774 : i32 to index
    %get3A_776 = arith.constant 160 : index
    %get3A_777 = tpu.vector_load %arg7[%get3A_775, %get3A_776] {strides = array<i32>} : memref<2x512xi32, #tpu.memory_space<vmem>>, vector<1x16xi32>,
    %get3A_778 = vector.shape_cast %get3A_777 : vector<1x16xi32> to vector<16xi32>
    %convert_element_type3A_779 = arith.sitofp %get3A_778 : vector<16xi32> to vector<16xf32>
    %mul3A_780 = arith.constant 9.99999974E-5 : f32
    %mul3A_781 = vector.broadcast %mul3A_780 : f32 to vector<16xf32>
    %mul3A_782 = arith.mulf %convert_element_type3A_779, %mul3A_781 : vector<16xf32>
    %convert_element_type3A_783 = arith.fptosi %mul3A_782 : vector<16xf32> to vector<16xi32>
    %mul3A_784 = arith.constant 10000 : i32
    %mul3A_785 = vector.broadcast %mul3A_784 : i32 to vector<16xi32>
    %mul3A_786 = arith.muli %convert_element_type3A_783, %mul3A_785 : vector<16xi32>
    %sub3A_787 = arith.subi %get3A_778, %mul3A_786 : vector<16xi32>
    %lt3A_788 = arith.constant 0 : i32
    %lt3A_789 = vector.broadcast %lt3A_788 : i32 to vector<16xi32>
    %lt3A_790 = arith.cmpi slt, %sub3A_787, %lt3A_789 : vector<16xi32>
    %add3A_791 = arith.constant 10000 : i32
    %add3A_792 = vector.broadcast %add3A_791 : i32 to vector<16xi32>
    %add3A_793 = arith.addi %sub3A_787, %add3A_792 : vector<16xi32>
    %select_n3A_794 = arith.select %lt3A_790, %add3A_793, %sub3A_787 : vector<16xi1>, vector<16xi32>
    %ge3A_795 = arith.constant 10000 : i32
    %ge3A_796 = vector.broadcast %ge3A_795 : i32 to vector<16xi32>
    %ge3A_797 = arith.cmpi sge, %select_n3A_794, %ge3A_796 : vector<16xi32>
    %sub3A_798 = arith.constant 10000 : i32
    %sub3A_799 = vector.broadcast %sub3A_798 : i32 to vector<16xi32>
    %sub3A_800 = arith.subi %select_n3A_794, %sub3A_799 : vector<16xi32>
    %select_n3A_801 = arith.select %ge3A_797, %sub3A_800, %select_n3A_794 : vector<16xi1>, vector<16xi32>
    %swap3A_802 = arith.constant 1 : i32
    %swap3A_803 = arith.index_cast %swap3A_802 : i32 to index
    %swap3A_804 = arith.constant 32 : index
    %swap3A_805 = tpu.vector_load %arg9[%swap3A_803, %swap3A_804] {strides = array<i32>} : memref<4x128xi32, #tpu.memory_space<vmem>>, vector<1x16xi32>,
    %swap3A_806 = vector.shape_cast %swap3A_805 : vector<1x16xi32> to vector<16xi32>
    %swap3A_807 = vector.shape_cast %select_n3A_801 : vector<16xi32> to vector<1x16xi32>
    tpu.vector_store %arg9[%swap3A_803, %swap3A_804], %swap3A_807 {strides = array<i32>} : memref<4x128xi32, #tpu.memory_space<vmem>>, vector<1x16xi32>,
    %get3A_808 = arith.constant 0 : i32
    %get3A_809 = arith.index_cast %get3A_808 : i32 to index
    %get3A_810 = arith.constant 176 : index
    %get3A_811 = tpu.vector_load %arg7[%get3A_809, %get3A_810] {strides = array<i32>} : memref<2x512xi32, #tpu.memory_space<vmem>>, vector<1x16xi32>,
    %get3A_812 = vector.shape_cast %get3A_811 : vector<1x16xi32> to vector<16xi32>
    %convert_element_type3A_813 = arith.sitofp %get3A_812 : vector<16xi32> to vector<16xf32>
    %mul3A_814 = arith.constant 9.99999974E-5 : f32
    %mul3A_815 = vector.broadcast %mul3A_814 : f32 to vector<16xf32>
    %mul3A_816 = arith.mulf %convert_element_type3A_813, %mul3A_815 : vector<16xf32>
    %convert_element_type3A_817 = arith.fptosi %mul3A_816 : vector<16xf32> to vector<16xi32>
    %mul3A_818 = arith.constant 10000 : i32
    %mul3A_819 = vector.broadcast %mul3A_818 : i32 to vector<16xi32>
    %mul3A_820 = arith.muli %convert_element_type3A_817, %mul3A_819 : vector<16xi32>
    %sub3A_821 = arith.subi %get3A_812, %mul3A_820 : vector<16xi32>
    %lt3A_822 = arith.constant 0 : i32
    %lt3A_823 = vector.broadcast %lt3A_822 : i32 to vector<16xi32>
    %lt3A_824 = arith.cmpi slt, %sub3A_821, %lt3A_823 : vector<16xi32>
    %add3A_825 = arith.constant 10000 : i32
    %add3A_826 = vector.broadcast %add3A_825 : i32 to vector<16xi32>
    %add3A_827 = arith.addi %sub3A_821, %add3A_826 : vector<16xi32>
    %select_n3A_828 = arith.select %lt3A_824, %add3A_827, %sub3A_821 : vector<16xi1>, vector<16xi32>
    %ge3A_829 = arith.constant 10000 : i32
    %ge3A_830 = vector.broadcast %ge3A_829 : i32 to vector<16xi32>
    %ge3A_831 = arith.cmpi sge, %select_n3A_828, %ge3A_830 : vector<16xi32>
    %sub3A_832 = arith.constant 10000 : i32
    %sub3A_833 = vector.broadcast %sub3A_832 : i32 to vector<16xi32>
    %sub3A_834 = arith.subi %select_n3A_828, %sub3A_833 : vector<16xi32>
    %select_n3A_835 = arith.select %ge3A_831, %sub3A_834, %select_n3A_828 : vector<16xi1>, vector<16xi32>
    %swap3A_836 = arith.constant 1 : i32
    %swap3A_837 = arith.index_cast %swap3A_836 : i32 to index
    %swap3A_838 = arith.constant 48 : index
    %swap3A_839 = tpu.vector_load %arg8[%swap3A_837, %swap3A_838] {strides = array<i32>} : memref<4x128xi32, #tpu.memory_space<vmem>>, vector<1x16xi32>,
    %swap3A_840 = vector.shape_cast %swap3A_839 : vector<1x16xi32> to vector<16xi32>
    %swap3A_841 = vector.shape_cast %select_n3A_835 : vector<16xi32> to vector<1x16xi32>
    tpu.vector_store %arg8[%swap3A_837, %swap3A_838], %swap3A_841 {strides = array<i32>} : memref<4x128xi32, #tpu.memory_space<vmem>>, vector<1x16xi32>,
    %get3A_842 = arith.constant 1 : i32
    %get3A_843 = arith.index_cast %get3A_842 : i32 to index
    %get3A_844 = arith.constant 176 : index
    %get3A_845 = tpu.vector_load %arg7[%get3A_843, %get3A_844] {strides = array<i32>} : memref<2x512xi32, #tpu.memory_space<vmem>>, vector<1x16xi32>,
    %get3A_846 = vector.shape_cast %get3A_845 : vector<1x16xi32> to vector<16xi32>
    %convert_element_type3A_847 = arith.sitofp %get3A_846 : vector<16xi32> to vector<16xf32>
    %mul3A_848 = arith.constant 9.99999974E-5 : f32
    %mul3A_849 = vector.broadcast %mul3A_848 : f32 to vector<16xf32>
    %mul3A_850 = arith.mulf %convert_element_type3A_847, %mul3A_849 : vector<16xf32>
    %convert_element_type3A_851 = arith.fptosi %mul3A_850 : vector<16xf32> to vector<16xi32>
    %mul3A_852 = arith.constant 10000 : i32
    %mul3A_853 = vector.broadcast %mul3A_852 : i32 to vector<16xi32>
    %mul3A_854 = arith.muli %convert_element_type3A_851, %mul3A_853 : vector<16xi32>
    %sub3A_855 = arith.subi %get3A_846, %mul3A_854 : vector<16xi32>
    %lt3A_856 = arith.constant 0 : i32
    %lt3A_857 = vector.broadcast %lt3A_856 : i32 to vector<16xi32>
    %lt3A_858 = arith.cmpi slt, %sub3A_855, %lt3A_857 : vector<16xi32>
    %add3A_859 = arith.constant 10000 : i32
    %add3A_860 = vector.broadcast %add3A_859 : i32 to vector<16xi32>
    %add3A_861 = arith.addi %sub3A_855, %add3A_860 : vector<16xi32>
    %select_n3A_862 = arith.select %lt3A_858, %add3A_861, %sub3A_855 : vector<16xi1>, vector<16xi32>
    %ge3A_863 = arith.constant 10000 : i32
    %ge3A_864 = vector.broadcast %ge3A_863 : i32 to vector<16xi32>
    %ge3A_865 = arith.cmpi sge, %select_n3A_862, %ge3A_864 : vector<16xi32>
    %sub3A_866 = arith.constant 10000 : i32
    %sub3A_867 = vector.broadcast %sub3A_866 : i32 to vector<16xi32>
    %sub3A_868 = arith.subi %select_n3A_862, %sub3A_867 : vector<16xi32>
    %select_n3A_869 = arith.select %ge3A_865, %sub3A_868, %select_n3A_862 : vector<16xi1>, vector<16xi32>
    %swap3A_870 = arith.constant 1 : i32
    %swap3A_871 = arith.index_cast %swap3A_870 : i32 to index
    %swap3A_872 = arith.constant 48 : index
    %swap3A_873 = tpu.vector_load %arg9[%swap3A_871, %swap3A_872] {strides = array<i32>} : memref<4x128xi32, #tpu.memory_space<vmem>>, vector<1x16xi32>,
    %swap3A_874 = vector.shape_cast %swap3A_873 : vector<1x16xi32> to vector<16xi32>
    %swap3A_875 = vector.shape_cast %select_n3A_869 : vector<16xi32> to vector<1x16xi32>
    tpu.vector_store %arg9[%swap3A_871, %swap3A_872], %swap3A_875 {strides = array<i32>} : memref<4x128xi32, #tpu.memory_space<vmem>>, vector<1x16xi32>,
    %get3A_876 = arith.constant 0 : i32
    %get3A_877 = arith.index_cast %get3A_876 : i32 to index
    %get3A_878 = arith.constant 192 : index
    %get3A_879 = tpu.vector_load %arg7[%get3A_877, %get3A_878] {strides = array<i32>} : memref<2x512xi32, #tpu.memory_space<vmem>>, vector<1x16xi32>,
    %get3A_880 = vector.shape_cast %get3A_879 : vector<1x16xi32> to vector<16xi32>
    %convert_element_type3A_881 = arith.sitofp %get3A_880 : vector<16xi32> to vector<16xf32>
    %mul3A_882 = arith.constant 9.99999974E-5 : f32
    %mul3A_883 = vector.broadcast %mul3A_882 : f32 to vector<16xf32>
    %mul3A_884 = arith.mulf %convert_element_type3A_881, %mul3A_883 : vector<16xf32>
    %convert_element_type3A_885 = arith.fptosi %mul3A_884 : vector<16xf32> to vector<16xi32>
    %mul3A_886 = arith.constant 10000 : i32
    %mul3A_887 = vector.broadcast %mul3A_886 : i32 to vector<16xi32>
    %mul3A_888 = arith.muli %convert_element_type3A_885, %mul3A_887 : vector<16xi32>
    %sub3A_889 = arith.subi %get3A_880, %mul3A_888 : vector<16xi32>
    %lt3A_890 = arith.constant 0 : i32
    %lt3A_891 = vector.broadcast %lt3A_890 : i32 to vector<16xi32>
    %lt3A_892 = arith.cmpi slt, %sub3A_889, %lt3A_891 : vector<16xi32>
    %add3A_893 = arith.constant 10000 : i32
    %add3A_894 = vector.broadcast %add3A_893 : i32 to vector<16xi32>
    %add3A_895 = arith.addi %sub3A_889, %add3A_894 : vector<16xi32>
    %select_n3A_896 = arith.select %lt3A_892, %add3A_895, %sub3A_889 : vector<16xi1>, vector<16xi32>
    %ge3A_897 = arith.constant 10000 : i32
    %ge3A_898 = vector.broadcast %ge3A_897 : i32 to vector<16xi32>
    %ge3A_899 = arith.cmpi sge, %select_n3A_896, %ge3A_898 : vector<16xi32>
    %sub3A_900 = arith.constant 10000 : i32
    %sub3A_901 = vector.broadcast %sub3A_900 : i32 to vector<16xi32>
    %sub3A_902 = arith.subi %select_n3A_896, %sub3A_901 : vector<16xi32>
    %select_n3A_903 = arith.select %ge3A_899, %sub3A_902, %select_n3A_896 : vector<16xi1>, vector<16xi32>
    %swap3A_904 = arith.constant 1 : i32
    %swap3A_905 = arith.index_cast %swap3A_904 : i32 to index
    %swap3A_906 = arith.constant 64 : index
    %swap3A_907 = tpu.vector_load %arg8[%swap3A_905, %swap3A_906] {strides = array<i32>} : memref<4x128xi32, #tpu.memory_space<vmem>>, vector<1x16xi32>,
    %swap3A_908 = vector.shape_cast %swap3A_907 : vector<1x16xi32> to vector<16xi32>
    %swap3A_909 = vector.shape_cast %select_n3A_903 : vector<16xi32> to vector<1x16xi32>
    tpu.vector_store %arg8[%swap3A_905, %swap3A_906], %swap3A_909 {strides = array<i32>} : memref<4x128xi32, #tpu.memory_space<vmem>>, vector<1x16xi32>,
    %get3A_910 = arith.constant 1 : i32
    %get3A_911 = arith.index_cast %get3A_910 : i32 to index
    %get3A_912 = arith.constant 192 : index
    %get3A_913 = tpu.vector_load %arg7[%get3A_911, %get3A_912] {strides = array<i32>} : memref<2x512xi32, #tpu.memory_space<vmem>>, vector<1x16xi32>,
    %get3A_914 = vector.shape_cast %get3A_913 : vector<1x16xi32> to vector<16xi32>
    %convert_element_type3A_915 = arith.sitofp %get3A_914 : vector<16xi32> to vector<16xf32>
    %mul3A_916 = arith.constant 9.99999974E-5 : f32
    %mul3A_917 = vector.broadcast %mul3A_916 : f32 to vector<16xf32>
    %mul3A_918 = arith.mulf %convert_element_type3A_915, %mul3A_917 : vector<16xf32>
    %convert_element_type3A_919 = arith.fptosi %mul3A_918 : vector<16xf32> to vector<16xi32>
    %mul3A_920 = arith.constant 10000 : i32
    %mul3A_921 = vector.broadcast %mul3A_920 : i32 to vector<16xi32>
    %mul3A_922 = arith.muli %convert_element_type3A_919, %mul3A_921 : vector<16xi32>
    %sub3A_923 = arith.subi %get3A_914, %mul3A_922 : vector<16xi32>
    %lt3A_924 = arith.constant 0 : i32
    %lt3A_925 = vector.broadcast %lt3A_924 : i32 to vector<16xi32>
    %lt3A_926 = arith.cmpi slt, %sub3A_923, %lt3A_925 : vector<16xi32>
    %add3A_927 = arith.constant 10000 : i32
    %add3A_928 = vector.broadcast %add3A_927 : i32 to vector<16xi32>
    %add3A_929 = arith.addi %sub3A_923, %add3A_928 : vector<16xi32>
    %select_n3A_930 = arith.select %lt3A_926, %add3A_929, %sub3A_923 : vector<16xi1>, vector<16xi32>
    %ge3A_931 = arith.constant 10000 : i32
    %ge3A_932 = vector.broadcast %ge3A_931 : i32 to vector<16xi32>
    %ge3A_933 = arith.cmpi sge, %select_n3A_930, %ge3A_932 : vector<16xi32>
    %sub3A_934 = arith.constant 10000 : i32
    %sub3A_935 = vector.broadcast %sub3A_934 : i32 to vector<16xi32>
    %sub3A_936 = arith.subi %select_n3A_930, %sub3A_935 : vector<16xi32>
    %select_n3A_937 = arith.select %ge3A_933, %sub3A_936, %select_n3A_930 : vector<16xi1>, vector<16xi32>
    %swap3A_938 = arith.constant 1 : i32
    %swap3A_939 = arith.index_cast %swap3A_938 : i32 to index
    %swap3A_940 = arith.constant 64 : index
    %swap3A_941 = tpu.vector_load %arg9[%swap3A_939, %swap3A_940] {strides = array<i32>} : memref<4x128xi32, #tpu.memory_space<vmem>>, vector<1x16xi32>,
    %swap3A_942 = vector.shape_cast %swap3A_941 : vector<1x16xi32> to vector<16xi32>
    %swap3A_943 = vector.shape_cast %select_n3A_937 : vector<16xi32> to vector<1x16xi32>
    tpu.vector_store %arg9[%swap3A_939, %swap3A_940], %swap3A_943 {strides = array<i32>} : memref<4x128xi32, #tpu.memory_space<vmem>>, vector<1x16xi32>,
    %get3A_944 = arith.constant 0 : i32
    %get3A_945 = arith.index_cast %get3A_944 : i32 to index
    %get3A_946 = arith.constant 208 : index
    %get3A_947 = tpu.vector_load %arg7[%get3A_945, %get3A_946] {strides = array<i32>} : memref<2x512xi32, #tpu.memory_space<vmem>>, vector<1x16xi32>,
    %get3A_948 = vector.shape_cast %get3A_947 : vector<1x16xi32> to vector<16xi32>
    %convert_element_type3A_949 = arith.sitofp %get3A_948 : vector<16xi32> to vector<16xf32>
    %mul3A_950 = arith.constant 9.99999974E-5 : f32
    %mul3A_951 = vector.broadcast %mul3A_950 : f32 to vector<16xf32>
    %mul3A_952 = arith.mulf %convert_element_type3A_949, %mul3A_951 : vector<16xf32>
    %convert_element_type3A_953 = arith.fptosi %mul3A_952 : vector<16xf32> to vector<16xi32>
    %mul3A_954 = arith.constant 10000 : i32
    %mul3A_955 = vector.broadcast %mul3A_954 : i32 to vector<16xi32>
    %mul3A_956 = arith.muli %convert_element_type3A_953, %mul3A_955 : vector<16xi32>
    %sub3A_957 = arith.subi %get3A_948, %mul3A_956 : vector<16xi32>
    %lt3A_958 = arith.constant 0 : i32
    %lt3A_959 = vector.broadcast %lt3A_958 : i32 to vector<16xi32>
    %lt3A_960 = arith.cmpi slt, %sub3A_957, %lt3A_959 : vector<16xi32>
    %add3A_961 = arith.constant 10000 : i32
    %add3A_962 = vector.broadcast %add3A_961 : i32 to vector<16xi32>
    %add3A_963 = arith.addi %sub3A_957, %add3A_962 : vector<16xi32>
    %select_n3A_964 = arith.select %lt3A_960, %add3A_963, %sub3A_957 : vector<16xi1>, vector<16xi32>
    %ge3A_965 = arith.constant 10000 : i32
    %ge3A_966 = vector.broadcast %ge3A_965 : i32 to vector<16xi32>
    %ge3A_967 = arith.cmpi sge, %select_n3A_964, %ge3A_966 : vector<16xi32>
    %sub3A_968 = arith.constant 10000 : i32
    %sub3A_969 = vector.broadcast %sub3A_968 : i32 to vector<16xi32>
    %sub3A_970 = arith.subi %select_n3A_964, %sub3A_969 : vector<16xi32>
    %select_n3A_971 = arith.select %ge3A_967, %sub3A_970, %select_n3A_964 : vector<16xi1>, vector<16xi32>
    %swap3A_972 = arith.constant 1 : i32
    %swap3A_973 = arith.index_cast %swap3A_972 : i32 to index
    %swap3A_974 = arith.constant 80 : index
    %swap3A_975 = tpu.vector_load %arg8[%swap3A_973, %swap3A_974] {strides = array<i32>} : memref<4x128xi32, #tpu.memory_space<vmem>>, vector<1x16xi32>,
    %swap3A_976 = vector.shape_cast %swap3A_975 : vector<1x16xi32> to vector<16xi32>
    %swap3A_977 = vector.shape_cast %select_n3A_971 : vector<16xi32> to vector<1x16xi32>
    tpu.vector_store %arg8[%swap3A_973, %swap3A_974], %swap3A_977 {strides = array<i32>} : memref<4x128xi32, #tpu.memory_space<vmem>>, vector<1x16xi32>,
    %get3A_978 = arith.constant 1 : i32
    %get3A_979 = arith.index_cast %get3A_978 : i32 to index
    %get3A_980 = arith.constant 208 : index
    %get3A_981 = tpu.vector_load %arg7[%get3A_979, %get3A_980] {strides = array<i32>} : memref<2x512xi32, #tpu.memory_space<vmem>>, vector<1x16xi32>,
    %get3A_982 = vector.shape_cast %get3A_981 : vector<1x16xi32> to vector<16xi32>
    %convert_element_type3A_983 = arith.sitofp %get3A_982 : vector<16xi32> to vector<16xf32>
    %mul3A_984 = arith.constant 9.99999974E-5 : f32
    %mul3A_985 = vector.broadcast %mul3A_984 : f32 to vector<16xf32>
    %mul3A_986 = arith.mulf %convert_element_type3A_983, %mul3A_985 : vector<16xf32>
    %convert_element_type3A_987 = arith.fptosi %mul3A_986 : vector<16xf32> to vector<16xi32>
    %mul3A_988 = arith.constant 10000 : i32
    %mul3A_989 = vector.broadcast %mul3A_988 : i32 to vector<16xi32>
    %mul3A_990 = arith.muli %convert_element_type3A_987, %mul3A_989 : vector<16xi32>
    %sub3A_991 = arith.subi %get3A_982, %mul3A_990 : vector<16xi32>
    %lt3A_992 = arith.constant 0 : i32
    %lt3A_993 = vector.broadcast %lt3A_992 : i32 to vector<16xi32>
    %lt3A_994 = arith.cmpi slt, %sub3A_991, %lt3A_993 : vector<16xi32>
    %add3A_995 = arith.constant 10000 : i32
    %add3A_996 = vector.broadcast %add3A_995 : i32 to vector<16xi32>
    %add3A_997 = arith.addi %sub3A_991, %add3A_996 : vector<16xi32>
    %select_n3A_998 = arith.select %lt3A_994, %add3A_997, %sub3A_991 : vector<16xi1>, vector<16xi32>
    %ge3A_999 = arith.constant 10000 : i32
    %ge3A_1000 = vector.broadcast %ge3A_999 : i32 to vector<16xi32>
    %ge3A_1001 = arith.cmpi sge, %select_n3A_998, %ge3A_1000 : vector<16xi32>
    %sub3A_1002 = arith.constant 10000 : i32
    %sub3A_1003 = vector.broadcast %sub3A_1002 : i32 to vector<16xi32>
    %sub3A_1004 = arith.subi %select_n3A_998, %sub3A_1003 : vector<16xi32>
    %select_n3A_1005 = arith.select %ge3A_1001, %sub3A_1004, %select_n3A_998 : vector<16xi1>, vector<16xi32>
    %swap3A_1006 = arith.constant 1 : i32
    %swap3A_1007 = arith.index_cast %swap3A_1006 : i32 to index
    %swap3A_1008 = arith.constant 80 : index
    %swap3A_1009 = tpu.vector_load %arg9[%swap3A_1007, %swap3A_1008] {strides = array<i32>} : memref<4x128xi32, #tpu.memory_space<vmem>>, vector<1x16xi32>,
    %swap3A_1010 = vector.shape_cast %swap3A_1009 : vector<1x16xi32> to vector<16xi32>
    %swap3A_1011 = vector.shape_cast %select_n3A_1005 : vector<16xi32> to vector<1x16xi32>
    tpu.vector_store %arg9[%swap3A_1007, %swap3A_1008], %swap3A_1011 {strides = array<i32>} : memref<4x128xi32, #tpu.memory_space<vmem>>, vector<1x16xi32>,
    %get3A_1012 = arith.constant 0 : i32
    %get3A_1013 = arith.index_cast %get3A_1012 : i32 to index
    %get3A_1014 = arith.constant 224 : index
    %get3A_1015 = tpu.vector_load %arg7[%get3A_1013, %get3A_1014] {strides = array<i32>} : memref<2x512xi32, #tpu.memory_space<vmem>>, vector<1x16xi32>,
    %get3A_1016 = vector.shape_cast %get3A_1015 : vector<1x16xi32> to vector<16xi32>
    %convert_element_type3A_1017 = arith.sitofp %get3A_1016 : vector<16xi32> to vector<16xf32>
    %mul3A_1018 = arith.constant 9.99999974E-5 : f32
    %mul3A_1019 = vector.broadcast %mul3A_1018 : f32 to vector<16xf32>
    %mul3A_1020 = arith.mulf %convert_element_type3A_1017, %mul3A_1019 : vector<16xf32>
    %convert_element_type3A_1021 = arith.fptosi %mul3A_1020 : vector<16xf32> to vector<16xi32>
    %mul3A_1022 = arith.constant 10000 : i32
    %mul3A_1023 = vector.broadcast %mul3A_1022 : i32 to vector<16xi32>
    %mul3A_1024 = arith.muli %convert_element_type3A_1021, %mul3A_1023 : vector<16xi32>
    %sub3A_1025 = arith.subi %get3A_1016, %mul3A_1024 : vector<16xi32>
    %lt3A_1026 = arith.constant 0 : i32
    %lt3A_1027 = vector.broadcast %lt3A_1026 : i32 to vector<16xi32>
    %lt3A_1028 = arith.cmpi slt, %sub3A_1025, %lt3A_1027 : vector<16xi32>
    %add3A_1029 = arith.constant 10000 : i32
    %add3A_1030 = vector.broadcast %add3A_1029 : i32 to vector<16xi32>
    %add3A_1031 = arith.addi %sub3A_1025, %add3A_1030 : vector<16xi32>
    %select_n3A_1032 = arith.select %lt3A_1028, %add3A_1031, %sub3A_1025 : vector<16xi1>, vector<16xi32>
    %ge3A_1033 = arith.constant 10000 : i32
    %ge3A_1034 = vector.broadcast %ge3A_1033 : i32 to vector<16xi32>
    %ge3A_1035 = arith.cmpi sge, %select_n3A_1032, %ge3A_1034 : vector<16xi32>
    %sub3A_1036 = arith.constant 10000 : i32
    %sub3A_1037 = vector.broadcast %sub3A_1036 : i32 to vector<16xi32>
    %sub3A_1038 = arith.subi %select_n3A_1032, %sub3A_1037 : vector<16xi32>
    %select_n3A_1039 = arith.select %ge3A_1035, %sub3A_1038, %select_n3A_1032 : vector<16xi1>, vector<16xi32>
    %swap3A_1040 = arith.constant 1 : i32
    %swap3A_1041 = arith.index_cast %swap3A_1040 : i32 to index
    %swap3A_1042 = arith.constant 96 : index
    %swap3A_1043 = tpu.vector_load %arg8[%swap3A_1041, %swap3A_1042] {strides = array<i32>} : memref<4x128xi32, #tpu.memory_space<vmem>>, vector<1x16xi32>,
    %swap3A_1044 = vector.shape_cast %swap3A_1043 : vector<1x16xi32> to vector<16xi32>
    %swap3A_1045 = vector.shape_cast %select_n3A_1039 : vector<16xi32> to vector<1x16xi32>
    tpu.vector_store %arg8[%swap3A_1041, %swap3A_1042], %swap3A_1045 {strides = array<i32>} : memref<4x128xi32, #tpu.memory_space<vmem>>, vector<1x16xi32>,
    %get3A_1046 = arith.constant 1 : i32
    %get3A_1047 = arith.index_cast %get3A_1046 : i32 to index
    %get3A_1048 = arith.constant 224 : index
    %get3A_1049 = tpu.vector_load %arg7[%get3A_1047, %get3A_1048] {strides = array<i32>} : memref<2x512xi32, #tpu.memory_space<vmem>>, vector<1x16xi32>,
    %get3A_1050 = vector.shape_cast %get3A_1049 : vector<1x16xi32> to vector<16xi32>
    %convert_element_type3A_1051 = arith.sitofp %get3A_1050 : vector<16xi32> to vector<16xf32>
    %mul3A_1052 = arith.constant 9.99999974E-5 : f32
    %mul3A_1053 = vector.broadcast %mul3A_1052 : f32 to vector<16xf32>
    %mul3A_1054 = arith.mulf %convert_element_type3A_1051, %mul3A_1053 : vector<16xf32>
    %convert_element_type3A_1055 = arith.fptosi %mul3A_1054 : vector<16xf32> to vector<16xi32>
    %mul3A_1056 = arith.constant 10000 : i32
    %mul3A_1057 = vector.broadcast %mul3A_1056 : i32 to vector<16xi32>
    %mul3A_1058 = arith.muli %convert_element_type3A_1055, %mul3A_1057 : vector<16xi32>
    %sub3A_1059 = arith.subi %get3A_1050, %mul3A_1058 : vector<16xi32>
    %lt3A_1060 = arith.constant 0 : i32
    %lt3A_1061 = vector.broadcast %lt3A_1060 : i32 to vector<16xi32>
    %lt3A_1062 = arith.cmpi slt, %sub3A_1059, %lt3A_1061 : vector<16xi32>
    %add3A_1063 = arith.constant 10000 : i32
    %add3A_1064 = vector.broadcast %add3A_1063 : i32 to vector<16xi32>
    %add3A_1065 = arith.addi %sub3A_1059, %add3A_1064 : vector<16xi32>
    %select_n3A_1066 = arith.select %lt3A_1062, %add3A_1065, %sub3A_1059 : vector<16xi1>, vector<16xi32>
    %ge3A_1067 = arith.constant 10000 : i32
    %ge3A_1068 = vector.broadcast %ge3A_1067 : i32 to vector<16xi32>
    %ge3A_1069 = arith.cmpi sge, %select_n3A_1066, %ge3A_1068 : vector<16xi32>
    %sub3A_1070 = arith.constant 10000 : i32
    %sub3A_1071 = vector.broadcast %sub3A_1070 : i32 to vector<16xi32>
    %sub3A_1072 = arith.subi %select_n3A_1066, %sub3A_1071 : vector<16xi32>
    %select_n3A_1073 = arith.select %ge3A_1069, %sub3A_1072, %select_n3A_1066 : vector<16xi1>, vector<16xi32>
    %swap3A_1074 = arith.constant 1 : i32
    %swap3A_1075 = arith.index_cast %swap3A_1074 : i32 to index
    %swap3A_1076 = arith.constant 96 : index
    %swap3A_1077 = tpu.vector_load %arg9[%swap3A_1075, %swap3A_1076] {strides = array<i32>} : memref<4x128xi32, #tpu.memory_space<vmem>>, vector<1x16xi32>,
    %swap3A_1078 = vector.shape_cast %swap3A_1077 : vector<1x16xi32> to vector<16xi32>
    %swap3A_1079 = vector.shape_cast %select_n3A_1073 : vector<16xi32> to vector<1x16xi32>
    tpu.vector_store %arg9[%swap3A_1075, %swap3A_1076], %swap3A_1079 {strides = array<i32>} : memref<4x128xi32, #tpu.memory_space<vmem>>, vector<1x16xi32>,
    %get3A_1080 = arith.constant 0 : i32
    %get3A_1081 = arith.index_cast %get3A_1080 : i32 to index
    %get3A_1082 = arith.constant 240 : index
    %get3A_1083 = tpu.vector_load %arg7[%get3A_1081, %get3A_1082] {strides = array<i32>} : memref<2x512xi32, #tpu.memory_space<vmem>>, vector<1x16xi32>,
    %get3A_1084 = vector.shape_cast %get3A_1083 : vector<1x16xi32> to vector<16xi32>
    %convert_element_type3A_1085 = arith.sitofp %get3A_1084 : vector<16xi32> to vector<16xf32>
    %mul3A_1086 = arith.constant 9.99999974E-5 : f32
    %mul3A_1087 = vector.broadcast %mul3A_1086 : f32 to vector<16xf32>
    %mul3A_1088 = arith.mulf %convert_element_type3A_1085, %mul3A_1087 : vector<16xf32>
    %convert_element_type3A_1089 = arith.fptosi %mul3A_1088 : vector<16xf32> to vector<16xi32>
    %mul3A_1090 = arith.constant 10000 : i32
    %mul3A_1091 = vector.broadcast %mul3A_1090 : i32 to vector<16xi32>
    %mul3A_1092 = arith.muli %convert_element_type3A_1089, %mul3A_1091 : vector<16xi32>
    %sub3A_1093 = arith.subi %get3A_1084, %mul3A_1092 : vector<16xi32>
    %lt3A_1094 = arith.constant 0 : i32
    %lt3A_1095 = vector.broadcast %lt3A_1094 : i32 to vector<16xi32>
    %lt3A_1096 = arith.cmpi slt, %sub3A_1093, %lt3A_1095 : vector<16xi32>
    %add3A_1097 = arith.constant 10000 : i32
    %add3A_1098 = vector.broadcast %add3A_1097 : i32 to vector<16xi32>
    %add3A_1099 = arith.addi %sub3A_1093, %add3A_1098 : vector<16xi32>
    %select_n3A_1100 = arith.select %lt3A_1096, %add3A_1099, %sub3A_1093 : vector<16xi1>, vector<16xi32>
    %ge3A_1101 = arith.constant 10000 : i32
    %ge3A_1102 = vector.broadcast %ge3A_1101 : i32 to vector<16xi32>
    %ge3A_1103 = arith.cmpi sge, %select_n3A_1100, %ge3A_1102 : vector<16xi32>
    %sub3A_1104 = arith.constant 10000 : i32
    %sub3A_1105 = vector.broadcast %sub3A_1104 : i32 to vector<16xi32>
    %sub3A_1106 = arith.subi %select_n3A_1100, %sub3A_1105 : vector<16xi32>
    %select_n3A_1107 = arith.select %ge3A_1103, %sub3A_1106, %select_n3A_1100 : vector<16xi1>, vector<16xi32>
    %swap3A_1108 = arith.constant 1 : i32
    %swap3A_1109 = arith.index_cast %swap3A_1108 : i32 to index
    %swap3A_1110 = arith.constant 112 : index
    %swap3A_1111 = tpu.vector_load %arg8[%swap3A_1109, %swap3A_1110] {strides = array<i32>} : memref<4x128xi32, #tpu.memory_space<vmem>>, vector<1x16xi32>,
    %swap3A_1112 = vector.shape_cast %swap3A_1111 : vector<1x16xi32> to vector<16xi32>
    %swap3A_1113 = vector.shape_cast %select_n3A_1107 : vector<16xi32> to vector<1x16xi32>
    tpu.vector_store %arg8[%swap3A_1109, %swap3A_1110], %swap3A_1113 {strides = array<i32>} : memref<4x128xi32, #tpu.memory_space<vmem>>, vector<1x16xi32>,
    %get3A_1114 = arith.constant 1 : i32
    %get3A_1115 = arith.index_cast %get3A_1114 : i32 to index
    %get3A_1116 = arith.constant 240 : index
    %get3A_1117 = tpu.vector_load %arg7[%get3A_1115, %get3A_1116] {strides = array<i32>} : memref<2x512xi32, #tpu.memory_space<vmem>>, vector<1x16xi32>,
    %get3A_1118 = vector.shape_cast %get3A_1117 : vector<1x16xi32> to vector<16xi32>
    %convert_element_type3A_1119 = arith.sitofp %get3A_1118 : vector<16xi32> to vector<16xf32>
    %mul3A_1120 = arith.constant 9.99999974E-5 : f32
    %mul3A_1121 = vector.broadcast %mul3A_1120 : f32 to vector<16xf32>
    %mul3A_1122 = arith.mulf %convert_element_type3A_1119, %mul3A_1121 : vector<16xf32>
    %convert_element_type3A_1123 = arith.fptosi %mul3A_1122 : vector<16xf32> to vector<16xi32>
    %mul3A_1124 = arith.constant 10000 : i32
    %mul3A_1125 = vector.broadcast %mul3A_1124 : i32 to vector<16xi32>
    %mul3A_1126 = arith.muli %convert_element_type3A_1123, %mul3A_1125 : vector<16xi32>
    %sub3A_1127 = arith.subi %get3A_1118, %mul3A_1126 : vector<16xi32>
    %lt3A_1128 = arith.constant 0 : i32
    %lt3A_1129 = vector.broadcast %lt3A_1128 : i32 to vector<16xi32>
    %lt3A_1130 = arith.cmpi slt, %sub3A_1127, %lt3A_1129 : vector<16xi32>
    %add3A_1131 = arith.constant 10000 : i32
    %add3A_1132 = vector.broadcast %add3A_1131 : i32 to vector<16xi32>
    %add3A_1133 = arith.addi %sub3A_1127, %add3A_1132 : vector<16xi32>
    %select_n3A_1134 = arith.select %lt3A_1130, %add3A_1133, %sub3A_1127 : vector<16xi1>, vector<16xi32>
    %ge3A_1135 = arith.constant 10000 : i32
    %ge3A_1136 = vector.broadcast %ge3A_1135 : i32 to vector<16xi32>
    %ge3A_1137 = arith.cmpi sge, %select_n3A_1134, %ge3A_1136 : vector<16xi32>
    %sub3A_1138 = arith.constant 10000 : i32
    %sub3A_1139 = vector.broadcast %sub3A_1138 : i32 to vector<16xi32>
    %sub3A_1140 = arith.subi %select_n3A_1134, %sub3A_1139 : vector<16xi32>
    %select_n3A_1141 = arith.select %ge3A_1137, %sub3A_1140, %select_n3A_1134 : vector<16xi1>, vector<16xi32>
    %swap3A_1142 = arith.constant 1 : i32
    %swap3A_1143 = arith.index_cast %swap3A_1142 : i32 to index
    %swap3A_1144 = arith.constant 112 : index
    %swap3A_1145 = tpu.vector_load %arg9[%swap3A_1143, %swap3A_1144] {strides = array<i32>} : memref<4x128xi32, #tpu.memory_space<vmem>>, vector<1x16xi32>,
    %swap3A_1146 = vector.shape_cast %swap3A_1145 : vector<1x16xi32> to vector<16xi32>
    %swap3A_1147 = vector.shape_cast %select_n3A_1141 : vector<16xi32> to vector<1x16xi32>
    tpu.vector_store %arg9[%swap3A_1143, %swap3A_1144], %swap3A_1147 {strides = array<i32>} : memref<4x128xi32, #tpu.memory_space<vmem>>, vector<1x16xi32>,
    %dma_start3A_1148 = arith.constant 1 : i32
    %dma_start3A_1149 = arith.constant 0 : i32
    %dma_start3A_1150 = arith.constant 1 : i32
    %dma_start3A_1151 = arith.constant 128 : i32
    %dma_start3A_1152 = arith.constant 0 : i32
    %dma_start3A_1153 = tpu.memref_slice %arg10[%dma_start3A_1149, %dma_start3A_1151, %dma_start3A_1152] : memref<2x512x64xf32, #tpu.memory_space<vmem>> -> memref<1x128x64xf32, #tpu.memory_space<vmem>>
    %dma_start3A_1154 = tpu.memref_squeeze %dma_start3A_1153 : memref<1x128x64xf32, #tpu.memory_space<vmem>> -> memref<128x64xf32, #tpu.memory_space<vmem>>
    %dma_start3A_1155 = arith.constant 0 : i32
    %dma_start3A_1156 = tpu.memref_slice %arg8[%dma_start3A_1148, %dma_start3A_1155] : memref<4x128xi32, #tpu.memory_space<vmem>> -> memref<1x128xi32, #tpu.memory_space<vmem>>
    %dma_start3A_1157 = tpu.memref_squeeze %dma_start3A_1156 : memref<1x128xi32, #tpu.memory_space<vmem>> -> memref<128xi32, #tpu.memory_space<vmem>>
    %dma_start3A_1158 = arith.constant 0 : i32
    %dma_start3A_1159 = arith.constant 0 : i32
    %dma_start3A_1160 = tpu.memref_slice %arg4[%dma_start3A_1158, %dma_start3A_1159] : memref<10000x64xf32, #tpu.memory_space<hbm>> -> memref<10000x64xf32, #tpu.memory_space<hbm>>
    %dma_start3A_1161 = tpu.memref_slice %arg11[%dma_start3A_1150] : memref<4x!tpu.dma_semaphore, #tpu.memory_space<semaphore_mem>> -> memref<1x!tpu.dma_semaphore, #tpu.memory_space<semaphore_mem>>
    %dma_start3A_1162 = tpu.memref_squeeze %dma_start3A_1161 : memref<1x!tpu.dma_semaphore, #tpu.memory_space<semaphore_mem>> -> memref<!tpu.dma_semaphore, #tpu.memory_space<semaphore_mem>>
    tpu.enqueue_indirect_dma source(%dma_start3A_1160 : memref<10000x64xf32, #tpu.memory_space<hbm>>) target(%dma_start3A_1154 : memref<128x64xf32, #tpu.memory_space<vmem>>) offsets(%dma_start3A_1157 : memref<128xi32, #tpu.memory_space<vmem>>) semaphore(%dma_start3A_1162 : memref<!tpu.dma_semaphore, #tpu.memory_space<semaphore_mem>>)
    %dma_start3A_1163 = arith.constant 1 : i32
    %dma_start3A_1164 = arith.constant 1 : i32
    %dma_start3A_1165 = arith.constant 1 : i32
    %dma_start3A_1166 = arith.constant 128 : i32
    %dma_start3A_1167 = arith.constant 0 : i32
    %dma_start3A_1168 = tpu.memref_slice %arg10[%dma_start3A_1164, %dma_start3A_1166, %dma_start3A_1167] : memref<2x512x64xf32, #tpu.memory_space<vmem>> -> memref<1x128x64xf32, #tpu.memory_space<vmem>>
    %dma_start3A_1169 = tpu.memref_squeeze %dma_start3A_1168 : memref<1x128x64xf32, #tpu.memory_space<vmem>> -> memref<128x64xf32, #tpu.memory_space<vmem>>
    %dma_start3A_1170 = arith.constant 0 : i32
    %dma_start3A_1171 = tpu.memref_slice %arg9[%dma_start3A_1163, %dma_start3A_1170] : memref<4x128xi32, #tpu.memory_space<vmem>> -> memref<1x128xi32, #tpu.memory_space<vmem>>
    %dma_start3A_1172 = tpu.memref_squeeze %dma_start3A_1171 : memref<1x128xi32, #tpu.memory_space<vmem>> -> memref<128xi32, #tpu.memory_space<vmem>>
    %dma_start3A_1173 = arith.constant 0 : i32
    %dma_start3A_1174 = arith.constant 0 : i32
    %dma_start3A_1175 = tpu.memref_slice %arg5[%dma_start3A_1173, %dma_start3A_1174] : memref<10000x64xf32, #tpu.memory_space<hbm>> -> memref<10000x64xf32, #tpu.memory_space<hbm>>
    %dma_start3A_1176 = tpu.memref_slice %arg11[%dma_start3A_1165] : memref<4x!tpu.dma_semaphore, #tpu.memory_space<semaphore_mem>> -> memref<1x!tpu.dma_semaphore, #tpu.memory_space<semaphore_mem>>
    %dma_start3A_1177 = tpu.memref_squeeze %dma_start3A_1176 : memref<1x!tpu.dma_semaphore, #tpu.memory_space<semaphore_mem>> -> memref<!tpu.dma_semaphore, #tpu.memory_space<semaphore_mem>>
    tpu.enqueue_indirect_dma source(%dma_start3A_1175 : memref<10000x64xf32, #tpu.memory_space<hbm>>) target(%dma_start3A_1169 : memref<128x64xf32, #tpu.memory_space<vmem>>) offsets(%dma_start3A_1172 : memref<128xi32, #tpu.memory_space<vmem>>) semaphore(%dma_start3A_1177 : memref<!tpu.dma_semaphore, #tpu.memory_space<semaphore_mem>>)
    %get3A_1178 = arith.constant 0 : i32
    %get3A_1179 = arith.index_cast %get3A_1178 : i32 to index
    %get3A_1180 = arith.constant 256 : index
    %get3A_1181 = tpu.vector_load %arg7[%get3A_1179, %get3A_1180] {strides = array<i32>} : memref<2x512xi32, #tpu.memory_space<vmem>>, vector<1x16xi32>,
    %get3A_1182 = vector.shape_cast %get3A_1181 : vector<1x16xi32> to vector<16xi32>
    %convert_element_type3A_1183 = arith.sitofp %get3A_1182 : vector<16xi32> to vector<16xf32>
    %mul3A_1184 = arith.constant 9.99999974E-5 : f32
    %mul3A_1185 = vector.broadcast %mul3A_1184 : f32 to vector<16xf32>
    %mul3A_1186 = arith.mulf %convert_element_type3A_1183, %mul3A_1185 : vector<16xf32>
    %convert_element_type3A_1187 = arith.fptosi %mul3A_1186 : vector<16xf32> to vector<16xi32>
    %mul3A_1188 = arith.constant 10000 : i32
    %mul3A_1189 = vector.broadcast %mul3A_1188 : i32 to vector<16xi32>
    %mul3A_1190 = arith.muli %convert_element_type3A_1187, %mul3A_1189 : vector<16xi32>
    %sub3A_1191 = arith.subi %get3A_1182, %mul3A_1190 : vector<16xi32>
    %lt3A_1192 = arith.constant 0 : i32
    %lt3A_1193 = vector.broadcast %lt3A_1192 : i32 to vector<16xi32>
    %lt3A_1194 = arith.cmpi slt, %sub3A_1191, %lt3A_1193 : vector<16xi32>
    %add3A_1195 = arith.constant 10000 : i32
    %add3A_1196 = vector.broadcast %add3A_1195 : i32 to vector<16xi32>
    %add3A_1197 = arith.addi %sub3A_1191, %add3A_1196 : vector<16xi32>
    %select_n3A_1198 = arith.select %lt3A_1194, %add3A_1197, %sub3A_1191 : vector<16xi1>, vector<16xi32>
    %ge3A_1199 = arith.constant 10000 : i32
    %ge3A_1200 = vector.broadcast %ge3A_1199 : i32 to vector<16xi32>
    %ge3A_1201 = arith.cmpi sge, %select_n3A_1198, %ge3A_1200 : vector<16xi32>
    %sub3A_1202 = arith.constant 10000 : i32
    %sub3A_1203 = vector.broadcast %sub3A_1202 : i32 to vector<16xi32>
    %sub3A_1204 = arith.subi %select_n3A_1198, %sub3A_1203 : vector<16xi32>
    %select_n3A_1205 = arith.select %ge3A_1201, %sub3A_1204, %select_n3A_1198 : vector<16xi1>, vector<16xi32>
    %swap3A_1206 = arith.constant 2 : i32
    %swap3A_1207 = arith.index_cast %swap3A_1206 : i32 to index
    %swap3A_1208 = arith.constant 0 : index
    %swap3A_1209 = tpu.vector_load %arg8[%swap3A_1207, %swap3A_1208] {strides = array<i32>} : memref<4x128xi32, #tpu.memory_space<vmem>>, vector<1x16xi32>,
    %swap3A_1210 = vector.shape_cast %swap3A_1209 : vector<1x16xi32> to vector<16xi32>
    %swap3A_1211 = vector.shape_cast %select_n3A_1205 : vector<16xi32> to vector<1x16xi32>
    tpu.vector_store %arg8[%swap3A_1207, %swap3A_1208], %swap3A_1211 {strides = array<i32>} : memref<4x128xi32, #tpu.memory_space<vmem>>, vector<1x16xi32>,
    %get3A_1212 = arith.constant 1 : i32
    %get3A_1213 = arith.index_cast %get3A_1212 : i32 to index
    %get3A_1214 = arith.constant 256 : index
    %get3A_1215 = tpu.vector_load %arg7[%get3A_1213, %get3A_1214] {strides = array<i32>} : memref<2x512xi32, #tpu.memory_space<vmem>>, vector<1x16xi32>,
    %get3A_1216 = vector.shape_cast %get3A_1215 : vector<1x16xi32> to vector<16xi32>
    %convert_element_type3A_1217 = arith.sitofp %get3A_1216 : vector<16xi32> to vector<16xf32>
    %mul3A_1218 = arith.constant 9.99999974E-5 : f32
    %mul3A_1219 = vector.broadcast %mul3A_1218 : f32 to vector<16xf32>
    %mul3A_1220 = arith.mulf %convert_element_type3A_1217, %mul3A_1219 : vector<16xf32>
    %convert_element_type3A_1221 = arith.fptosi %mul3A_1220 : vector<16xf32> to vector<16xi32>
    %mul3A_1222 = arith.constant 10000 : i32
    %mul3A_1223 = vector.broadcast %mul3A_1222 : i32 to vector<16xi32>
    %mul3A_1224 = arith.muli %convert_element_type3A_1221, %mul3A_1223 : vector<16xi32>
    %sub3A_1225 = arith.subi %get3A_1216, %mul3A_1224 : vector<16xi32>
    %lt3A_1226 = arith.constant 0 : i32
    %lt3A_1227 = vector.broadcast %lt3A_1226 : i32 to vector<16xi32>
    %lt3A_1228 = arith.cmpi slt, %sub3A_1225, %lt3A_1227 : vector<16xi32>
    %add3A_1229 = arith.constant 10000 : i32
    %add3A_1230 = vector.broadcast %add3A_1229 : i32 to vector<16xi32>
    %add3A_1231 = arith.addi %sub3A_1225, %add3A_1230 : vector<16xi32>
    %select_n3A_1232 = arith.select %lt3A_1228, %add3A_1231, %sub3A_1225 : vector<16xi1>, vector<16xi32>
    %ge3A_1233 = arith.constant 10000 : i32
    %ge3A_1234 = vector.broadcast %ge3A_1233 : i32 to vector<16xi32>
    %ge3A_1235 = arith.cmpi sge, %select_n3A_1232, %ge3A_1234 : vector<16xi32>
    %sub3A_1236 = arith.constant 10000 : i32
    %sub3A_1237 = vector.broadcast %sub3A_1236 : i32 to vector<16xi32>
    %sub3A_1238 = arith.subi %select_n3A_1232, %sub3A_1237 : vector<16xi32>
    %select_n3A_1239 = arith.select %ge3A_1235, %sub3A_1238, %select_n3A_1232 : vector<16xi1>, vector<16xi32>
    %swap3A_1240 = arith.constant 2 : i32
    %swap3A_1241 = arith.index_cast %swap3A_1240 : i32 to index
    %swap3A_1242 = arith.constant 0 : index
    %swap3A_1243 = tpu.vector_load %arg9[%swap3A_1241, %swap3A_1242] {strides = array<i32>} : memref<4x128xi32, #tpu.memory_space<vmem>>, vector<1x16xi32>,
    %swap3A_1244 = vector.shape_cast %swap3A_1243 : vector<1x16xi32> to vector<16xi32>
    %swap3A_1245 = vector.shape_cast %select_n3A_1239 : vector<16xi32> to vector<1x16xi32>
    tpu.vector_store %arg9[%swap3A_1241, %swap3A_1242], %swap3A_1245 {strides = array<i32>} : memref<4x128xi32, #tpu.memory_space<vmem>>, vector<1x16xi32>,
    %get3A_1246 = arith.constant 0 : i32
    %get3A_1247 = arith.index_cast %get3A_1246 : i32 to index
    %get3A_1248 = arith.constant 272 : index
    %get3A_1249 = tpu.vector_load %arg7[%get3A_1247, %get3A_1248] {strides = array<i32>} : memref<2x512xi32, #tpu.memory_space<vmem>>, vector<1x16xi32>,
    %get3A_1250 = vector.shape_cast %get3A_1249 : vector<1x16xi32> to vector<16xi32>
    %convert_element_type3A_1251 = arith.sitofp %get3A_1250 : vector<16xi32> to vector<16xf32>
    %mul3A_1252 = arith.constant 9.99999974E-5 : f32
    %mul3A_1253 = vector.broadcast %mul3A_1252 : f32 to vector<16xf32>
    %mul3A_1254 = arith.mulf %convert_element_type3A_1251, %mul3A_1253 : vector<16xf32>
    %convert_element_type3A_1255 = arith.fptosi %mul3A_1254 : vector<16xf32> to vector<16xi32>
    %mul3A_1256 = arith.constant 10000 : i32
    %mul3A_1257 = vector.broadcast %mul3A_1256 : i32 to vector<16xi32>
    %mul3A_1258 = arith.muli %convert_element_type3A_1255, %mul3A_1257 : vector<16xi32>
    %sub3A_1259 = arith.subi %get3A_1250, %mul3A_1258 : vector<16xi32>
    %lt3A_1260 = arith.constant 0 : i32
    %lt3A_1261 = vector.broadcast %lt3A_1260 : i32 to vector<16xi32>
    %lt3A_1262 = arith.cmpi slt, %sub3A_1259, %lt3A_1261 : vector<16xi32>
    %add3A_1263 = arith.constant 10000 : i32
    %add3A_1264 = vector.broadcast %add3A_1263 : i32 to vector<16xi32>
    %add3A_1265 = arith.addi %sub3A_1259, %add3A_1264 : vector<16xi32>
    %select_n3A_1266 = arith.select %lt3A_1262, %add3A_1265, %sub3A_1259 : vector<16xi1>, vector<16xi32>
    %ge3A_1267 = arith.constant 10000 : i32
    %ge3A_1268 = vector.broadcast %ge3A_1267 : i32 to vector<16xi32>
    %ge3A_1269 = arith.cmpi sge, %select_n3A_1266, %ge3A_1268 : vector<16xi32>
    %sub3A_1270 = arith.constant 10000 : i32
    %sub3A_1271 = vector.broadcast %sub3A_1270 : i32 to vector<16xi32>
    %sub3A_1272 = arith.subi %select_n3A_1266, %sub3A_1271 : vector<16xi32>
    %select_n3A_1273 = arith.select %ge3A_1269, %sub3A_1272, %select_n3A_1266 : vector<16xi1>, vector<16xi32>
    %swap3A_1274 = arith.constant 2 : i32
    %swap3A_1275 = arith.index_cast %swap3A_1274 : i32 to index
    %swap3A_1276 = arith.constant 16 : index
    %swap3A_1277 = tpu.vector_load %arg8[%swap3A_1275, %swap3A_1276] {strides = array<i32>} : memref<4x128xi32, #tpu.memory_space<vmem>>, vector<1x16xi32>,
    %swap3A_1278 = vector.shape_cast %swap3A_1277 : vector<1x16xi32> to vector<16xi32>
    %swap3A_1279 = vector.shape_cast %select_n3A_1273 : vector<16xi32> to vector<1x16xi32>
    tpu.vector_store %arg8[%swap3A_1275, %swap3A_1276], %swap3A_1279 {strides = array<i32>} : memref<4x128xi32, #tpu.memory_space<vmem>>, vector<1x16xi32>,
    %get3A_1280 = arith.constant 1 : i32
    %get3A_1281 = arith.index_cast %get3A_1280 : i32 to index
    %get3A_1282 = arith.constant 272 : index
    %get3A_1283 = tpu.vector_load %arg7[%get3A_1281, %get3A_1282] {strides = array<i32>} : memref<2x512xi32, #tpu.memory_space<vmem>>, vector<1x16xi32>,
    %get3A_1284 = vector.shape_cast %get3A_1283 : vector<1x16xi32> to vector<16xi32>
    %convert_element_type3A_1285 = arith.sitofp %get3A_1284 : vector<16xi32> to vector<16xf32>
    %mul3A_1286 = arith.constant 9.99999974E-5 : f32
    %mul3A_1287 = vector.broadcast %mul3A_1286 : f32 to vector<16xf32>
    %mul3A_1288 = arith.mulf %convert_element_type3A_1285, %mul3A_1287 : vector<16xf32>
    %convert_element_type3A_1289 = arith.fptosi %mul3A_1288 : vector<16xf32> to vector<16xi32>
    %mul3A_1290 = arith.constant 10000 : i32
    %mul3A_1291 = vector.broadcast %mul3A_1290 : i32 to vector<16xi32>
    %mul3A_1292 = arith.muli %convert_element_type3A_1289, %mul3A_1291 : vector<16xi32>
    %sub3A_1293 = arith.subi %get3A_1284, %mul3A_1292 : vector<16xi32>
    %lt3A_1294 = arith.constant 0 : i32
    %lt3A_1295 = vector.broadcast %lt3A_1294 : i32 to vector<16xi32>
    %lt3A_1296 = arith.cmpi slt, %sub3A_1293, %lt3A_1295 : vector<16xi32>
    %add3A_1297 = arith.constant 10000 : i32
    %add3A_1298 = vector.broadcast %add3A_1297 : i32 to vector<16xi32>
    %add3A_1299 = arith.addi %sub3A_1293, %add3A_1298 : vector<16xi32>
    %select_n3A_1300 = arith.select %lt3A_1296, %add3A_1299, %sub3A_1293 : vector<16xi1>, vector<16xi32>
    %ge3A_1301 = arith.constant 10000 : i32
    %ge3A_1302 = vector.broadcast %ge3A_1301 : i32 to vector<16xi32>
    %ge3A_1303 = arith.cmpi sge, %select_n3A_1300, %ge3A_1302 : vector<16xi32>
    %sub3A_1304 = arith.constant 10000 : i32
    %sub3A_1305 = vector.broadcast %sub3A_1304 : i32 to vector<16xi32>
    %sub3A_1306 = arith.subi %select_n3A_1300, %sub3A_1305 : vector<16xi32>
    %select_n3A_1307 = arith.select %ge3A_1303, %sub3A_1306, %select_n3A_1300 : vector<16xi1>, vector<16xi32>
    %swap3A_1308 = arith.constant 2 : i32
    %swap3A_1309 = arith.index_cast %swap3A_1308 : i32 to index
    %swap3A_1310 = arith.constant 16 : index
    %swap3A_1311 = tpu.vector_load %arg9[%swap3A_1309, %swap3A_1310] {strides = array<i32>} : memref<4x128xi32, #tpu.memory_space<vmem>>, vector<1x16xi32>,
    %swap3A_1312 = vector.shape_cast %swap3A_1311 : vector<1x16xi32> to vector<16xi32>
    %swap3A_1313 = vector.shape_cast %select_n3A_1307 : vector<16xi32> to vector<1x16xi32>
    tpu.vector_store %arg9[%swap3A_1309, %swap3A_1310], %swap3A_1313 {strides = array<i32>} : memref<4x128xi32, #tpu.memory_space<vmem>>, vector<1x16xi32>,
    %get3A_1314 = arith.constant 0 : i32
    %get3A_1315 = arith.index_cast %get3A_1314 : i32 to index
    %get3A_1316 = arith.constant 288 : index
    %get3A_1317 = tpu.vector_load %arg7[%get3A_1315, %get3A_1316] {strides = array<i32>} : memref<2x512xi32, #tpu.memory_space<vmem>>, vector<1x16xi32>,
    %get3A_1318 = vector.shape_cast %get3A_1317 : vector<1x16xi32> to vector<16xi32>
    %convert_element_type3A_1319 = arith.sitofp %get3A_1318 : vector<16xi32> to vector<16xf32>
    %mul3A_1320 = arith.constant 9.99999974E-5 : f32
    %mul3A_1321 = vector.broadcast %mul3A_1320 : f32 to vector<16xf32>
    %mul3A_1322 = arith.mulf %convert_element_type3A_1319, %mul3A_1321 : vector<16xf32>
    %convert_element_type3A_1323 = arith.fptosi %mul3A_1322 : vector<16xf32> to vector<16xi32>
    %mul3A_1324 = arith.constant 10000 : i32
    %mul3A_1325 = vector.broadcast %mul3A_1324 : i32 to vector<16xi32>
    %mul3A_1326 = arith.muli %convert_element_type3A_1323, %mul3A_1325 : vector<16xi32>
    %sub3A_1327 = arith.subi %get3A_1318, %mul3A_1326 : vector<16xi32>
    %lt3A_1328 = arith.constant 0 : i32
    %lt3A_1329 = vector.broadcast %lt3A_1328 : i32 to vector<16xi32>
    %lt3A_1330 = arith.cmpi slt, %sub3A_1327, %lt3A_1329 : vector<16xi32>
    %add3A_1331 = arith.constant 10000 : i32
    %add3A_1332 = vector.broadcast %add3A_1331 : i32 to vector<16xi32>
    %add3A_1333 = arith.addi %sub3A_1327, %add3A_1332 : vector<16xi32>
    %select_n3A_1334 = arith.select %lt3A_1330, %add3A_1333, %sub3A_1327 : vector<16xi1>, vector<16xi32>
    %ge3A_1335 = arith.constant 10000 : i32
    %ge3A_1336 = vector.broadcast %ge3A_1335 : i32 to vector<16xi32>
    %ge3A_1337 = arith.cmpi sge, %select_n3A_1334, %ge3A_1336 : vector<16xi32>
    %sub3A_1338 = arith.constant 10000 : i32
    %sub3A_1339 = vector.broadcast %sub3A_1338 : i32 to vector<16xi32>
    %sub3A_1340 = arith.subi %select_n3A_1334, %sub3A_1339 : vector<16xi32>
    %select_n3A_1341 = arith.select %ge3A_1337, %sub3A_1340, %select_n3A_1334 : vector<16xi1>, vector<16xi32>
    %swap3A_1342 = arith.constant 2 : i32
    %swap3A_1343 = arith.index_cast %swap3A_1342 : i32 to index
    %swap3A_1344 = arith.constant 32 : index
    %swap3A_1345 = tpu.vector_load %arg8[%swap3A_1343, %swap3A_1344] {strides = array<i32>} : memref<4x128xi32, #tpu.memory_space<vmem>>, vector<1x16xi32>,
    %swap3A_1346 = vector.shape_cast %swap3A_1345 : vector<1x16xi32> to vector<16xi32>
    %swap3A_1347 = vector.shape_cast %select_n3A_1341 : vector<16xi32> to vector<1x16xi32>
    tpu.vector_store %arg8[%swap3A_1343, %swap3A_1344], %swap3A_1347 {strides = array<i32>} : memref<4x128xi32, #tpu.memory_space<vmem>>, vector<1x16xi32>,
    %get3A_1348 = arith.constant 1 : i32
    %get3A_1349 = arith.index_cast %get3A_1348 : i32 to index
    %get3A_1350 = arith.constant 288 : index
    %get3A_1351 = tpu.vector_load %arg7[%get3A_1349, %get3A_1350] {strides = array<i32>} : memref<2x512xi32, #tpu.memory_space<vmem>>, vector<1x16xi32>,
    %get3A_1352 = vector.shape_cast %get3A_1351 : vector<1x16xi32> to vector<16xi32>
    %convert_element_type3A_1353 = arith.sitofp %get3A_1352 : vector<16xi32> to vector<16xf32>
    %mul3A_1354 = arith.constant 9.99999974E-5 : f32
    %mul3A_1355 = vector.broadcast %mul3A_1354 : f32 to vector<16xf32>
    %mul3A_1356 = arith.mulf %convert_element_type3A_1353, %mul3A_1355 : vector<16xf32>
    %convert_element_type3A_1357 = arith.fptosi %mul3A_1356 : vector<16xf32> to vector<16xi32>
    %mul3A_1358 = arith.constant 10000 : i32
    %mul3A_1359 = vector.broadcast %mul3A_1358 : i32 to vector<16xi32>
    %mul3A_1360 = arith.muli %convert_element_type3A_1357, %mul3A_1359 : vector<16xi32>
    %sub3A_1361 = arith.subi %get3A_1352, %mul3A_1360 : vector<16xi32>
    %lt3A_1362 = arith.constant 0 : i32
    %lt3A_1363 = vector.broadcast %lt3A_1362 : i32 to vector<16xi32>
    %lt3A_1364 = arith.cmpi slt, %sub3A_1361, %lt3A_1363 : vector<16xi32>
    %add3A_1365 = arith.constant 10000 : i32
    %add3A_1366 = vector.broadcast %add3A_1365 : i32 to vector<16xi32>
    %add3A_1367 = arith.addi %sub3A_1361, %add3A_1366 : vector<16xi32>
    %select_n3A_1368 = arith.select %lt3A_1364, %add3A_1367, %sub3A_1361 : vector<16xi1>, vector<16xi32>
    %ge3A_1369 = arith.constant 10000 : i32
    %ge3A_1370 = vector.broadcast %ge3A_1369 : i32 to vector<16xi32>
    %ge3A_1371 = arith.cmpi sge, %select_n3A_1368, %ge3A_1370 : vector<16xi32>
    %sub3A_1372 = arith.constant 10000 : i32
    %sub3A_1373 = vector.broadcast %sub3A_1372 : i32 to vector<16xi32>
    %sub3A_1374 = arith.subi %select_n3A_1368, %sub3A_1373 : vector<16xi32>
    %select_n3A_1375 = arith.select %ge3A_1371, %sub3A_1374, %select_n3A_1368 : vector<16xi1>, vector<16xi32>
    %swap3A_1376 = arith.constant 2 : i32
    %swap3A_1377 = arith.index_cast %swap3A_1376 : i32 to index
    %swap3A_1378 = arith.constant 32 : index
    %swap3A_1379 = tpu.vector_load %arg9[%swap3A_1377, %swap3A_1378] {strides = array<i32>} : memref<4x128xi32, #tpu.memory_space<vmem>>, vector<1x16xi32>,
    %swap3A_1380 = vector.shape_cast %swap3A_1379 : vector<1x16xi32> to vector<16xi32>
    %swap3A_1381 = vector.shape_cast %select_n3A_1375 : vector<16xi32> to vector<1x16xi32>
    tpu.vector_store %arg9[%swap3A_1377, %swap3A_1378], %swap3A_1381 {strides = array<i32>} : memref<4x128xi32, #tpu.memory_space<vmem>>, vector<1x16xi32>,
    %get3A_1382 = arith.constant 0 : i32
    %get3A_1383 = arith.index_cast %get3A_1382 : i32 to index
    %get3A_1384 = arith.constant 304 : index
    %get3A_1385 = tpu.vector_load %arg7[%get3A_1383, %get3A_1384] {strides = array<i32>} : memref<2x512xi32, #tpu.memory_space<vmem>>, vector<1x16xi32>,
    %get3A_1386 = vector.shape_cast %get3A_1385 : vector<1x16xi32> to vector<16xi32>
    %convert_element_type3A_1387 = arith.sitofp %get3A_1386 : vector<16xi32> to vector<16xf32>
    %mul3A_1388 = arith.constant 9.99999974E-5 : f32
    %mul3A_1389 = vector.broadcast %mul3A_1388 : f32 to vector<16xf32>
    %mul3A_1390 = arith.mulf %convert_element_type3A_1387, %mul3A_1389 : vector<16xf32>
    %convert_element_type3A_1391 = arith.fptosi %mul3A_1390 : vector<16xf32> to vector<16xi32>
    %mul3A_1392 = arith.constant 10000 : i32
    %mul3A_1393 = vector.broadcast %mul3A_1392 : i32 to vector<16xi32>
    %mul3A_1394 = arith.muli %convert_element_type3A_1391, %mul3A_1393 : vector<16xi32>
    %sub3A_1395 = arith.subi %get3A_1386, %mul3A_1394 : vector<16xi32>
    %lt3A_1396 = arith.constant 0 : i32
    %lt3A_1397 = vector.broadcast %lt3A_1396 : i32 to vector<16xi32>
    %lt3A_1398 = arith.cmpi slt, %sub3A_1395, %lt3A_1397 : vector<16xi32>
    %add3A_1399 = arith.constant 10000 : i32
    %add3A_1400 = vector.broadcast %add3A_1399 : i32 to vector<16xi32>
    %add3A_1401 = arith.addi %sub3A_1395, %add3A_1400 : vector<16xi32>
    %select_n3A_1402 = arith.select %lt3A_1398, %add3A_1401, %sub3A_1395 : vector<16xi1>, vector<16xi32>
    %ge3A_1403 = arith.constant 10000 : i32
    %ge3A_1404 = vector.broadcast %ge3A_1403 : i32 to vector<16xi32>
    %ge3A_1405 = arith.cmpi sge, %select_n3A_1402, %ge3A_1404 : vector<16xi32>
    %sub3A_1406 = arith.constant 10000 : i32
    %sub3A_1407 = vector.broadcast %sub3A_1406 : i32 to vector<16xi32>
    %sub3A_1408 = arith.subi %select_n3A_1402, %sub3A_1407 : vector<16xi32>
    %select_n3A_1409 = arith.select %ge3A_1405, %sub3A_1408, %select_n3A_1402 : vector<16xi1>, vector<16xi32>
    %swap3A_1410 = arith.constant 2 : i32
    %swap3A_1411 = arith.index_cast %swap3A_1410 : i32 to index
    %swap3A_1412 = arith.constant 48 : index
    %swap3A_1413 = tpu.vector_load %arg8[%swap3A_1411, %swap3A_1412] {strides = array<i32>} : memref<4x128xi32, #tpu.memory_space<vmem>>, vector<1x16xi32>,
    %swap3A_1414 = vector.shape_cast %swap3A_1413 : vector<1x16xi32> to vector<16xi32>
    %swap3A_1415 = vector.shape_cast %select_n3A_1409 : vector<16xi32> to vector<1x16xi32>
    tpu.vector_store %arg8[%swap3A_1411, %swap3A_1412], %swap3A_1415 {strides = array<i32>} : memref<4x128xi32, #tpu.memory_space<vmem>>, vector<1x16xi32>,
    %get3A_1416 = arith.constant 1 : i32
    %get3A_1417 = arith.index_cast %get3A_1416 : i32 to index
    %get3A_1418 = arith.constant 304 : index
    %get3A_1419 = tpu.vector_load %arg7[%get3A_1417, %get3A_1418] {strides = array<i32>} : memref<2x512xi32, #tpu.memory_space<vmem>>, vector<1x16xi32>,
    %get3A_1420 = vector.shape_cast %get3A_1419 : vector<1x16xi32> to vector<16xi32>
    %convert_element_type3A_1421 = arith.sitofp %get3A_1420 : vector<16xi32> to vector<16xf32>
    %mul3A_1422 = arith.constant 9.99999974E-5 : f32
    %mul3A_1423 = vector.broadcast %mul3A_1422 : f32 to vector<16xf32>
    %mul3A_1424 = arith.mulf %convert_element_type3A_1421, %mul3A_1423 : vector<16xf32>
    %convert_element_type3A_1425 = arith.fptosi %mul3A_1424 : vector<16xf32> to vector<16xi32>
    %mul3A_1426 = arith.constant 10000 : i32
    %mul3A_1427 = vector.broadcast %mul3A_1426 : i32 to vector<16xi32>
    %mul3A_1428 = arith.muli %convert_element_type3A_1425, %mul3A_1427 : vector<16xi32>
    %sub3A_1429 = arith.subi %get3A_1420, %mul3A_1428 : vector<16xi32>
    %lt3A_1430 = arith.constant 0 : i32
    %lt3A_1431 = vector.broadcast %lt3A_1430 : i32 to vector<16xi32>
    %lt3A_1432 = arith.cmpi slt, %sub3A_1429, %lt3A_1431 : vector<16xi32>
    %add3A_1433 = arith.constant 10000 : i32
    %add3A_1434 = vector.broadcast %add3A_1433 : i32 to vector<16xi32>
    %add3A_1435 = arith.addi %sub3A_1429, %add3A_1434 : vector<16xi32>
    %select_n3A_1436 = arith.select %lt3A_1432, %add3A_1435, %sub3A_1429 : vector<16xi1>, vector<16xi32>
    %ge3A_1437 = arith.constant 10000 : i32
    %ge3A_1438 = vector.broadcast %ge3A_1437 : i32 to vector<16xi32>
    %ge3A_1439 = arith.cmpi sge, %select_n3A_1436, %ge3A_1438 : vector<16xi32>
    %sub3A_1440 = arith.constant 10000 : i32
    %sub3A_1441 = vector.broadcast %sub3A_1440 : i32 to vector<16xi32>
    %sub3A_1442 = arith.subi %select_n3A_1436, %sub3A_1441 : vector<16xi32>
    %select_n3A_1443 = arith.select %ge3A_1439, %sub3A_1442, %select_n3A_1436 : vector<16xi1>, vector<16xi32>
    %swap3A_1444 = arith.constant 2 : i32
    %swap3A_1445 = arith.index_cast %swap3A_1444 : i32 to index
    %swap3A_1446 = arith.constant 48 : index
    %swap3A_1447 = tpu.vector_load %arg9[%swap3A_1445, %swap3A_1446] {strides = array<i32>} : memref<4x128xi32, #tpu.memory_space<vmem>>, vector<1x16xi32>,
    %swap3A_1448 = vector.shape_cast %swap3A_1447 : vector<1x16xi32> to vector<16xi32>
    %swap3A_1449 = vector.shape_cast %select_n3A_1443 : vector<16xi32> to vector<1x16xi32>
    tpu.vector_store %arg9[%swap3A_1445, %swap3A_1446], %swap3A_1449 {strides = array<i32>} : memref<4x128xi32, #tpu.memory_space<vmem>>, vector<1x16xi32>,
    %get3A_1450 = arith.constant 0 : i32
    %get3A_1451 = arith.index_cast %get3A_1450 : i32 to index
    %get3A_1452 = arith.constant 320 : index
    %get3A_1453 = tpu.vector_load %arg7[%get3A_1451, %get3A_1452] {strides = array<i32>} : memref<2x512xi32, #tpu.memory_space<vmem>>, vector<1x16xi32>,
    %get3A_1454 = vector.shape_cast %get3A_1453 : vector<1x16xi32> to vector<16xi32>
    %convert_element_type3A_1455 = arith.sitofp %get3A_1454 : vector<16xi32> to vector<16xf32>
    %mul3A_1456 = arith.constant 9.99999974E-5 : f32
    %mul3A_1457 = vector.broadcast %mul3A_1456 : f32 to vector<16xf32>
    %mul3A_1458 = arith.mulf %convert_element_type3A_1455, %mul3A_1457 : vector<16xf32>
    %convert_element_type3A_1459 = arith.fptosi %mul3A_1458 : vector<16xf32> to vector<16xi32>
    %mul3A_1460 = arith.constant 10000 : i32
    %mul3A_1461 = vector.broadcast %mul3A_1460 : i32 to vector<16xi32>
    %mul3A_1462 = arith.muli %convert_element_type3A_1459, %mul3A_1461 : vector<16xi32>
    %sub3A_1463 = arith.subi %get3A_1454, %mul3A_1462 : vector<16xi32>
    %lt3A_1464 = arith.constant 0 : i32
    %lt3A_1465 = vector.broadcast %lt3A_1464 : i32 to vector<16xi32>
    %lt3A_1466 = arith.cmpi slt, %sub3A_1463, %lt3A_1465 : vector<16xi32>
    %add3A_1467 = arith.constant 10000 : i32
    %add3A_1468 = vector.broadcast %add3A_1467 : i32 to vector<16xi32>
    %add3A_1469 = arith.addi %sub3A_1463, %add3A_1468 : vector<16xi32>
    %select_n3A_1470 = arith.select %lt3A_1466, %add3A_1469, %sub3A_1463 : vector<16xi1>, vector<16xi32>
    %ge3A_1471 = arith.constant 10000 : i32
    %ge3A_1472 = vector.broadcast %ge3A_1471 : i32 to vector<16xi32>
    %ge3A_1473 = arith.cmpi sge, %select_n3A_1470, %ge3A_1472 : vector<16xi32>
    %sub3A_1474 = arith.constant 10000 : i32
    %sub3A_1475 = vector.broadcast %sub3A_1474 : i32 to vector<16xi32>
    %sub3A_1476 = arith.subi %select_n3A_1470, %sub3A_1475 : vector<16xi32>
    %select_n3A_1477 = arith.select %ge3A_1473, %sub3A_1476, %select_n3A_1470 : vector<16xi1>, vector<16xi32>
    %swap3A_1478 = arith.constant 2 : i32
    %swap3A_1479 = arith.index_cast %swap3A_1478 : i32 to index
    %swap3A_1480 = arith.constant 64 : index
    %swap3A_1481 = tpu.vector_load %arg8[%swap3A_1479, %swap3A_1480] {strides = array<i32>} : memref<4x128xi32, #tpu.memory_space<vmem>>, vector<1x16xi32>,
    %swap3A_1482 = vector.shape_cast %swap3A_1481 : vector<1x16xi32> to vector<16xi32>
    %swap3A_1483 = vector.shape_cast %select_n3A_1477 : vector<16xi32> to vector<1x16xi32>
    tpu.vector_store %arg8[%swap3A_1479, %swap3A_1480], %swap3A_1483 {strides = array<i32>} : memref<4x128xi32, #tpu.memory_space<vmem>>, vector<1x16xi32>,
    %get3A_1484 = arith.constant 1 : i32
    %get3A_1485 = arith.index_cast %get3A_1484 : i32 to index
    %get3A_1486 = arith.constant 320 : index
    %get3A_1487 = tpu.vector_load %arg7[%get3A_1485, %get3A_1486] {strides = array<i32>} : memref<2x512xi32, #tpu.memory_space<vmem>>, vector<1x16xi32>,
    %get3A_1488 = vector.shape_cast %get3A_1487 : vector<1x16xi32> to vector<16xi32>
    %convert_element_type3A_1489 = arith.sitofp %get3A_1488 : vector<16xi32> to vector<16xf32>
    %mul3A_1490 = arith.constant 9.99999974E-5 : f32
    %mul3A_1491 = vector.broadcast %mul3A_1490 : f32 to vector<16xf32>
    %mul3A_1492 = arith.mulf %convert_element_type3A_1489, %mul3A_1491 : vector<16xf32>
    %convert_element_type3A_1493 = arith.fptosi %mul3A_1492 : vector<16xf32> to vector<16xi32>
    %mul3A_1494 = arith.constant 10000 : i32
    %mul3A_1495 = vector.broadcast %mul3A_1494 : i32 to vector<16xi32>
    %mul3A_1496 = arith.muli %convert_element_type3A_1493, %mul3A_1495 : vector<16xi32>
    %sub3A_1497 = arith.subi %get3A_1488, %mul3A_1496 : vector<16xi32>
    %lt3A_1498 = arith.constant 0 : i32
    %lt3A_1499 = vector.broadcast %lt3A_1498 : i32 to vector<16xi32>
    %lt3A_1500 = arith.cmpi slt, %sub3A_1497, %lt3A_1499 : vector<16xi32>
    %add3A_1501 = arith.constant 10000 : i32
    %add3A_1502 = vector.broadcast %add3A_1501 : i32 to vector<16xi32>
    %add3A_1503 = arith.addi %sub3A_1497, %add3A_1502 : vector<16xi32>
    %select_n3A_1504 = arith.select %lt3A_1500, %add3A_1503, %sub3A_1497 : vector<16xi1>, vector<16xi32>
    %ge3A_1505 = arith.constant 10000 : i32
    %ge3A_1506 = vector.broadcast %ge3A_1505 : i32 to vector<16xi32>
    %ge3A_1507 = arith.cmpi sge, %select_n3A_1504, %ge3A_1506 : vector<16xi32>
    %sub3A_1508 = arith.constant 10000 : i32
    %sub3A_1509 = vector.broadcast %sub3A_1508 : i32 to vector<16xi32>
    %sub3A_1510 = arith.subi %select_n3A_1504, %sub3A_1509 : vector<16xi32>
    %select_n3A_1511 = arith.select %ge3A_1507, %sub3A_1510, %select_n3A_1504 : vector<16xi1>, vector<16xi32>
    %swap3A_1512 = arith.constant 2 : i32
    %swap3A_1513 = arith.index_cast %swap3A_1512 : i32 to index
    %swap3A_1514 = arith.constant 64 : index
    %swap3A_1515 = tpu.vector_load %arg9[%swap3A_1513, %swap3A_1514] {strides = array<i32>} : memref<4x128xi32, #tpu.memory_space<vmem>>, vector<1x16xi32>,
    %swap3A_1516 = vector.shape_cast %swap3A_1515 : vector<1x16xi32> to vector<16xi32>
    %swap3A_1517 = vector.shape_cast %select_n3A_1511 : vector<16xi32> to vector<1x16xi32>
    tpu.vector_store %arg9[%swap3A_1513, %swap3A_1514], %swap3A_1517 {strides = array<i32>} : memref<4x128xi32, #tpu.memory_space<vmem>>, vector<1x16xi32>,
    %get3A_1518 = arith.constant 0 : i32
    %get3A_1519 = arith.index_cast %get3A_1518 : i32 to index
    %get3A_1520 = arith.constant 336 : index
    %get3A_1521 = tpu.vector_load %arg7[%get3A_1519, %get3A_1520] {strides = array<i32>} : memref<2x512xi32, #tpu.memory_space<vmem>>, vector<1x16xi32>,
    %get3A_1522 = vector.shape_cast %get3A_1521 : vector<1x16xi32> to vector<16xi32>
    %convert_element_type3A_1523 = arith.sitofp %get3A_1522 : vector<16xi32> to vector<16xf32>
    %mul3A_1524 = arith.constant 9.99999974E-5 : f32
    %mul3A_1525 = vector.broadcast %mul3A_1524 : f32 to vector<16xf32>
    %mul3A_1526 = arith.mulf %convert_element_type3A_1523, %mul3A_1525 : vector<16xf32>
    %convert_element_type3A_1527 = arith.fptosi %mul3A_1526 : vector<16xf32> to vector<16xi32>
    %mul3A_1528 = arith.constant 10000 : i32
    %mul3A_1529 = vector.broadcast %mul3A_1528 : i32 to vector<16xi32>
    %mul3A_1530 = arith.muli %convert_element_type3A_1527, %mul3A_1529 : vector<16xi32>
    %sub3A_1531 = arith.subi %get3A_1522, %mul3A_1530 : vector<16xi32>
    %lt3A_1532 = arith.constant 0 : i32
    %lt3A_1533 = vector.broadcast %lt3A_1532 : i32 to vector<16xi32>
    %lt3A_1534 = arith.cmpi slt, %sub3A_1531, %lt3A_1533 : vector<16xi32>
    %add3A_1535 = arith.constant 10000 : i32
    %add3A_1536 = vector.broadcast %add3A_1535 : i32 to vector<16xi32>
    %add3A_1537 = arith.addi %sub3A_1531, %add3A_1536 : vector<16xi32>
    %select_n3A_1538 = arith.select %lt3A_1534, %add3A_1537, %sub3A_1531 : vector<16xi1>, vector<16xi32>
    %ge3A_1539 = arith.constant 10000 : i32
    %ge3A_1540 = vector.broadcast %ge3A_1539 : i32 to vector<16xi32>
    %ge3A_1541 = arith.cmpi sge, %select_n3A_1538, %ge3A_1540 : vector<16xi32>
    %sub3A_1542 = arith.constant 10000 : i32
    %sub3A_1543 = vector.broadcast %sub3A_1542 : i32 to vector<16xi32>
    %sub3A_1544 = arith.subi %select_n3A_1538, %sub3A_1543 : vector<16xi32>
    %select_n3A_1545 = arith.select %ge3A_1541, %sub3A_1544, %select_n3A_1538 : vector<16xi1>, vector<16xi32>
    %swap3A_1546 = arith.constant 2 : i32
    %swap3A_1547 = arith.index_cast %swap3A_1546 : i32 to index
    %swap3A_1548 = arith.constant 80 : index
    %swap3A_1549 = tpu.vector_load %arg8[%swap3A_1547, %swap3A_1548] {strides = array<i32>} : memref<4x128xi32, #tpu.memory_space<vmem>>, vector<1x16xi32>,
    %swap3A_1550 = vector.shape_cast %swap3A_1549 : vector<1x16xi32> to vector<16xi32>
    %swap3A_1551 = vector.shape_cast %select_n3A_1545 : vector<16xi32> to vector<1x16xi32>
    tpu.vector_store %arg8[%swap3A_1547, %swap3A_1548], %swap3A_1551 {strides = array<i32>} : memref<4x128xi32, #tpu.memory_space<vmem>>, vector<1x16xi32>,
    %get3A_1552 = arith.constant 1 : i32
    %get3A_1553 = arith.index_cast %get3A_1552 : i32 to index
    %get3A_1554 = arith.constant 336 : index
    %get3A_1555 = tpu.vector_load %arg7[%get3A_1553, %get3A_1554] {strides = array<i32>} : memref<2x512xi32, #tpu.memory_space<vmem>>, vector<1x16xi32>,
    %get3A_1556 = vector.shape_cast %get3A_1555 : vector<1x16xi32> to vector<16xi32>
    %convert_element_type3A_1557 = arith.sitofp %get3A_1556 : vector<16xi32> to vector<16xf32>
    %mul3A_1558 = arith.constant 9.99999974E-5 : f32
    %mul3A_1559 = vector.broadcast %mul3A_1558 : f32 to vector<16xf32>
    %mul3A_1560 = arith.mulf %convert_element_type3A_1557, %mul3A_1559 : vector<16xf32>
    %convert_element_type3A_1561 = arith.fptosi %mul3A_1560 : vector<16xf32> to vector<16xi32>
    %mul3A_1562 = arith.constant 10000 : i32
    %mul3A_1563 = vector.broadcast %mul3A_1562 : i32 to vector<16xi32>
    %mul3A_1564 = arith.muli %convert_element_type3A_1561, %mul3A_1563 : vector<16xi32>
    %sub3A_1565 = arith.subi %get3A_1556, %mul3A_1564 : vector<16xi32>
    %lt3A_1566 = arith.constant 0 : i32
    %lt3A_1567 = vector.broadcast %lt3A_1566 : i32 to vector<16xi32>
    %lt3A_1568 = arith.cmpi slt, %sub3A_1565, %lt3A_1567 : vector<16xi32>
    %add3A_1569 = arith.constant 10000 : i32
    %add3A_1570 = vector.broadcast %add3A_1569 : i32 to vector<16xi32>
    %add3A_1571 = arith.addi %sub3A_1565, %add3A_1570 : vector<16xi32>
    %select_n3A_1572 = arith.select %lt3A_1568, %add3A_1571, %sub3A_1565 : vector<16xi1>, vector<16xi32>
    %ge3A_1573 = arith.constant 10000 : i32
    %ge3A_1574 = vector.broadcast %ge3A_1573 : i32 to vector<16xi32>
    %ge3A_1575 = arith.cmpi sge, %select_n3A_1572, %ge3A_1574 : vector<16xi32>
    %sub3A_1576 = arith.constant 10000 : i32
    %sub3A_1577 = vector.broadcast %sub3A_1576 : i32 to vector<16xi32>
    %sub3A_1578 = arith.subi %select_n3A_1572, %sub3A_1577 : vector<16xi32>
    %select_n3A_1579 = arith.select %ge3A_1575, %sub3A_1578, %select_n3A_1572 : vector<16xi1>, vector<16xi32>
    %swap3A_1580 = arith.constant 2 : i32
    %swap3A_1581 = arith.index_cast %swap3A_1580 : i32 to index
    %swap3A_1582 = arith.constant 80 : index
    %swap3A_1583 = tpu.vector_load %arg9[%swap3A_1581, %swap3A_1582] {strides = array<i32>} : memref<4x128xi32, #tpu.memory_space<vmem>>, vector<1x16xi32>,
    %swap3A_1584 = vector.shape_cast %swap3A_1583 : vector<1x16xi32> to vector<16xi32>
    %swap3A_1585 = vector.shape_cast %select_n3A_1579 : vector<16xi32> to vector<1x16xi32>
    tpu.vector_store %arg9[%swap3A_1581, %swap3A_1582], %swap3A_1585 {strides = array<i32>} : memref<4x128xi32, #tpu.memory_space<vmem>>, vector<1x16xi32>,
    %get3A_1586 = arith.constant 0 : i32
    %get3A_1587 = arith.index_cast %get3A_1586 : i32 to index
    %get3A_1588 = arith.constant 352 : index
    %get3A_1589 = tpu.vector_load %arg7[%get3A_1587, %get3A_1588] {strides = array<i32>} : memref<2x512xi32, #tpu.memory_space<vmem>>, vector<1x16xi32>,
    %get3A_1590 = vector.shape_cast %get3A_1589 : vector<1x16xi32> to vector<16xi32>
    %convert_element_type3A_1591 = arith.sitofp %get3A_1590 : vector<16xi32> to vector<16xf32>
    %mul3A_1592 = arith.constant 9.99999974E-5 : f32
    %mul3A_1593 = vector.broadcast %mul3A_1592 : f32 to vector<16xf32>
    %mul3A_1594 = arith.mulf %convert_element_type3A_1591, %mul3A_1593 : vector<16xf32>
    %convert_element_type3A_1595 = arith.fptosi %mul3A_1594 : vector<16xf32> to vector<16xi32>
    %mul3A_1596 = arith.constant 10000 : i32
    %mul3A_1597 = vector.broadcast %mul3A_1596 : i32 to vector<16xi32>
    %mul3A_1598 = arith.muli %convert_element_type3A_1595, %mul3A_1597 : vector<16xi32>
    %sub3A_1599 = arith.subi %get3A_1590, %mul3A_1598 : vector<16xi32>
    %lt3A_1600 = arith.constant 0 : i32
    %lt3A_1601 = vector.broadcast %lt3A_1600 : i32 to vector<16xi32>
    %lt3A_1602 = arith.cmpi slt, %sub3A_1599, %lt3A_1601 : vector<16xi32>
    %add3A_1603 = arith.constant 10000 : i32
    %add3A_1604 = vector.broadcast %add3A_1603 : i32 to vector<16xi32>
    %add3A_1605 = arith.addi %sub3A_1599, %add3A_1604 : vector<16xi32>
    %select_n3A_1606 = arith.select %lt3A_1602, %add3A_1605, %sub3A_1599 : vector<16xi1>, vector<16xi32>
    %ge3A_1607 = arith.constant 10000 : i32
    %ge3A_1608 = vector.broadcast %ge3A_1607 : i32 to vector<16xi32>
    %ge3A_1609 = arith.cmpi sge, %select_n3A_1606, %ge3A_1608 : vector<16xi32>
    %sub3A_1610 = arith.constant 10000 : i32
    %sub3A_1611 = vector.broadcast %sub3A_1610 : i32 to vector<16xi32>
    %sub3A_1612 = arith.subi %select_n3A_1606, %sub3A_1611 : vector<16xi32>
    %select_n3A_1613 = arith.select %ge3A_1609, %sub3A_1612, %select_n3A_1606 : vector<16xi1>, vector<16xi32>
    %swap3A_1614 = arith.constant 2 : i32
    %swap3A_1615 = arith.index_cast %swap3A_1614 : i32 to index
    %swap3A_1616 = arith.constant 96 : index
    %swap3A_1617 = tpu.vector_load %arg8[%swap3A_1615, %swap3A_1616] {strides = array<i32>} : memref<4x128xi32, #tpu.memory_space<vmem>>, vector<1x16xi32>,
    %swap3A_1618 = vector.shape_cast %swap3A_1617 : vector<1x16xi32> to vector<16xi32>
    %swap3A_1619 = vector.shape_cast %select_n3A_1613 : vector<16xi32> to vector<1x16xi32>
    tpu.vector_store %arg8[%swap3A_1615, %swap3A_1616], %swap3A_1619 {strides = array<i32>} : memref<4x128xi32, #tpu.memory_space<vmem>>, vector<1x16xi32>,
    %get3A_1620 = arith.constant 1 : i32
    %get3A_1621 = arith.index_cast %get3A_1620 : i32 to index
    %get3A_1622 = arith.constant 352 : index
    %get3A_1623 = tpu.vector_load %arg7[%get3A_1621, %get3A_1622] {strides = array<i32>} : memref<2x512xi32, #tpu.memory_space<vmem>>, vector<1x16xi32>,
    %get3A_1624 = vector.shape_cast %get3A_1623 : vector<1x16xi32> to vector<16xi32>
    %convert_element_type3A_1625 = arith.sitofp %get3A_1624 : vector<16xi32> to vector<16xf32>
    %mul3A_1626 = arith.constant 9.99999974E-5 : f32
    %mul3A_1627 = vector.broadcast %mul3A_1626 : f32 to vector<16xf32>
    %mul3A_1628 = arith.mulf %convert_element_type3A_1625, %mul3A_1627 : vector<16xf32>
    %convert_element_type3A_1629 = arith.fptosi %mul3A_1628 : vector<16xf32> to vector<16xi32>
    %mul3A_1630 = arith.constant 10000 : i32
    %mul3A_1631 = vector.broadcast %mul3A_1630 : i32 to vector<16xi32>
    %mul3A_1632 = arith.muli %convert_element_type3A_1629, %mul3A_1631 : vector<16xi32>
    %sub3A_1633 = arith.subi %get3A_1624, %mul3A_1632 : vector<16xi32>
    %lt3A_1634 = arith.constant 0 : i32
    %lt3A_1635 = vector.broadcast %lt3A_1634 : i32 to vector<16xi32>
    %lt3A_1636 = arith.cmpi slt, %sub3A_1633, %lt3A_1635 : vector<16xi32>
    %add3A_1637 = arith.constant 10000 : i32
    %add3A_1638 = vector.broadcast %add3A_1637 : i32 to vector<16xi32>
    %add3A_1639 = arith.addi %sub3A_1633, %add3A_1638 : vector<16xi32>
    %select_n3A_1640 = arith.select %lt3A_1636, %add3A_1639, %sub3A_1633 : vector<16xi1>, vector<16xi32>
    %ge3A_1641 = arith.constant 10000 : i32
    %ge3A_1642 = vector.broadcast %ge3A_1641 : i32 to vector<16xi32>
    %ge3A_1643 = arith.cmpi sge, %select_n3A_1640, %ge3A_1642 : vector<16xi32>
    %sub3A_1644 = arith.constant 10000 : i32
    %sub3A_1645 = vector.broadcast %sub3A_1644 : i32 to vector<16xi32>
    %sub3A_1646 = arith.subi %select_n3A_1640, %sub3A_1645 : vector<16xi32>
    %select_n3A_1647 = arith.select %ge3A_1643, %sub3A_1646, %select_n3A_1640 : vector<16xi1>, vector<16xi32>
    %swap3A_1648 = arith.constant 2 : i32
    %swap3A_1649 = arith.index_cast %swap3A_1648 : i32 to index
    %swap3A_1650 = arith.constant 96 : index
    %swap3A_1651 = tpu.vector_load %arg9[%swap3A_1649, %swap3A_1650] {strides = array<i32>} : memref<4x128xi32, #tpu.memory_space<vmem>>, vector<1x16xi32>,
    %swap3A_1652 = vector.shape_cast %swap3A_1651 : vector<1x16xi32> to vector<16xi32>
    %swap3A_1653 = vector.shape_cast %select_n3A_1647 : vector<16xi32> to vector<1x16xi32>
    tpu.vector_store %arg9[%swap3A_1649, %swap3A_1650], %swap3A_1653 {strides = array<i32>} : memref<4x128xi32, #tpu.memory_space<vmem>>, vector<1x16xi32>,
    %get3A_1654 = arith.constant 0 : i32
    %get3A_1655 = arith.index_cast %get3A_1654 : i32 to index
    %get3A_1656 = arith.constant 368 : index
    %get3A_1657 = tpu.vector_load %arg7[%get3A_1655, %get3A_1656] {strides = array<i32>} : memref<2x512xi32, #tpu.memory_space<vmem>>, vector<1x16xi32>,
    %get3A_1658 = vector.shape_cast %get3A_1657 : vector<1x16xi32> to vector<16xi32>
    %convert_element_type3A_1659 = arith.sitofp %get3A_1658 : vector<16xi32> to vector<16xf32>
    %mul3A_1660 = arith.constant 9.99999974E-5 : f32
    %mul3A_1661 = vector.broadcast %mul3A_1660 : f32 to vector<16xf32>
    %mul3A_1662 = arith.mulf %convert_element_type3A_1659, %mul3A_1661 : vector<16xf32>
    %convert_element_type3A_1663 = arith.fptosi %mul3A_1662 : vector<16xf32> to vector<16xi32>
    %mul3A_1664 = arith.constant 10000 : i32
    %mul3A_1665 = vector.broadcast %mul3A_1664 : i32 to vector<16xi32>
    %mul3A_1666 = arith.muli %convert_element_type3A_1663, %mul3A_1665 : vector<16xi32>
    %sub3A_1667 = arith.subi %get3A_1658, %mul3A_1666 : vector<16xi32>
    %lt3A_1668 = arith.constant 0 : i32
    %lt3A_1669 = vector.broadcast %lt3A_1668 : i32 to vector<16xi32>
    %lt3A_1670 = arith.cmpi slt, %sub3A_1667, %lt3A_1669 : vector<16xi32>
    %add3A_1671 = arith.constant 10000 : i32
    %add3A_1672 = vector.broadcast %add3A_1671 : i32 to vector<16xi32>
    %add3A_1673 = arith.addi %sub3A_1667, %add3A_1672 : vector<16xi32>
    %select_n3A_1674 = arith.select %lt3A_1670, %add3A_1673, %sub3A_1667 : vector<16xi1>, vector<16xi32>
    %ge3A_1675 = arith.constant 10000 : i32
    %ge3A_1676 = vector.broadcast %ge3A_1675 : i32 to vector<16xi32>
    %ge3A_1677 = arith.cmpi sge, %select_n3A_1674, %ge3A_1676 : vector<16xi32>
    %sub3A_1678 = arith.constant 10000 : i32
    %sub3A_1679 = vector.broadcast %sub3A_1678 : i32 to vector<16xi32>
    %sub3A_1680 = arith.subi %select_n3A_1674, %sub3A_1679 : vector<16xi32>
    %select_n3A_1681 = arith.select %ge3A_1677, %sub3A_1680, %select_n3A_1674 : vector<16xi1>, vector<16xi32>
    %swap3A_1682 = arith.constant 2 : i32
    %swap3A_1683 = arith.index_cast %swap3A_1682 : i32 to index
    %swap3A_1684 = arith.constant 112 : index
    %swap3A_1685 = tpu.vector_load %arg8[%swap3A_1683, %swap3A_1684] {strides = array<i32>} : memref<4x128xi32, #tpu.memory_space<vmem>>, vector<1x16xi32>,
    %swap3A_1686 = vector.shape_cast %swap3A_1685 : vector<1x16xi32> to vector<16xi32>
    %swap3A_1687 = vector.shape_cast %select_n3A_1681 : vector<16xi32> to vector<1x16xi32>
    tpu.vector_store %arg8[%swap3A_1683, %swap3A_1684], %swap3A_1687 {strides = array<i32>} : memref<4x128xi32, #tpu.memory_space<vmem>>, vector<1x16xi32>,
    %get3A_1688 = arith.constant 1 : i32
    %get3A_1689 = arith.index_cast %get3A_1688 : i32 to index
    %get3A_1690 = arith.constant 368 : index
    %get3A_1691 = tpu.vector_load %arg7[%get3A_1689, %get3A_1690] {strides = array<i32>} : memref<2x512xi32, #tpu.memory_space<vmem>>, vector<1x16xi32>,
    %get3A_1692 = vector.shape_cast %get3A_1691 : vector<1x16xi32> to vector<16xi32>
    %convert_element_type3A_1693 = arith.sitofp %get3A_1692 : vector<16xi32> to vector<16xf32>
    %mul3A_1694 = arith.constant 9.99999974E-5 : f32
    %mul3A_1695 = vector.broadcast %mul3A_1694 : f32 to vector<16xf32>
    %mul3A_1696 = arith.mulf %convert_element_type3A_1693, %mul3A_1695 : vector<16xf32>
    %convert_element_type3A_1697 = arith.fptosi %mul3A_1696 : vector<16xf32> to vector<16xi32>
    %mul3A_1698 = arith.constant 10000 : i32
    %mul3A_1699 = vector.broadcast %mul3A_1698 : i32 to vector<16xi32>
    %mul3A_1700 = arith.muli %convert_element_type3A_1697, %mul3A_1699 : vector<16xi32>
    %sub3A_1701 = arith.subi %get3A_1692, %mul3A_1700 : vector<16xi32>
    %lt3A_1702 = arith.constant 0 : i32
    %lt3A_1703 = vector.broadcast %lt3A_1702 : i32 to vector<16xi32>
    %lt3A_1704 = arith.cmpi slt, %sub3A_1701, %lt3A_1703 : vector<16xi32>
    %add3A_1705 = arith.constant 10000 : i32
    %add3A_1706 = vector.broadcast %add3A_1705 : i32 to vector<16xi32>
    %add3A_1707 = arith.addi %sub3A_1701, %add3A_1706 : vector<16xi32>
    %select_n3A_1708 = arith.select %lt3A_1704, %add3A_1707, %sub3A_1701 : vector<16xi1>, vector<16xi32>
    %ge3A_1709 = arith.constant 10000 : i32
    %ge3A_1710 = vector.broadcast %ge3A_1709 : i32 to vector<16xi32>
    %ge3A_1711 = arith.cmpi sge, %select_n3A_1708, %ge3A_1710 : vector<16xi32>
    %sub3A_1712 = arith.constant 10000 : i32
    %sub3A_1713 = vector.broadcast %sub3A_1712 : i32 to vector<16xi32>
    %sub3A_1714 = arith.subi %select_n3A_1708, %sub3A_1713 : vector<16xi32>
    %select_n3A_1715 = arith.select %ge3A_1711, %sub3A_1714, %select_n3A_1708 : vector<16xi1>, vector<16xi32>
    %swap3A_1716 = arith.constant 2 : i32
    %swap3A_1717 = arith.index_cast %swap3A_1716 : i32 to index
    %swap3A_1718 = arith.constant 112 : index
    %swap3A_1719 = tpu.vector_load %arg9[%swap3A_1717, %swap3A_1718] {strides = array<i32>} : memref<4x128xi32, #tpu.memory_space<vmem>>, vector<1x16xi32>,
    %swap3A_1720 = vector.shape_cast %swap3A_1719 : vector<1x16xi32> to vector<16xi32>
    %swap3A_1721 = vector.shape_cast %select_n3A_1715 : vector<16xi32> to vector<1x16xi32>
    tpu.vector_store %arg9[%swap3A_1717, %swap3A_1718], %swap3A_1721 {strides = array<i32>} : memref<4x128xi32, #tpu.memory_space<vmem>>, vector<1x16xi32>,
    %dma_start3A_1722 = arith.constant 2 : i32
    %dma_start3A_1723 = arith.constant 0 : i32
    %dma_start3A_1724 = arith.constant 2 : i32
    %dma_start3A_1725 = arith.constant 256 : i32
    %dma_start3A_1726 = arith.constant 0 : i32
    %dma_start3A_1727 = tpu.memref_slice %arg10[%dma_start3A_1723, %dma_start3A_1725, %dma_start3A_1726] : memref<2x512x64xf32, #tpu.memory_space<vmem>> -> memref<1x128x64xf32, #tpu.memory_space<vmem>>
    %dma_start3A_1728 = tpu.memref_squeeze %dma_start3A_1727 : memref<1x128x64xf32, #tpu.memory_space<vmem>> -> memref<128x64xf32, #tpu.memory_space<vmem>>
    %dma_start3A_1729 = arith.constant 0 : i32
    %dma_start3A_1730 = tpu.memref_slice %arg8[%dma_start3A_1722, %dma_start3A_1729] : memref<4x128xi32, #tpu.memory_space<vmem>> -> memref<1x128xi32, #tpu.memory_space<vmem>>
    %dma_start3A_1731 = tpu.memref_squeeze %dma_start3A_1730 : memref<1x128xi32, #tpu.memory_space<vmem>> -> memref<128xi32, #tpu.memory_space<vmem>>
    %dma_start3A_1732 = arith.constant 0 : i32
    %dma_start3A_1733 = arith.constant 0 : i32
    %dma_start3A_1734 = tpu.memref_slice %arg4[%dma_start3A_1732, %dma_start3A_1733] : memref<10000x64xf32, #tpu.memory_space<hbm>> -> memref<10000x64xf32, #tpu.memory_space<hbm>>
    %dma_start3A_1735 = tpu.memref_slice %arg11[%dma_start3A_1724] : memref<4x!tpu.dma_semaphore, #tpu.memory_space<semaphore_mem>> -> memref<1x!tpu.dma_semaphore, #tpu.memory_space<semaphore_mem>>
    %dma_start3A_1736 = tpu.memref_squeeze %dma_start3A_1735 : memref<1x!tpu.dma_semaphore, #tpu.memory_space<semaphore_mem>> -> memref<!tpu.dma_semaphore, #tpu.memory_space<semaphore_mem>>
    tpu.enqueue_indirect_dma source(%dma_start3A_1734 : memref<10000x64xf32, #tpu.memory_space<hbm>>) target(%dma_start3A_1728 : memref<128x64xf32, #tpu.memory_space<vmem>>) offsets(%dma_start3A_1731 : memref<128xi32, #tpu.memory_space<vmem>>) semaphore(%dma_start3A_1736 : memref<!tpu.dma_semaphore, #tpu.memory_space<semaphore_mem>>)
    %dma_start3A_1737 = arith.constant 2 : i32
    %dma_start3A_1738 = arith.constant 1 : i32
    %dma_start3A_1739 = arith.constant 2 : i32
    %dma_start3A_1740 = arith.constant 256 : i32
    %dma_start3A_1741 = arith.constant 0 : i32
    %dma_start3A_1742 = tpu.memref_slice %arg10[%dma_start3A_1738, %dma_start3A_1740, %dma_start3A_1741] : memref<2x512x64xf32, #tpu.memory_space<vmem>> -> memref<1x128x64xf32, #tpu.memory_space<vmem>>
    %dma_start3A_1743 = tpu.memref_squeeze %dma_start3A_1742 : memref<1x128x64xf32, #tpu.memory_space<vmem>> -> memref<128x64xf32, #tpu.memory_space<vmem>>
    %dma_start3A_1744 = arith.constant 0 : i32
    %dma_start3A_1745 = tpu.memref_slice %arg9[%dma_start3A_1737, %dma_start3A_1744] : memref<4x128xi32, #tpu.memory_space<vmem>> -> memref<1x128xi32, #tpu.memory_space<vmem>>
    %dma_start3A_1746 = tpu.memref_squeeze %dma_start3A_1745 : memref<1x128xi32, #tpu.memory_space<vmem>> -> memref<128xi32, #tpu.memory_space<vmem>>
    %dma_start3A_1747 = arith.constant 0 : i32
    %dma_start3A_1748 = arith.constant 0 : i32
    %dma_start3A_1749 = tpu.memref_slice %arg5[%dma_start3A_1747, %dma_start3A_1748] : memref<10000x64xf32, #tpu.memory_space<hbm>> -> memref<10000x64xf32, #tpu.memory_space<hbm>>
    %dma_start3A_1750 = tpu.memref_slice %arg11[%dma_start3A_1739] : memref<4x!tpu.dma_semaphore, #tpu.memory_space<semaphore_mem>> -> memref<1x!tpu.dma_semaphore, #tpu.memory_space<semaphore_mem>>
    %dma_start3A_1751 = tpu.memref_squeeze %dma_start3A_1750 : memref<1x!tpu.dma_semaphore, #tpu.memory_space<semaphore_mem>> -> memref<!tpu.dma_semaphore, #tpu.memory_space<semaphore_mem>>
    tpu.enqueue_indirect_dma source(%dma_start3A_1749 : memref<10000x64xf32, #tpu.memory_space<hbm>>) target(%dma_start3A_1743 : memref<128x64xf32, #tpu.memory_space<vmem>>) offsets(%dma_start3A_1746 : memref<128xi32, #tpu.memory_space<vmem>>) semaphore(%dma_start3A_1751 : memref<!tpu.dma_semaphore, #tpu.memory_space<semaphore_mem>>)
    %get3A_1752 = arith.constant 0 : i32
    %get3A_1753 = arith.index_cast %get3A_1752 : i32 to index
    %get3A_1754 = arith.constant 384 : index
    %get3A_1755 = tpu.vector_load %arg7[%get3A_1753, %get3A_1754] {strides = array<i32>} : memref<2x512xi32, #tpu.memory_space<vmem>>, vector<1x16xi32>,
    %get3A_1756 = vector.shape_cast %get3A_1755 : vector<1x16xi32> to vector<16xi32>
    %convert_element_type3A_1757 = arith.sitofp %get3A_1756 : vector<16xi32> to vector<16xf32>
    %mul3A_1758 = arith.constant 9.99999974E-5 : f32
    %mul3A_1759 = vector.broadcast %mul3A_1758 : f32 to vector<16xf32>
    %mul3A_1760 = arith.mulf %convert_element_type3A_1757, %mul3A_1759 : vector<16xf32>
    %convert_element_type3A_1761 = arith.fptosi %mul3A_1760 : vector<16xf32> to vector<16xi32>
    %mul3A_1762 = arith.constant 10000 : i32
    %mul3A_1763 = vector.broadcast %mul3A_1762 : i32 to vector<16xi32>
    %mul3A_1764 = arith.muli %convert_element_type3A_1761, %mul3A_1763 : vector<16xi32>
    %sub3A_1765 = arith.subi %get3A_1756, %mul3A_1764 : vector<16xi32>
    %lt3A_1766 = arith.constant 0 : i32
    %lt3A_1767 = vector.broadcast %lt3A_1766 : i32 to vector<16xi32>
    %lt3A_1768 = arith.cmpi slt, %sub3A_1765, %lt3A_1767 : vector<16xi32>
    %add3A_1769 = arith.constant 10000 : i32
    %add3A_1770 = vector.broadcast %add3A_1769 : i32 to vector<16xi32>
    %add3A_1771 = arith.addi %sub3A_1765, %add3A_1770 : vector<16xi32>
    %select_n3A_1772 = arith.select %lt3A_1768, %add3A_1771, %sub3A_1765 : vector<16xi1>, vector<16xi32>
    %ge3A_1773 = arith.constant 10000 : i32
    %ge3A_1774 = vector.broadcast %ge3A_1773 : i32 to vector<16xi32>
    %ge3A_1775 = arith.cmpi sge, %select_n3A_1772, %ge3A_1774 : vector<16xi32>
    %sub3A_1776 = arith.constant 10000 : i32
    %sub3A_1777 = vector.broadcast %sub3A_1776 : i32 to vector<16xi32>
    %sub3A_1778 = arith.subi %select_n3A_1772, %sub3A_1777 : vector<16xi32>
    %select_n3A_1779 = arith.select %ge3A_1775, %sub3A_1778, %select_n3A_1772 : vector<16xi1>, vector<16xi32>
    %swap3A_1780 = arith.constant 3 : i32
    %swap3A_1781 = arith.index_cast %swap3A_1780 : i32 to index
    %swap3A_1782 = arith.constant 0 : index
    %swap3A_1783 = tpu.vector_load %arg8[%swap3A_1781, %swap3A_1782] {strides = array<i32>} : memref<4x128xi32, #tpu.memory_space<vmem>>, vector<1x16xi32>,
    %swap3A_1784 = vector.shape_cast %swap3A_1783 : vector<1x16xi32> to vector<16xi32>
    %swap3A_1785 = vector.shape_cast %select_n3A_1779 : vector<16xi32> to vector<1x16xi32>
    tpu.vector_store %arg8[%swap3A_1781, %swap3A_1782], %swap3A_1785 {strides = array<i32>} : memref<4x128xi32, #tpu.memory_space<vmem>>, vector<1x16xi32>,
    %get3A_1786 = arith.constant 1 : i32
    %get3A_1787 = arith.index_cast %get3A_1786 : i32 to index
    %get3A_1788 = arith.constant 384 : index
    %get3A_1789 = tpu.vector_load %arg7[%get3A_1787, %get3A_1788] {strides = array<i32>} : memref<2x512xi32, #tpu.memory_space<vmem>>, vector<1x16xi32>,
    %get3A_1790 = vector.shape_cast %get3A_1789 : vector<1x16xi32> to vector<16xi32>
    %convert_element_type3A_1791 = arith.sitofp %get3A_1790 : vector<16xi32> to vector<16xf32>
    %mul3A_1792 = arith.constant 9.99999974E-5 : f32
    %mul3A_1793 = vector.broadcast %mul3A_1792 : f32 to vector<16xf32>
    %mul3A_1794 = arith.mulf %convert_element_type3A_1791, %mul3A_1793 : vector<16xf32>
    %convert_element_type3A_1795 = arith.fptosi %mul3A_1794 : vector<16xf32> to vector<16xi32>
    %mul3A_1796 = arith.constant 10000 : i32
    %mul3A_1797 = vector.broadcast %mul3A_1796 : i32 to vector<16xi32>
    %mul3A_1798 = arith.muli %convert_element_type3A_1795, %mul3A_1797 : vector<16xi32>
    %sub3A_1799 = arith.subi %get3A_1790, %mul3A_1798 : vector<16xi32>
    %lt3A_1800 = arith.constant 0 : i32
    %lt3A_1801 = vector.broadcast %lt3A_1800 : i32 to vector<16xi32>
    %lt3A_1802 = arith.cmpi slt, %sub3A_1799, %lt3A_1801 : vector<16xi32>
    %add3A_1803 = arith.constant 10000 : i32
    %add3A_1804 = vector.broadcast %add3A_1803 : i32 to vector<16xi32>
    %add3A_1805 = arith.addi %sub3A_1799, %add3A_1804 : vector<16xi32>
    %select_n3A_1806 = arith.select %lt3A_1802, %add3A_1805, %sub3A_1799 : vector<16xi1>, vector<16xi32>
    %ge3A_1807 = arith.constant 10000 : i32
    %ge3A_1808 = vector.broadcast %ge3A_1807 : i32 to vector<16xi32>
    %ge3A_1809 = arith.cmpi sge, %select_n3A_1806, %ge3A_1808 : vector<16xi32>
    %sub3A_1810 = arith.constant 10000 : i32
    %sub3A_1811 = vector.broadcast %sub3A_1810 : i32 to vector<16xi32>
    %sub3A_1812 = arith.subi %select_n3A_1806, %sub3A_1811 : vector<16xi32>
    %select_n3A_1813 = arith.select %ge3A_1809, %sub3A_1812, %select_n3A_1806 : vector<16xi1>, vector<16xi32>
    %swap3A_1814 = arith.constant 3 : i32
    %swap3A_1815 = arith.index_cast %swap3A_1814 : i32 to index
    %swap3A_1816 = arith.constant 0 : index
    %swap3A_1817 = tpu.vector_load %arg9[%swap3A_1815, %swap3A_1816] {strides = array<i32>} : memref<4x128xi32, #tpu.memory_space<vmem>>, vector<1x16xi32>,
    %swap3A_1818 = vector.shape_cast %swap3A_1817 : vector<1x16xi32> to vector<16xi32>
    %swap3A_1819 = vector.shape_cast %select_n3A_1813 : vector<16xi32> to vector<1x16xi32>
    tpu.vector_store %arg9[%swap3A_1815, %swap3A_1816], %swap3A_1819 {strides = array<i32>} : memref<4x128xi32, #tpu.memory_space<vmem>>, vector<1x16xi32>,
    %get3A_1820 = arith.constant 0 : i32
    %get3A_1821 = arith.index_cast %get3A_1820 : i32 to index
    %get3A_1822 = arith.constant 400 : index
    %get3A_1823 = tpu.vector_load %arg7[%get3A_1821, %get3A_1822] {strides = array<i32>} : memref<2x512xi32, #tpu.memory_space<vmem>>, vector<1x16xi32>,
    %get3A_1824 = vector.shape_cast %get3A_1823 : vector<1x16xi32> to vector<16xi32>
    %convert_element_type3A_1825 = arith.sitofp %get3A_1824 : vector<16xi32> to vector<16xf32>
    %mul3A_1826 = arith.constant 9.99999974E-5 : f32
    %mul3A_1827 = vector.broadcast %mul3A_1826 : f32 to vector<16xf32>
    %mul3A_1828 = arith.mulf %convert_element_type3A_1825, %mul3A_1827 : vector<16xf32>
    %convert_element_type3A_1829 = arith.fptosi %mul3A_1828 : vector<16xf32> to vector<16xi32>
    %mul3A_1830 = arith.constant 10000 : i32
    %mul3A_1831 = vector.broadcast %mul3A_1830 : i32 to vector<16xi32>
    %mul3A_1832 = arith.muli %convert_element_type3A_1829, %mul3A_1831 : vector<16xi32>
    %sub3A_1833 = arith.subi %get3A_1824, %mul3A_1832 : vector<16xi32>
    %lt3A_1834 = arith.constant 0 : i32
    %lt3A_1835 = vector.broadcast %lt3A_1834 : i32 to vector<16xi32>
    %lt3A_1836 = arith.cmpi slt, %sub3A_1833, %lt3A_1835 : vector<16xi32>
    %add3A_1837 = arith.constant 10000 : i32
    %add3A_1838 = vector.broadcast %add3A_1837 : i32 to vector<16xi32>
    %add3A_1839 = arith.addi %sub3A_1833, %add3A_1838 : vector<16xi32>
    %select_n3A_1840 = arith.select %lt3A_1836, %add3A_1839, %sub3A_1833 : vector<16xi1>, vector<16xi32>
    %ge3A_1841 = arith.constant 10000 : i32
    %ge3A_1842 = vector.broadcast %ge3A_1841 : i32 to vector<16xi32>
    %ge3A_1843 = arith.cmpi sge, %select_n3A_1840, %ge3A_1842 : vector<16xi32>
    %sub3A_1844 = arith.constant 10000 : i32
    %sub3A_1845 = vector.broadcast %sub3A_1844 : i32 to vector<16xi32>
    %sub3A_1846 = arith.subi %select_n3A_1840, %sub3A_1845 : vector<16xi32>
    %select_n3A_1847 = arith.select %ge3A_1843, %sub3A_1846, %select_n3A_1840 : vector<16xi1>, vector<16xi32>
    %swap3A_1848 = arith.constant 3 : i32
    %swap3A_1849 = arith.index_cast %swap3A_1848 : i32 to index
    %swap3A_1850 = arith.constant 16 : index
    %swap3A_1851 = tpu.vector_load %arg8[%swap3A_1849, %swap3A_1850] {strides = array<i32>} : memref<4x128xi32, #tpu.memory_space<vmem>>, vector<1x16xi32>,
    %swap3A_1852 = vector.shape_cast %swap3A_1851 : vector<1x16xi32> to vector<16xi32>
    %swap3A_1853 = vector.shape_cast %select_n3A_1847 : vector<16xi32> to vector<1x16xi32>
    tpu.vector_store %arg8[%swap3A_1849, %swap3A_1850], %swap3A_1853 {strides = array<i32>} : memref<4x128xi32, #tpu.memory_space<vmem>>, vector<1x16xi32>,
    %get3A_1854 = arith.constant 1 : i32
    %get3A_1855 = arith.index_cast %get3A_1854 : i32 to index
    %get3A_1856 = arith.constant 400 : index
    %get3A_1857 = tpu.vector_load %arg7[%get3A_1855, %get3A_1856] {strides = array<i32>} : memref<2x512xi32, #tpu.memory_space<vmem>>, vector<1x16xi32>,
    %get3A_1858 = vector.shape_cast %get3A_1857 : vector<1x16xi32> to vector<16xi32>
    %convert_element_type3A_1859 = arith.sitofp %get3A_1858 : vector<16xi32> to vector<16xf32>
    %mul3A_1860 = arith.constant 9.99999974E-5 : f32
    %mul3A_1861 = vector.broadcast %mul3A_1860 : f32 to vector<16xf32>
    %mul3A_1862 = arith.mulf %convert_element_type3A_1859, %mul3A_1861 : vector<16xf32>
    %convert_element_type3A_1863 = arith.fptosi %mul3A_1862 : vector<16xf32> to vector<16xi32>
    %mul3A_1864 = arith.constant 10000 : i32
    %mul3A_1865 = vector.broadcast %mul3A_1864 : i32 to vector<16xi32>
    %mul3A_1866 = arith.muli %convert_element_type3A_1863, %mul3A_1865 : vector<16xi32>
    %sub3A_1867 = arith.subi %get3A_1858, %mul3A_1866 : vector<16xi32>
    %lt3A_1868 = arith.constant 0 : i32
    %lt3A_1869 = vector.broadcast %lt3A_1868 : i32 to vector<16xi32>
    %lt3A_1870 = arith.cmpi slt, %sub3A_1867, %lt3A_1869 : vector<16xi32>
    %add3A_1871 = arith.constant 10000 : i32
    %add3A_1872 = vector.broadcast %add3A_1871 : i32 to vector<16xi32>
    %add3A_1873 = arith.addi %sub3A_1867, %add3A_1872 : vector<16xi32>
    %select_n3A_1874 = arith.select %lt3A_1870, %add3A_1873, %sub3A_1867 : vector<16xi1>, vector<16xi32>
    %ge3A_1875 = arith.constant 10000 : i32
    %ge3A_1876 = vector.broadcast %ge3A_1875 : i32 to vector<16xi32>
    %ge3A_1877 = arith.cmpi sge, %select_n3A_1874, %ge3A_1876 : vector<16xi32>
    %sub3A_1878 = arith.constant 10000 : i32
    %sub3A_1879 = vector.broadcast %sub3A_1878 : i32 to vector<16xi32>
    %sub3A_1880 = arith.subi %select_n3A_1874, %sub3A_1879 : vector<16xi32>
    %select_n3A_1881 = arith.select %ge3A_1877, %sub3A_1880, %select_n3A_1874 : vector<16xi1>, vector<16xi32>
    %swap3A_1882 = arith.constant 3 : i32
    %swap3A_1883 = arith.index_cast %swap3A_1882 : i32 to index
    %swap3A_1884 = arith.constant 16 : index
    %swap3A_1885 = tpu.vector_load %arg9[%swap3A_1883, %swap3A_1884] {strides = array<i32>} : memref<4x128xi32, #tpu.memory_space<vmem>>, vector<1x16xi32>,
    %swap3A_1886 = vector.shape_cast %swap3A_1885 : vector<1x16xi32> to vector<16xi32>
    %swap3A_1887 = vector.shape_cast %select_n3A_1881 : vector<16xi32> to vector<1x16xi32>
    tpu.vector_store %arg9[%swap3A_1883, %swap3A_1884], %swap3A_1887 {strides = array<i32>} : memref<4x128xi32, #tpu.memory_space<vmem>>, vector<1x16xi32>,
    %get3A_1888 = arith.constant 0 : i32
    %get3A_1889 = arith.index_cast %get3A_1888 : i32 to index
    %get3A_1890 = arith.constant 416 : index
    %get3A_1891 = tpu.vector_load %arg7[%get3A_1889, %get3A_1890] {strides = array<i32>} : memref<2x512xi32, #tpu.memory_space<vmem>>, vector<1x16xi32>,
    %get3A_1892 = vector.shape_cast %get3A_1891 : vector<1x16xi32> to vector<16xi32>
    %convert_element_type3A_1893 = arith.sitofp %get3A_1892 : vector<16xi32> to vector<16xf32>
    %mul3A_1894 = arith.constant 9.99999974E-5 : f32
    %mul3A_1895 = vector.broadcast %mul3A_1894 : f32 to vector<16xf32>
    %mul3A_1896 = arith.mulf %convert_element_type3A_1893, %mul3A_1895 : vector<16xf32>
    %convert_element_type3A_1897 = arith.fptosi %mul3A_1896 : vector<16xf32> to vector<16xi32>
    %mul3A_1898 = arith.constant 10000 : i32
    %mul3A_1899 = vector.broadcast %mul3A_1898 : i32 to vector<16xi32>
    %mul3A_1900 = arith.muli %convert_element_type3A_1897, %mul3A_1899 : vector<16xi32>
    %sub3A_1901 = arith.subi %get3A_1892, %mul3A_1900 : vector<16xi32>
    %lt3A_1902 = arith.constant 0 : i32
    %lt3A_1903 = vector.broadcast %lt3A_1902 : i32 to vector<16xi32>
    %lt3A_1904 = arith.cmpi slt, %sub3A_1901, %lt3A_1903 : vector<16xi32>
    %add3A_1905 = arith.constant 10000 : i32
    %add3A_1906 = vector.broadcast %add3A_1905 : i32 to vector<16xi32>
    %add3A_1907 = arith.addi %sub3A_1901, %add3A_1906 : vector<16xi32>
    %select_n3A_1908 = arith.select %lt3A_1904, %add3A_1907, %sub3A_1901 : vector<16xi1>, vector<16xi32>
    %ge3A_1909 = arith.constant 10000 : i32
    %ge3A_1910 = vector.broadcast %ge3A_1909 : i32 to vector<16xi32>
    %ge3A_1911 = arith.cmpi sge, %select_n3A_1908, %ge3A_1910 : vector<16xi32>
    %sub3A_1912 = arith.constant 10000 : i32
    %sub3A_1913 = vector.broadcast %sub3A_1912 : i32 to vector<16xi32>
    %sub3A_1914 = arith.subi %select_n3A_1908, %sub3A_1913 : vector<16xi32>
    %select_n3A_1915 = arith.select %ge3A_1911, %sub3A_1914, %select_n3A_1908 : vector<16xi1>, vector<16xi32>
    %swap3A_1916 = arith.constant 3 : i32
    %swap3A_1917 = arith.index_cast %swap3A_1916 : i32 to index
    %swap3A_1918 = arith.constant 32 : index
    %swap3A_1919 = tpu.vector_load %arg8[%swap3A_1917, %swap3A_1918] {strides = array<i32>} : memref<4x128xi32, #tpu.memory_space<vmem>>, vector<1x16xi32>,
    %swap3A_1920 = vector.shape_cast %swap3A_1919 : vector<1x16xi32> to vector<16xi32>
    %swap3A_1921 = vector.shape_cast %select_n3A_1915 : vector<16xi32> to vector<1x16xi32>
    tpu.vector_store %arg8[%swap3A_1917, %swap3A_1918], %swap3A_1921 {strides = array<i32>} : memref<4x128xi32, #tpu.memory_space<vmem>>, vector<1x16xi32>,
    %get3A_1922 = arith.constant 1 : i32
    %get3A_1923 = arith.index_cast %get3A_1922 : i32 to index
    %get3A_1924 = arith.constant 416 : index
    %get3A_1925 = tpu.vector_load %arg7[%get3A_1923, %get3A_1924] {strides = array<i32>} : memref<2x512xi32, #tpu.memory_space<vmem>>, vector<1x16xi32>,
    %get3A_1926 = vector.shape_cast %get3A_1925 : vector<1x16xi32> to vector<16xi32>
    %convert_element_type3A_1927 = arith.sitofp %get3A_1926 : vector<16xi32> to vector<16xf32>
    %mul3A_1928 = arith.constant 9.99999974E-5 : f32
    %mul3A_1929 = vector.broadcast %mul3A_1928 : f32 to vector<16xf32>
    %mul3A_1930 = arith.mulf %convert_element_type3A_1927, %mul3A_1929 : vector<16xf32>
    %convert_element_type3A_1931 = arith.fptosi %mul3A_1930 : vector<16xf32> to vector<16xi32>
    %mul3A_1932 = arith.constant 10000 : i32
    %mul3A_1933 = vector.broadcast %mul3A_1932 : i32 to vector<16xi32>
    %mul3A_1934 = arith.muli %convert_element_type3A_1931, %mul3A_1933 : vector<16xi32>
    %sub3A_1935 = arith.subi %get3A_1926, %mul3A_1934 : vector<16xi32>
    %lt3A_1936 = arith.constant 0 : i32
    %lt3A_1937 = vector.broadcast %lt3A_1936 : i32 to vector<16xi32>
    %lt3A_1938 = arith.cmpi slt, %sub3A_1935, %lt3A_1937 : vector<16xi32>
    %add3A_1939 = arith.constant 10000 : i32
    %add3A_1940 = vector.broadcast %add3A_1939 : i32 to vector<16xi32>
    %add3A_1941 = arith.addi %sub3A_1935, %add3A_1940 : vector<16xi32>
    %select_n3A_1942 = arith.select %lt3A_1938, %add3A_1941, %sub3A_1935 : vector<16xi1>, vector<16xi32>
    %ge3A_1943 = arith.constant 10000 : i32
    %ge3A_1944 = vector.broadcast %ge3A_1943 : i32 to vector<16xi32>
    %ge3A_1945 = arith.cmpi sge, %select_n3A_1942, %ge3A_1944 : vector<16xi32>
    %sub3A_1946 = arith.constant 10000 : i32
    %sub3A_1947 = vector.broadcast %sub3A_1946 : i32 to vector<16xi32>
    %sub3A_1948 = arith.subi %select_n3A_1942, %sub3A_1947 : vector<16xi32>
    %select_n3A_1949 = arith.select %ge3A_1945, %sub3A_1948, %select_n3A_1942 : vector<16xi1>, vector<16xi32>
    %swap3A_1950 = arith.constant 3 : i32
    %swap3A_1951 = arith.index_cast %swap3A_1950 : i32 to index
    %swap3A_1952 = arith.constant 32 : index
    %swap3A_1953 = tpu.vector_load %arg9[%swap3A_1951, %swap3A_1952] {strides = array<i32>} : memref<4x128xi32, #tpu.memory_space<vmem>>, vector<1x16xi32>,
    %swap3A_1954 = vector.shape_cast %swap3A_1953 : vector<1x16xi32> to vector<16xi32>
    %swap3A_1955 = vector.shape_cast %select_n3A_1949 : vector<16xi32> to vector<1x16xi32>
    tpu.vector_store %arg9[%swap3A_1951, %swap3A_1952], %swap3A_1955 {strides = array<i32>} : memref<4x128xi32, #tpu.memory_space<vmem>>, vector<1x16xi32>,
    %get3A_1956 = arith.constant 0 : i32
    %get3A_1957 = arith.index_cast %get3A_1956 : i32 to index
    %get3A_1958 = arith.constant 432 : index
    %get3A_1959 = tpu.vector_load %arg7[%get3A_1957, %get3A_1958] {strides = array<i32>} : memref<2x512xi32, #tpu.memory_space<vmem>>, vector<1x16xi32>,
    %get3A_1960 = vector.shape_cast %get3A_1959 : vector<1x16xi32> to vector<16xi32>
    %convert_element_type3A_1961 = arith.sitofp %get3A_1960 : vector<16xi32> to vector<16xf32>
    %mul3A_1962 = arith.constant 9.99999974E-5 : f32
    %mul3A_1963 = vector.broadcast %mul3A_1962 : f32 to vector<16xf32>
    %mul3A_1964 = arith.mulf %convert_element_type3A_1961, %mul3A_1963 : vector<16xf32>
    %convert_element_type3A_1965 = arith.fptosi %mul3A_1964 : vector<16xf32> to vector<16xi32>
    %mul3A_1966 = arith.constant 10000 : i32
    %mul3A_1967 = vector.broadcast %mul3A_1966 : i32 to vector<16xi32>
    %mul3A_1968 = arith.muli %convert_element_type3A_1965, %mul3A_1967 : vector<16xi32>
    %sub3A_1969 = arith.subi %get3A_1960, %mul3A_1968 : vector<16xi32>
    %lt3A_1970 = arith.constant 0 : i32
    %lt3A_1971 = vector.broadcast %lt3A_1970 : i32 to vector<16xi32>
    %lt3A_1972 = arith.cmpi slt, %sub3A_1969, %lt3A_1971 : vector<16xi32>
    %add3A_1973 = arith.constant 10000 : i32
    %add3A_1974 = vector.broadcast %add3A_1973 : i32 to vector<16xi32>
    %add3A_1975 = arith.addi %sub3A_1969, %add3A_1974 : vector<16xi32>
    %select_n3A_1976 = arith.select %lt3A_1972, %add3A_1975, %sub3A_1969 : vector<16xi1>, vector<16xi32>
    %ge3A_1977 = arith.constant 10000 : i32
    %ge3A_1978 = vector.broadcast %ge3A_1977 : i32 to vector<16xi32>
    %ge3A_1979 = arith.cmpi sge, %select_n3A_1976, %ge3A_1978 : vector<16xi32>
    %sub3A_1980 = arith.constant 10000 : i32
    %sub3A_1981 = vector.broadcast %sub3A_1980 : i32 to vector<16xi32>
    %sub3A_1982 = arith.subi %select_n3A_1976, %sub3A_1981 : vector<16xi32>
    %select_n3A_1983 = arith.select %ge3A_1979, %sub3A_1982, %select_n3A_1976 : vector<16xi1>, vector<16xi32>
    %swap3A_1984 = arith.constant 3 : i32
    %swap3A_1985 = arith.index_cast %swap3A_1984 : i32 to index
    %swap3A_1986 = arith.constant 48 : index
    %swap3A_1987 = tpu.vector_load %arg8[%swap3A_1985, %swap3A_1986] {strides = array<i32>} : memref<4x128xi32, #tpu.memory_space<vmem>>, vector<1x16xi32>,
    %swap3A_1988 = vector.shape_cast %swap3A_1987 : vector<1x16xi32> to vector<16xi32>
    %swap3A_1989 = vector.shape_cast %select_n3A_1983 : vector<16xi32> to vector<1x16xi32>
    tpu.vector_store %arg8[%swap3A_1985, %swap3A_1986], %swap3A_1989 {strides = array<i32>} : memref<4x128xi32, #tpu.memory_space<vmem>>, vector<1x16xi32>,
    %get3A_1990 = arith.constant 1 : i32
    %get3A_1991 = arith.index_cast %get3A_1990 : i32 to index
    %get3A_1992 = arith.constant 432 : index
    %get3A_1993 = tpu.vector_load %arg7[%get3A_1991, %get3A_1992] {strides = array<i32>} : memref<2x512xi32, #tpu.memory_space<vmem>>, vector<1x16xi32>,
    %get3A_1994 = vector.shape_cast %get3A_1993 : vector<1x16xi32> to vector<16xi32>
    %convert_element_type3A_1995 = arith.sitofp %get3A_1994 : vector<16xi32> to vector<16xf32>
    %mul3A_1996 = arith.constant 9.99999974E-5 : f32
    %mul3A_1997 = vector.broadcast %mul3A_1996 : f32 to vector<16xf32>
    %mul3A_1998 = arith.mulf %convert_element_type3A_1995, %mul3A_1997 : vector<16xf32>
    %convert_element_type3A_1999 = arith.fptosi %mul3A_1998 : vector<16xf32> to vector<16xi32>
    %mul3A_2000 = arith.constant 10000 : i32
    %mul3A_2001 = vector.broadcast %mul3A_2000 : i32 to vector<16xi32>
    %mul3A_2002 = arith.muli %convert_element_type3A_1999, %mul3A_2001 : vector<16xi32>
    %sub3A_2003 = arith.subi %get3A_1994, %mul3A_2002 : vector<16xi32>
    %lt3A_2004 = arith.constant 0 : i32
    %lt3A_2005 = vector.broadcast %lt3A_2004 : i32 to vector<16xi32>
    %lt3A_2006 = arith.cmpi slt, %sub3A_2003, %lt3A_2005 : vector<16xi32>
    %add3A_2007 = arith.constant 10000 : i32
    %add3A_2008 = vector.broadcast %add3A_2007 : i32 to vector<16xi32>
    %add3A_2009 = arith.addi %sub3A_2003, %add3A_2008 : vector<16xi32>
    %select_n3A_2010 = arith.select %lt3A_2006, %add3A_2009, %sub3A_2003 : vector<16xi1>, vector<16xi32>
    %ge3A_2011 = arith.constant 10000 : i32
    %ge3A_2012 = vector.broadcast %ge3A_2011 : i32 to vector<16xi32>
    %ge3A_2013 = arith.cmpi sge, %select_n3A_2010, %ge3A_2012 : vector<16xi32>
    %sub3A_2014 = arith.constant 10000 : i32
    %sub3A_2015 = vector.broadcast %sub3A_2014 : i32 to vector<16xi32>
    %sub3A_2016 = arith.subi %select_n3A_2010, %sub3A_2015 : vector<16xi32>
    %select_n3A_2017 = arith.select %ge3A_2013, %sub3A_2016, %select_n3A_2010 : vector<16xi1>, vector<16xi32>
    %swap3A_2018 = arith.constant 3 : i32
    %swap3A_2019 = arith.index_cast %swap3A_2018 : i32 to index
    %swap3A_2020 = arith.constant 48 : index
    %swap3A_2021 = tpu.vector_load %arg9[%swap3A_2019, %swap3A_2020] {strides = array<i32>} : memref<4x128xi32, #tpu.memory_space<vmem>>, vector<1x16xi32>,
    %swap3A_2022 = vector.shape_cast %swap3A_2021 : vector<1x16xi32> to vector<16xi32>
    %swap3A_2023 = vector.shape_cast %select_n3A_2017 : vector<16xi32> to vector<1x16xi32>
    tpu.vector_store %arg9[%swap3A_2019, %swap3A_2020], %swap3A_2023 {strides = array<i32>} : memref<4x128xi32, #tpu.memory_space<vmem>>, vector<1x16xi32>,
    %get3A_2024 = arith.constant 0 : i32
    %get3A_2025 = arith.index_cast %get3A_2024 : i32 to index
    %get3A_2026 = arith.constant 448 : index
    %get3A_2027 = tpu.vector_load %arg7[%get3A_2025, %get3A_2026] {strides = array<i32>} : memref<2x512xi32, #tpu.memory_space<vmem>>, vector<1x16xi32>,
    %get3A_2028 = vector.shape_cast %get3A_2027 : vector<1x16xi32> to vector<16xi32>
    %convert_element_type3A_2029 = arith.sitofp %get3A_2028 : vector<16xi32> to vector<16xf32>
    %mul3A_2030 = arith.constant 9.99999974E-5 : f32
    %mul3A_2031 = vector.broadcast %mul3A_2030 : f32 to vector<16xf32>
    %mul3A_2032 = arith.mulf %convert_element_type3A_2029, %mul3A_2031 : vector<16xf32>
    %convert_element_type3A_2033 = arith.fptosi %mul3A_2032 : vector<16xf32> to vector<16xi32>
    %mul3A_2034 = arith.constant 10000 : i32
    %mul3A_2035 = vector.broadcast %mul3A_2034 : i32 to vector<16xi32>
    %mul3A_2036 = arith.muli %convert_element_type3A_2033, %mul3A_2035 : vector<16xi32>
    %sub3A_2037 = arith.subi %get3A_2028, %mul3A_2036 : vector<16xi32>
    %lt3A_2038 = arith.constant 0 : i32
    %lt3A_2039 = vector.broadcast %lt3A_2038 : i32 to vector<16xi32>
    %lt3A_2040 = arith.cmpi slt, %sub3A_2037, %lt3A_2039 : vector<16xi32>
    %add3A_2041 = arith.constant 10000 : i32
    %add3A_2042 = vector.broadcast %add3A_2041 : i32 to vector<16xi32>
    %add3A_2043 = arith.addi %sub3A_2037, %add3A_2042 : vector<16xi32>
    %select_n3A_2044 = arith.select %lt3A_2040, %add3A_2043, %sub3A_2037 : vector<16xi1>, vector<16xi32>
    %ge3A_2045 = arith.constant 10000 : i32
    %ge3A_2046 = vector.broadcast %ge3A_2045 : i32 to vector<16xi32>
    %ge3A_2047 = arith.cmpi sge, %select_n3A_2044, %ge3A_2046 : vector<16xi32>
    %sub3A_2048 = arith.constant 10000 : i32
    %sub3A_2049 = vector.broadcast %sub3A_2048 : i32 to vector<16xi32>
    %sub3A_2050 = arith.subi %select_n3A_2044, %sub3A_2049 : vector<16xi32>
    %select_n3A_2051 = arith.select %ge3A_2047, %sub3A_2050, %select_n3A_2044 : vector<16xi1>, vector<16xi32>
    %swap3A_2052 = arith.constant 3 : i32
    %swap3A_2053 = arith.index_cast %swap3A_2052 : i32 to index
    %swap3A_2054 = arith.constant 64 : index
    %swap3A_2055 = tpu.vector_load %arg8[%swap3A_2053, %swap3A_2054] {strides = array<i32>} : memref<4x128xi32, #tpu.memory_space<vmem>>, vector<1x16xi32>,
    %swap3A_2056 = vector.shape_cast %swap3A_2055 : vector<1x16xi32> to vector<16xi32>
    %swap3A_2057 = vector.shape_cast %select_n3A_2051 : vector<16xi32> to vector<1x16xi32>
    tpu.vector_store %arg8[%swap3A_2053, %swap3A_2054], %swap3A_2057 {strides = array<i32>} : memref<4x128xi32, #tpu.memory_space<vmem>>, vector<1x16xi32>,
    %get3A_2058 = arith.constant 1 : i32
    %get3A_2059 = arith.index_cast %get3A_2058 : i32 to index
    %get3A_2060 = arith.constant 448 : index
    %get3A_2061 = tpu.vector_load %arg7[%get3A_2059, %get3A_2060] {strides = array<i32>} : memref<2x512xi32, #tpu.memory_space<vmem>>, vector<1x16xi32>,
    %get3A_2062 = vector.shape_cast %get3A_2061 : vector<1x16xi32> to vector<16xi32>
    %convert_element_type3A_2063 = arith.sitofp %get3A_2062 : vector<16xi32> to vector<16xf32>
    %mul3A_2064 = arith.constant 9.99999974E-5 : f32
    %mul3A_2065 = vector.broadcast %mul3A_2064 : f32 to vector<16xf32>
    %mul3A_2066 = arith.mulf %convert_element_type3A_2063, %mul3A_2065 : vector<16xf32>
    %convert_element_type3A_2067 = arith.fptosi %mul3A_2066 : vector<16xf32> to vector<16xi32>
    %mul3A_2068 = arith.constant 10000 : i32
    %mul3A_2069 = vector.broadcast %mul3A_2068 : i32 to vector<16xi32>
    %mul3A_2070 = arith.muli %convert_element_type3A_2067, %mul3A_2069 : vector<16xi32>
    %sub3A_2071 = arith.subi %get3A_2062, %mul3A_2070 : vector<16xi32>
    %lt3A_2072 = arith.constant 0 : i32
    %lt3A_2073 = vector.broadcast %lt3A_2072 : i32 to vector<16xi32>
    %lt3A_2074 = arith.cmpi slt, %sub3A_2071, %lt3A_2073 : vector<16xi32>
    %add3A_2075 = arith.constant 10000 : i32
    %add3A_2076 = vector.broadcast %add3A_2075 : i32 to vector<16xi32>
    %add3A_2077 = arith.addi %sub3A_2071, %add3A_2076 : vector<16xi32>
    %select_n3A_2078 = arith.select %lt3A_2074, %add3A_2077, %sub3A_2071 : vector<16xi1>, vector<16xi32>
    %ge3A_2079 = arith.constant 10000 : i32
    %ge3A_2080 = vector.broadcast %ge3A_2079 : i32 to vector<16xi32>
    %ge3A_2081 = arith.cmpi sge, %select_n3A_2078, %ge3A_2080 : vector<16xi32>
    %sub3A_2082 = arith.constant 10000 : i32
    %sub3A_2083 = vector.broadcast %sub3A_2082 : i32 to vector<16xi32>
    %sub3A_2084 = arith.subi %select_n3A_2078, %sub3A_2083 : vector<16xi32>
    %select_n3A_2085 = arith.select %ge3A_2081, %sub3A_2084, %select_n3A_2078 : vector<16xi1>, vector<16xi32>
    %swap3A_2086 = arith.constant 3 : i32
    %swap3A_2087 = arith.index_cast %swap3A_2086 : i32 to index
    %swap3A_2088 = arith.constant 64 : index
    %swap3A_2089 = tpu.vector_load %arg9[%swap3A_2087, %swap3A_2088] {strides = array<i32>} : memref<4x128xi32, #tpu.memory_space<vmem>>, vector<1x16xi32>,
    %swap3A_2090 = vector.shape_cast %swap3A_2089 : vector<1x16xi32> to vector<16xi32>
    %swap3A_2091 = vector.shape_cast %select_n3A_2085 : vector<16xi32> to vector<1x16xi32>
    tpu.vector_store %arg9[%swap3A_2087, %swap3A_2088], %swap3A_2091 {strides = array<i32>} : memref<4x128xi32, #tpu.memory_space<vmem>>, vector<1x16xi32>,
    %get3A_2092 = arith.constant 0 : i32
    %get3A_2093 = arith.index_cast %get3A_2092 : i32 to index
    %get3A_2094 = arith.constant 464 : index
    %get3A_2095 = tpu.vector_load %arg7[%get3A_2093, %get3A_2094] {strides = array<i32>} : memref<2x512xi32, #tpu.memory_space<vmem>>, vector<1x16xi32>,
    %get3A_2096 = vector.shape_cast %get3A_2095 : vector<1x16xi32> to vector<16xi32>
    %convert_element_type3A_2097 = arith.sitofp %get3A_2096 : vector<16xi32> to vector<16xf32>
    %mul3A_2098 = arith.constant 9.99999974E-5 : f32
    %mul3A_2099 = vector.broadcast %mul3A_2098 : f32 to vector<16xf32>
    %mul3A_2100 = arith.mulf %convert_element_type3A_2097, %mul3A_2099 : vector<16xf32>
    %convert_element_type3A_2101 = arith.fptosi %mul3A_2100 : vector<16xf32> to vector<16xi32>
    %mul3A_2102 = arith.constant 10000 : i32
    %mul3A_2103 = vector.broadcast %mul3A_2102 : i32 to vector<16xi32>
    %mul3A_2104 = arith.muli %convert_element_type3A_2101, %mul3A_2103 : vector<16xi32>
    %sub3A_2105 = arith.subi %get3A_2096, %mul3A_2104 : vector<16xi32>
    %lt3A_2106 = arith.constant 0 : i32
    %lt3A_2107 = vector.broadcast %lt3A_2106 : i32 to vector<16xi32>
    %lt3A_2108 = arith.cmpi slt, %sub3A_2105, %lt3A_2107 : vector<16xi32>
    %add3A_2109 = arith.constant 10000 : i32
    %add3A_2110 = vector.broadcast %add3A_2109 : i32 to vector<16xi32>
    %add3A_2111 = arith.addi %sub3A_2105, %add3A_2110 : vector<16xi32>
    %select_n3A_2112 = arith.select %lt3A_2108, %add3A_2111, %sub3A_2105 : vector<16xi1>, vector<16xi32>
    %ge3A_2113 = arith.constant 10000 : i32
    %ge3A_2114 = vector.broadcast %ge3A_2113 : i32 to vector<16xi32>
    %ge3A_2115 = arith.cmpi sge, %select_n3A_2112, %ge3A_2114 : vector<16xi32>
    %sub3A_2116 = arith.constant 10000 : i32
    %sub3A_2117 = vector.broadcast %sub3A_2116 : i32 to vector<16xi32>
    %sub3A_2118 = arith.subi %select_n3A_2112, %sub3A_2117 : vector<16xi32>
    %select_n3A_2119 = arith.select %ge3A_2115, %sub3A_2118, %select_n3A_2112 : vector<16xi1>, vector<16xi32>
    %swap3A_2120 = arith.constant 3 : i32
    %swap3A_2121 = arith.index_cast %swap3A_2120 : i32 to index
    %swap3A_2122 = arith.constant 80 : index
    %swap3A_2123 = tpu.vector_load %arg8[%swap3A_2121, %swap3A_2122] {strides = array<i32>} : memref<4x128xi32, #tpu.memory_space<vmem>>, vector<1x16xi32>,
    %swap3A_2124 = vector.shape_cast %swap3A_2123 : vector<1x16xi32> to vector<16xi32>
    %swap3A_2125 = vector.shape_cast %select_n3A_2119 : vector<16xi32> to vector<1x16xi32>
    tpu.vector_store %arg8[%swap3A_2121, %swap3A_2122], %swap3A_2125 {strides = array<i32>} : memref<4x128xi32, #tpu.memory_space<vmem>>, vector<1x16xi32>,
    %get3A_2126 = arith.constant 1 : i32
    %get3A_2127 = arith.index_cast %get3A_2126 : i32 to index
    %get3A_2128 = arith.constant 464 : index
    %get3A_2129 = tpu.vector_load %arg7[%get3A_2127, %get3A_2128] {strides = array<i32>} : memref<2x512xi32, #tpu.memory_space<vmem>>, vector<1x16xi32>,
    %get3A_2130 = vector.shape_cast %get3A_2129 : vector<1x16xi32> to vector<16xi32>
    %convert_element_type3A_2131 = arith.sitofp %get3A_2130 : vector<16xi32> to vector<16xf32>
    %mul3A_2132 = arith.constant 9.99999974E-5 : f32
    %mul3A_2133 = vector.broadcast %mul3A_2132 : f32 to vector<16xf32>
    %mul3A_2134 = arith.mulf %convert_element_type3A_2131, %mul3A_2133 : vector<16xf32>
    %convert_element_type3A_2135 = arith.fptosi %mul3A_2134 : vector<16xf32> to vector<16xi32>
    %mul3A_2136 = arith.constant 10000 : i32
    %mul3A_2137 = vector.broadcast %mul3A_2136 : i32 to vector<16xi32>
    %mul3A_2138 = arith.muli %convert_element_type3A_2135, %mul3A_2137 : vector<16xi32>
    %sub3A_2139 = arith.subi %get3A_2130, %mul3A_2138 : vector<16xi32>
    %lt3A_2140 = arith.constant 0 : i32
    %lt3A_2141 = vector.broadcast %lt3A_2140 : i32 to vector<16xi32>
    %lt3A_2142 = arith.cmpi slt, %sub3A_2139, %lt3A_2141 : vector<16xi32>
    %add3A_2143 = arith.constant 10000 : i32
    %add3A_2144 = vector.broadcast %add3A_2143 : i32 to vector<16xi32>
    %add3A_2145 = arith.addi %sub3A_2139, %add3A_2144 : vector<16xi32>
    %select_n3A_2146 = arith.select %lt3A_2142, %add3A_2145, %sub3A_2139 : vector<16xi1>, vector<16xi32>
    %ge3A_2147 = arith.constant 10000 : i32
    %ge3A_2148 = vector.broadcast %ge3A_2147 : i32 to vector<16xi32>
    %ge3A_2149 = arith.cmpi sge, %select_n3A_2146, %ge3A_2148 : vector<16xi32>
    %sub3A_2150 = arith.constant 10000 : i32
    %sub3A_2151 = vector.broadcast %sub3A_2150 : i32 to vector<16xi32>
    %sub3A_2152 = arith.subi %select_n3A_2146, %sub3A_2151 : vector<16xi32>
    %select_n3A_2153 = arith.select %ge3A_2149, %sub3A_2152, %select_n3A_2146 : vector<16xi1>, vector<16xi32>
    %swap3A_2154 = arith.constant 3 : i32
    %swap3A_2155 = arith.index_cast %swap3A_2154 : i32 to index
    %swap3A_2156 = arith.constant 80 : index
    %swap3A_2157 = tpu.vector_load %arg9[%swap3A_2155, %swap3A_2156] {strides = array<i32>} : memref<4x128xi32, #tpu.memory_space<vmem>>, vector<1x16xi32>,
    %swap3A_2158 = vector.shape_cast %swap3A_2157 : vector<1x16xi32> to vector<16xi32>
    %swap3A_2159 = vector.shape_cast %select_n3A_2153 : vector<16xi32> to vector<1x16xi32>
    tpu.vector_store %arg9[%swap3A_2155, %swap3A_2156], %swap3A_2159 {strides = array<i32>} : memref<4x128xi32, #tpu.memory_space<vmem>>, vector<1x16xi32>,
    %get3A_2160 = arith.constant 0 : i32
    %get3A_2161 = arith.index_cast %get3A_2160 : i32 to index
    %get3A_2162 = arith.constant 480 : index
    %get3A_2163 = tpu.vector_load %arg7[%get3A_2161, %get3A_2162] {strides = array<i32>} : memref<2x512xi32, #tpu.memory_space<vmem>>, vector<1x16xi32>,
    %get3A_2164 = vector.shape_cast %get3A_2163 : vector<1x16xi32> to vector<16xi32>
    %convert_element_type3A_2165 = arith.sitofp %get3A_2164 : vector<16xi32> to vector<16xf32>
    %mul3A_2166 = arith.constant 9.99999974E-5 : f32
    %mul3A_2167 = vector.broadcast %mul3A_2166 : f32 to vector<16xf32>
    %mul3A_2168 = arith.mulf %convert_element_type3A_2165, %mul3A_2167 : vector<16xf32>
    %convert_element_type3A_2169 = arith.fptosi %mul3A_2168 : vector<16xf32> to vector<16xi32>
    %mul3A_2170 = arith.constant 10000 : i32
    %mul3A_2171 = vector.broadcast %mul3A_2170 : i32 to vector<16xi32>
    %mul3A_2172 = arith.muli %convert_element_type3A_2169, %mul3A_2171 : vector<16xi32>
    %sub3A_2173 = arith.subi %get3A_2164, %mul3A_2172 : vector<16xi32>
    %lt3A_2174 = arith.constant 0 : i32
    %lt3A_2175 = vector.broadcast %lt3A_2174 : i32 to vector<16xi32>
    %lt3A_2176 = arith.cmpi slt, %sub3A_2173, %lt3A_2175 : vector<16xi32>
    %add3A_2177 = arith.constant 10000 : i32
    %add3A_2178 = vector.broadcast %add3A_2177 : i32 to vector<16xi32>
    %add3A_2179 = arith.addi %sub3A_2173, %add3A_2178 : vector<16xi32>
    %select_n3A_2180 = arith.select %lt3A_2176, %add3A_2179, %sub3A_2173 : vector<16xi1>, vector<16xi32>
    %ge3A_2181 = arith.constant 10000 : i32
    %ge3A_2182 = vector.broadcast %ge3A_2181 : i32 to vector<16xi32>
    %ge3A_2183 = arith.cmpi sge, %select_n3A_2180, %ge3A_2182 : vector<16xi32>
    %sub3A_2184 = arith.constant 10000 : i32
    %sub3A_2185 = vector.broadcast %sub3A_2184 : i32 to vector<16xi32>
    %sub3A_2186 = arith.subi %select_n3A_2180, %sub3A_2185 : vector<16xi32>
    %select_n3A_2187 = arith.select %ge3A_2183, %sub3A_2186, %select_n3A_2180 : vector<16xi1>, vector<16xi32>
    %swap3A_2188 = arith.constant 3 : i32
    %swap3A_2189 = arith.index_cast %swap3A_2188 : i32 to index
    %swap3A_2190 = arith.constant 96 : index
    %swap3A_2191 = tpu.vector_load %arg8[%swap3A_2189, %swap3A_2190] {strides = array<i32>} : memref<4x128xi32, #tpu.memory_space<vmem>>, vector<1x16xi32>,
    %swap3A_2192 = vector.shape_cast %swap3A_2191 : vector<1x16xi32> to vector<16xi32>
    %swap3A_2193 = vector.shape_cast %select_n3A_2187 : vector<16xi32> to vector<1x16xi32>
    tpu.vector_store %arg8[%swap3A_2189, %swap3A_2190], %swap3A_2193 {strides = array<i32>} : memref<4x128xi32, #tpu.memory_space<vmem>>, vector<1x16xi32>,
    %get3A_2194 = arith.constant 1 : i32
    %get3A_2195 = arith.index_cast %get3A_2194 : i32 to index
    %get3A_2196 = arith.constant 480 : index
    %get3A_2197 = tpu.vector_load %arg7[%get3A_2195, %get3A_2196] {strides = array<i32>} : memref<2x512xi32, #tpu.memory_space<vmem>>, vector<1x16xi32>,
    %get3A_2198 = vector.shape_cast %get3A_2197 : vector<1x16xi32> to vector<16xi32>
    %convert_element_type3A_2199 = arith.sitofp %get3A_2198 : vector<16xi32> to vector<16xf32>
    %mul3A_2200 = arith.constant 9.99999974E-5 : f32
    %mul3A_2201 = vector.broadcast %mul3A_2200 : f32 to vector<16xf32>
    %mul3A_2202 = arith.mulf %convert_element_type3A_2199, %mul3A_2201 : vector<16xf32>
    %convert_element_type3A_2203 = arith.fptosi %mul3A_2202 : vector<16xf32> to vector<16xi32>
    %mul3A_2204 = arith.constant 10000 : i32
    %mul3A_2205 = vector.broadcast %mul3A_2204 : i32 to vector<16xi32>
    %mul3A_2206 = arith.muli %convert_element_type3A_2203, %mul3A_2205 : vector<16xi32>
    %sub3A_2207 = arith.subi %get3A_2198, %mul3A_2206 : vector<16xi32>
    %lt3A_2208 = arith.constant 0 : i32
    %lt3A_2209 = vector.broadcast %lt3A_2208 : i32 to vector<16xi32>
    %lt3A_2210 = arith.cmpi slt, %sub3A_2207, %lt3A_2209 : vector<16xi32>
    %add3A_2211 = arith.constant 10000 : i32
    %add3A_2212 = vector.broadcast %add3A_2211 : i32 to vector<16xi32>
    %add3A_2213 = arith.addi %sub3A_2207, %add3A_2212 : vector<16xi32>
    %select_n3A_2214 = arith.select %lt3A_2210, %add3A_2213, %sub3A_2207 : vector<16xi1>, vector<16xi32>
    %ge3A_2215 = arith.constant 10000 : i32
    %ge3A_2216 = vector.broadcast %ge3A_2215 : i32 to vector<16xi32>
    %ge3A_2217 = arith.cmpi sge, %select_n3A_2214, %ge3A_2216 : vector<16xi32>
    %sub3A_2218 = arith.constant 10000 : i32
    %sub3A_2219 = vector.broadcast %sub3A_2218 : i32 to vector<16xi32>
    %sub3A_2220 = arith.subi %select_n3A_2214, %sub3A_2219 : vector<16xi32>
    %select_n3A_2221 = arith.select %ge3A_2217, %sub3A_2220, %select_n3A_2214 : vector<16xi1>, vector<16xi32>
    %swap3A_2222 = arith.constant 3 : i32
    %swap3A_2223 = arith.index_cast %swap3A_2222 : i32 to index
    %swap3A_2224 = arith.constant 96 : index
    %swap3A_2225 = tpu.vector_load %arg9[%swap3A_2223, %swap3A_2224] {strides = array<i32>} : memref<4x128xi32, #tpu.memory_space<vmem>>, vector<1x16xi32>,
    %swap3A_2226 = vector.shape_cast %swap3A_2225 : vector<1x16xi32> to vector<16xi32>
    %swap3A_2227 = vector.shape_cast %select_n3A_2221 : vector<16xi32> to vector<1x16xi32>
    tpu.vector_store %arg9[%swap3A_2223, %swap3A_2224], %swap3A_2227 {strides = array<i32>} : memref<4x128xi32, #tpu.memory_space<vmem>>, vector<1x16xi32>,
    %get3A_2228 = arith.constant 0 : i32
    %get3A_2229 = arith.index_cast %get3A_2228 : i32 to index
    %get3A_2230 = arith.constant 496 : index
    %get3A_2231 = tpu.vector_load %arg7[%get3A_2229, %get3A_2230] {strides = array<i32>} : memref<2x512xi32, #tpu.memory_space<vmem>>, vector<1x16xi32>,
    %get3A_2232 = vector.shape_cast %get3A_2231 : vector<1x16xi32> to vector<16xi32>
    %convert_element_type3A_2233 = arith.sitofp %get3A_2232 : vector<16xi32> to vector<16xf32>
    %mul3A_2234 = arith.constant 9.99999974E-5 : f32
    %mul3A_2235 = vector.broadcast %mul3A_2234 : f32 to vector<16xf32>
    %mul3A_2236 = arith.mulf %convert_element_type3A_2233, %mul3A_2235 : vector<16xf32>
    %convert_element_type3A_2237 = arith.fptosi %mul3A_2236 : vector<16xf32> to vector<16xi32>
    %mul3A_2238 = arith.constant 10000 : i32
    %mul3A_2239 = vector.broadcast %mul3A_2238 : i32 to vector<16xi32>
    %mul3A_2240 = arith.muli %convert_element_type3A_2237, %mul3A_2239 : vector<16xi32>
    %sub3A_2241 = arith.subi %get3A_2232, %mul3A_2240 : vector<16xi32>
    %lt3A_2242 = arith.constant 0 : i32
    %lt3A_2243 = vector.broadcast %lt3A_2242 : i32 to vector<16xi32>
    %lt3A_2244 = arith.cmpi slt, %sub3A_2241, %lt3A_2243 : vector<16xi32>
    %add3A_2245 = arith.constant 10000 : i32
    %add3A_2246 = vector.broadcast %add3A_2245 : i32 to vector<16xi32>
    %add3A_2247 = arith.addi %sub3A_2241, %add3A_2246 : vector<16xi32>
    %select_n3A_2248 = arith.select %lt3A_2244, %add3A_2247, %sub3A_2241 : vector<16xi1>, vector<16xi32>
    %ge3A_2249 = arith.constant 10000 : i32
    %ge3A_2250 = vector.broadcast %ge3A_2249 : i32 to vector<16xi32>
    %ge3A_2251 = arith.cmpi sge, %select_n3A_2248, %ge3A_2250 : vector<16xi32>
    %sub3A_2252 = arith.constant 10000 : i32
    %sub3A_2253 = vector.broadcast %sub3A_2252 : i32 to vector<16xi32>
    %sub3A_2254 = arith.subi %select_n3A_2248, %sub3A_2253 : vector<16xi32>
    %select_n3A_2255 = arith.select %ge3A_2251, %sub3A_2254, %select_n3A_2248 : vector<16xi1>, vector<16xi32>
    %swap3A_2256 = arith.constant 3 : i32
    %swap3A_2257 = arith.index_cast %swap3A_2256 : i32 to index
    %swap3A_2258 = arith.constant 112 : index
    %swap3A_2259 = tpu.vector_load %arg8[%swap3A_2257, %swap3A_2258] {strides = array<i32>} : memref<4x128xi32, #tpu.memory_space<vmem>>, vector<1x16xi32>,
    %swap3A_2260 = vector.shape_cast %swap3A_2259 : vector<1x16xi32> to vector<16xi32>
    %swap3A_2261 = vector.shape_cast %select_n3A_2255 : vector<16xi32> to vector<1x16xi32>
    tpu.vector_store %arg8[%swap3A_2257, %swap3A_2258], %swap3A_2261 {strides = array<i32>} : memref<4x128xi32, #tpu.memory_space<vmem>>, vector<1x16xi32>,
    %get3A_2262 = arith.constant 1 : i32
    %get3A_2263 = arith.index_cast %get3A_2262 : i32 to index
    %get3A_2264 = arith.constant 496 : index
    %get3A_2265 = tpu.vector_load %arg7[%get3A_2263, %get3A_2264] {strides = array<i32>} : memref<2x512xi32, #tpu.memory_space<vmem>>, vector<1x16xi32>,
    %get3A_2266 = vector.shape_cast %get3A_2265 : vector<1x16xi32> to vector<16xi32>
    %convert_element_type3A_2267 = arith.sitofp %get3A_2266 : vector<16xi32> to vector<16xf32>
    %mul3A_2268 = arith.constant 9.99999974E-5 : f32
    %mul3A_2269 = vector.broadcast %mul3A_2268 : f32 to vector<16xf32>
    %mul3A_2270 = arith.mulf %convert_element_type3A_2267, %mul3A_2269 : vector<16xf32>
    %convert_element_type3A_2271 = arith.fptosi %mul3A_2270 : vector<16xf32> to vector<16xi32>
    %mul3A_2272 = arith.constant 10000 : i32
    %mul3A_2273 = vector.broadcast %mul3A_2272 : i32 to vector<16xi32>
    %mul3A_2274 = arith.muli %convert_element_type3A_2271, %mul3A_2273 : vector<16xi32>
    %sub3A_2275 = arith.subi %get3A_2266, %mul3A_2274 : vector<16xi32>
    %lt3A_2276 = arith.constant 0 : i32
    %lt3A_2277 = vector.broadcast %lt3A_2276 : i32 to vector<16xi32>
    %lt3A_2278 = arith.cmpi slt, %sub3A_2275, %lt3A_2277 : vector<16xi32>
    %add3A_2279 = arith.constant 10000 : i32
    %add3A_2280 = vector.broadcast %add3A_2279 : i32 to vector<16xi32>
    %add3A_2281 = arith.addi %sub3A_2275, %add3A_2280 : vector<16xi32>
    %select_n3A_2282 = arith.select %lt3A_2278, %add3A_2281, %sub3A_2275 : vector<16xi1>, vector<16xi32>
    %ge3A_2283 = arith.constant 10000 : i32
    %ge3A_2284 = vector.broadcast %ge3A_2283 : i32 to vector<16xi32>
    %ge3A_2285 = arith.cmpi sge, %select_n3A_2282, %ge3A_2284 : vector<16xi32>
    %sub3A_2286 = arith.constant 10000 : i32
    %sub3A_2287 = vector.broadcast %sub3A_2286 : i32 to vector<16xi32>
    %sub3A_2288 = arith.subi %select_n3A_2282, %sub3A_2287 : vector<16xi32>
    %select_n3A_2289 = arith.select %ge3A_2285, %sub3A_2288, %select_n3A_2282 : vector<16xi1>, vector<16xi32>
    %swap3A_2290 = arith.constant 3 : i32
    %swap3A_2291 = arith.index_cast %swap3A_2290 : i32 to index
    %swap3A_2292 = arith.constant 112 : index
    %swap3A_2293 = tpu.vector_load %arg9[%swap3A_2291, %swap3A_2292] {strides = array<i32>} : memref<4x128xi32, #tpu.memory_space<vmem>>, vector<1x16xi32>,
    %swap3A_2294 = vector.shape_cast %swap3A_2293 : vector<1x16xi32> to vector<16xi32>
    %swap3A_2295 = vector.shape_cast %select_n3A_2289 : vector<16xi32> to vector<1x16xi32>
    tpu.vector_store %arg9[%swap3A_2291, %swap3A_2292], %swap3A_2295 {strides = array<i32>} : memref<4x128xi32, #tpu.memory_space<vmem>>, vector<1x16xi32>,
    %dma_start3A_2296 = arith.constant 3 : i32
    %dma_start3A_2297 = arith.constant 0 : i32
    %dma_start3A_2298 = arith.constant 3 : i32
    %dma_start3A_2299 = arith.constant 384 : i32
    %dma_start3A_2300 = arith.constant 0 : i32
    %dma_start3A_2301 = tpu.memref_slice %arg10[%dma_start3A_2297, %dma_start3A_2299, %dma_start3A_2300] : memref<2x512x64xf32, #tpu.memory_space<vmem>> -> memref<1x128x64xf32, #tpu.memory_space<vmem>>
    %dma_start3A_2302 = tpu.memref_squeeze %dma_start3A_2301 : memref<1x128x64xf32, #tpu.memory_space<vmem>> -> memref<128x64xf32, #tpu.memory_space<vmem>>
    %dma_start3A_2303 = arith.constant 0 : i32
    %dma_start3A_2304 = tpu.memref_slice %arg8[%dma_start3A_2296, %dma_start3A_2303] : memref<4x128xi32, #tpu.memory_space<vmem>> -> memref<1x128xi32, #tpu.memory_space<vmem>>
    %dma_start3A_2305 = tpu.memref_squeeze %dma_start3A_2304 : memref<1x128xi32, #tpu.memory_space<vmem>> -> memref<128xi32, #tpu.memory_space<vmem>>
    %dma_start3A_2306 = arith.constant 0 : i32
    %dma_start3A_2307 = arith.constant 0 : i32
    %dma_start3A_2308 = tpu.memref_slice %arg4[%dma_start3A_2306, %dma_start3A_2307] : memref<10000x64xf32, #tpu.memory_space<hbm>> -> memref<10000x64xf32, #tpu.memory_space<hbm>>
    %dma_start3A_2309 = tpu.memref_slice %arg11[%dma_start3A_2298] : memref<4x!tpu.dma_semaphore, #tpu.memory_space<semaphore_mem>> -> memref<1x!tpu.dma_semaphore, #tpu.memory_space<semaphore_mem>>
    %dma_start3A_2310 = tpu.memref_squeeze %dma_start3A_2309 : memref<1x!tpu.dma_semaphore, #tpu.memory_space<semaphore_mem>> -> memref<!tpu.dma_semaphore, #tpu.memory_space<semaphore_mem>>
    tpu.enqueue_indirect_dma source(%dma_start3A_2308 : memref<10000x64xf32, #tpu.memory_space<hbm>>) target(%dma_start3A_2302 : memref<128x64xf32, #tpu.memory_space<vmem>>) offsets(%dma_start3A_2305 : memref<128xi32, #tpu.memory_space<vmem>>) semaphore(%dma_start3A_2310 : memref<!tpu.dma_semaphore, #tpu.memory_space<semaphore_mem>>)
    %dma_start3A_2311 = arith.constant 3 : i32
    %dma_start3A_2312 = arith.constant 1 : i32
    %dma_start3A_2313 = arith.constant 3 : i32
    %dma_start3A_2314 = arith.constant 384 : i32
    %dma_start3A_2315 = arith.constant 0 : i32
    %dma_start3A_2316 = tpu.memref_slice %arg10[%dma_start3A_2312, %dma_start3A_2314, %dma_start3A_2315] : memref<2x512x64xf32, #tpu.memory_space<vmem>> -> memref<1x128x64xf32, #tpu.memory_space<vmem>>
    %dma_start3A_2317 = tpu.memref_squeeze %dma_start3A_2316 : memref<1x128x64xf32, #tpu.memory_space<vmem>> -> memref<128x64xf32, #tpu.memory_space<vmem>>
    %dma_start3A_2318 = arith.constant 0 : i32
    %dma_start3A_2319 = tpu.memref_slice %arg9[%dma_start3A_2311, %dma_start3A_2318] : memref<4x128xi32, #tpu.memory_space<vmem>> -> memref<1x128xi32, #tpu.memory_space<vmem>>
    %dma_start3A_2320 = tpu.memref_squeeze %dma_start3A_2319 : memref<1x128xi32, #tpu.memory_space<vmem>> -> memref<128xi32, #tpu.memory_space<vmem>>
    %dma_start3A_2321 = arith.constant 0 : i32
    %dma_start3A_2322 = arith.constant 0 : i32
    %dma_start3A_2323 = tpu.memref_slice %arg5[%dma_start3A_2321, %dma_start3A_2322] : memref<10000x64xf32, #tpu.memory_space<hbm>> -> memref<10000x64xf32, #tpu.memory_space<hbm>>
    %dma_start3A_2324 = tpu.memref_slice %arg11[%dma_start3A_2313] : memref<4x!tpu.dma_semaphore, #tpu.memory_space<semaphore_mem>> -> memref<1x!tpu.dma_semaphore, #tpu.memory_space<semaphore_mem>>
    %dma_start3A_2325 = tpu.memref_squeeze %dma_start3A_2324 : memref<1x!tpu.dma_semaphore, #tpu.memory_space<semaphore_mem>> -> memref<!tpu.dma_semaphore, #tpu.memory_space<semaphore_mem>>
    tpu.enqueue_indirect_dma source(%dma_start3A_2323 : memref<10000x64xf32, #tpu.memory_space<hbm>>) target(%dma_start3A_2317 : memref<128x64xf32, #tpu.memory_space<vmem>>) offsets(%dma_start3A_2320 : memref<128xi32, #tpu.memory_space<vmem>>) semaphore(%dma_start3A_2325 : memref<!tpu.dma_semaphore, #tpu.memory_space<semaphore_mem>>)
    %dma_wait3A_2326 = arith.constant 0 : i32
    %dma_wait3A_2327 = arith.constant 0 : i32
    %dma_wait3A_2328 = arith.constant 0 : i32
    %dma_wait3A_2329 = arith.constant 0 : i32
    %dma_wait3A_2330 = arith.constant 0 : i32
    %dma_wait3A_2331 = tpu.memref_slice %arg10[%dma_wait3A_2327, %dma_wait3A_2329, %dma_wait3A_2330] : memref<2x512x64xf32, #tpu.memory_space<vmem>> -> memref<1x128x64xf32, #tpu.memory_space<vmem>>
    %dma_wait3A_2332 = tpu.memref_squeeze %dma_wait3A_2331 : memref<1x128x64xf32, #tpu.memory_space<vmem>> -> memref<128x64xf32, #tpu.memory_space<vmem>>
    %dma_wait3A_2333 = arith.constant 0 : i32
    %dma_wait3A_2334 = tpu.memref_slice %arg8[%dma_wait3A_2326, %dma_wait3A_2333] : memref<4x128xi32, #tpu.memory_space<vmem>> -> memref<1x128xi32, #tpu.memory_space<vmem>>
    %dma_wait3A_2335 = tpu.memref_squeeze %dma_wait3A_2334 : memref<1x128xi32, #tpu.memory_space<vmem>> -> memref<128xi32, #tpu.memory_space<vmem>>
    %dma_wait3A_2336 = arith.constant 0 : i32
    %dma_wait3A_2337 = arith.constant 0 : i32
    %dma_wait3A_2338 = tpu.memref_slice %arg4[%dma_wait3A_2336, %dma_wait3A_2337] : memref<10000x64xf32, #tpu.memory_space<hbm>> -> memref<10000x64xf32, #tpu.memory_space<hbm>>
    %dma_wait3A_2339 = tpu.memref_slice %arg11[%dma_wait3A_2328] : memref<4x!tpu.dma_semaphore, #tpu.memory_space<semaphore_mem>> -> memref<1x!tpu.dma_semaphore, #tpu.memory_space<semaphore_mem>>
    %dma_wait3A_2340 = tpu.memref_squeeze %dma_wait3A_2339 : memref<1x!tpu.dma_semaphore, #tpu.memory_space<semaphore_mem>> -> memref<!tpu.dma_semaphore, #tpu.memory_space<semaphore_mem>>
    tpu.wait_indirect_dma semaphore(%dma_wait3A_2340 : memref<!tpu.dma_semaphore, #tpu.memory_space<semaphore_mem>>) src(%dma_wait3A_2338 : memref<10000x64xf32, #tpu.memory_space<hbm>>) dst(%dma_wait3A_2332 : memref<128x64xf32, #tpu.memory_space<vmem>>)
    %dma_wait3A_2341 = arith.constant 0 : i32
    %dma_wait3A_2342 = arith.constant 1 : i32
    %dma_wait3A_2343 = arith.constant 0 : i32
    %dma_wait3A_2344 = arith.constant 0 : i32
    %dma_wait3A_2345 = arith.constant 0 : i32
    %dma_wait3A_2346 = tpu.memref_slice %arg10[%dma_wait3A_2342, %dma_wait3A_2344, %dma_wait3A_2345] : memref<2x512x64xf32, #tpu.memory_space<vmem>> -> memref<1x128x64xf32, #tpu.memory_space<vmem>>
    %dma_wait3A_2347 = tpu.memref_squeeze %dma_wait3A_2346 : memref<1x128x64xf32, #tpu.memory_space<vmem>> -> memref<128x64xf32, #tpu.memory_space<vmem>>
    %dma_wait3A_2348 = arith.constant 0 : i32
    %dma_wait3A_2349 = tpu.memref_slice %arg9[%dma_wait3A_2341, %dma_wait3A_2348] : memref<4x128xi32, #tpu.memory_space<vmem>> -> memref<1x128xi32, #tpu.memory_space<vmem>>
    %dma_wait3A_2350 = tpu.memref_squeeze %dma_wait3A_2349 : memref<1x128xi32, #tpu.memory_space<vmem>> -> memref<128xi32, #tpu.memory_space<vmem>>
    %dma_wait3A_2351 = arith.constant 0 : i32
    %dma_wait3A_2352 = arith.constant 0 : i32
    %dma_wait3A_2353 = tpu.memref_slice %arg5[%dma_wait3A_2351, %dma_wait3A_2352] : memref<10000x64xf32, #tpu.memory_space<hbm>> -> memref<10000x64xf32, #tpu.memory_space<hbm>>
    %dma_wait3A_2354 = tpu.memref_slice %arg11[%dma_wait3A_2343] : memref<4x!tpu.dma_semaphore, #tpu.memory_space<semaphore_mem>> -> memref<1x!tpu.dma_semaphore, #tpu.memory_space<semaphore_mem>>
    %dma_wait3A_2355 = tpu.memref_squeeze %dma_wait3A_2354 : memref<1x!tpu.dma_semaphore, #tpu.memory_space<semaphore_mem>> -> memref<!tpu.dma_semaphore, #tpu.memory_space<semaphore_mem>>
    tpu.wait_indirect_dma semaphore(%dma_wait3A_2355 : memref<!tpu.dma_semaphore, #tpu.memory_space<semaphore_mem>>) src(%dma_wait3A_2353 : memref<10000x64xf32, #tpu.memory_space<hbm>>) dst(%dma_wait3A_2347 : memref<128x64xf32, #tpu.memory_space<vmem>>)
    %add3A_2356 = arith.constant 0 : i32
    %add3A_2357 = arith.addi %mul3A_2, %add3A_2356 : i32
    %dma_start3A_2358 = arith.constant 0 : i32
    %dma_start3A_2359 = arith.constant 0 : i32
    %dma_start3A_2360 = arith.constant 0 : i32
    %dma_start3A_2361 = tpu.memref_slice %arg10[%dma_start3A_2358, %dma_start3A_2359, %dma_start3A_2360] : memref<2x512x64xf32, #tpu.memory_space<vmem>> -> memref<1x128x64xf32, #tpu.memory_space<vmem>>
    %dma_start3A_2362 = tpu.memref_squeeze %dma_start3A_2361 : memref<1x128x64xf32, #tpu.memory_space<vmem>> -> memref<128x64xf32, #tpu.memory_space<vmem>>
    %dma_start3A_2363 = arith.constant 0 : i32
    %dma_start3A_2364 = tpu.memref_slice %arg6[%add3A_2357, %dma_start3A_2363] : memref<16384x128xf32, #tpu.memory_space<hbm>> -> memref<128x64xf32, #tpu.memory_space<hbm>>
    %dma_start3A_2365 = arith.constant 0 : i32
    %dma_start3A_2366 = tpu.memref_slice %arg6[%add3A_2357, %dma_start3A_2365] : memref<16384x128xf32, #tpu.memory_space<hbm>> -> memref<128x64xf32, #tpu.memory_space<hbm>>
    %dma_start3A_2367 = arith.constant 0 : i32
    %dma_start3A_2368 = arith.constant 0 : i32
    %dma_start3A_2369 = tpu.memref_slice %arg10[%dma_start3A_2358, %dma_start3A_2367, %dma_start3A_2368] : memref<2x512x64xf32, #tpu.memory_space<vmem>> -> memref<1x128x64xf32, #tpu.memory_space<vmem>>
    %dma_start3A_2370 = tpu.memref_squeeze %dma_start3A_2369 : memref<1x128x64xf32, #tpu.memory_space<vmem>> -> memref<128x64xf32, #tpu.memory_space<vmem>>
    tpu.enqueue_dma source(%dma_start3A_2370 : memref<128x64xf32, #tpu.memory_space<vmem>>) target(%dma_start3A_2366 : memref<128x64xf32, #tpu.memory_space<hbm>>) target_semaphore(%arg12 : memref<!tpu.dma_semaphore, #tpu.memory_space<semaphore_mem>>)
    %dma_start3A_2371 = arith.constant 1 : i32
    %dma_start3A_2372 = arith.constant 0 : i32
    %dma_start3A_2373 = arith.constant 0 : i32
    %dma_start3A_2374 = tpu.memref_slice %arg10[%dma_start3A_2371, %dma_start3A_2372, %dma_start3A_2373] : memref<2x512x64xf32, #tpu.memory_space<vmem>> -> memref<1x128x64xf32, #tpu.memory_space<vmem>>
    %dma_start3A_2375 = tpu.memref_squeeze %dma_start3A_2374 : memref<1x128x64xf32, #tpu.memory_space<vmem>> -> memref<128x64xf32, #tpu.memory_space<vmem>>
    %dma_start3A_2376 = arith.constant 64 : i32
    %dma_start3A_2377 = tpu.memref_slice %arg6[%add3A_2357, %dma_start3A_2376] : memref<16384x128xf32, #tpu.memory_space<hbm>> -> memref<128x64xf32, #tpu.memory_space<hbm>>
    %dma_start3A_2378 = arith.constant 64 : i32
    %dma_start3A_2379 = tpu.memref_slice %arg6[%add3A_2357, %dma_start3A_2378] : memref<16384x128xf32, #tpu.memory_space<hbm>> -> memref<128x64xf32, #tpu.memory_space<hbm>>
    %dma_start3A_2380 = arith.constant 0 : i32
    %dma_start3A_2381 = arith.constant 0 : i32
    %dma_start3A_2382 = tpu.memref_slice %arg10[%dma_start3A_2371, %dma_start3A_2380, %dma_start3A_2381] : memref<2x512x64xf32, #tpu.memory_space<vmem>> -> memref<1x128x64xf32, #tpu.memory_space<vmem>>
    %dma_start3A_2383 = tpu.memref_squeeze %dma_start3A_2382 : memref<1x128x64xf32, #tpu.memory_space<vmem>> -> memref<128x64xf32, #tpu.memory_space<vmem>>
    tpu.enqueue_dma source(%dma_start3A_2383 : memref<128x64xf32, #tpu.memory_space<vmem>>) target(%dma_start3A_2379 : memref<128x64xf32, #tpu.memory_space<hbm>>) target_semaphore(%arg12 : memref<!tpu.dma_semaphore, #tpu.memory_space<semaphore_mem>>)
    %dma_wait3A_2384 = arith.constant 1 : i32
    %dma_wait3A_2385 = arith.constant 0 : i32
    %dma_wait3A_2386 = arith.constant 1 : i32
    %dma_wait3A_2387 = arith.constant 128 : i32
    %dma_wait3A_2388 = arith.constant 0 : i32
    %dma_wait3A_2389 = tpu.memref_slice %arg10[%dma_wait3A_2385, %dma_wait3A_2387, %dma_wait3A_2388] : memref<2x512x64xf32, #tpu.memory_space<vmem>> -> memref<1x128x64xf32, #tpu.memory_space<vmem>>
    %dma_wait3A_2390 = tpu.memref_squeeze %dma_wait3A_2389 : memref<1x128x64xf32, #tpu.memory_space<vmem>> -> memref<128x64xf32, #tpu.memory_space<vmem>>
    %dma_wait3A_2391 = arith.constant 0 : i32
    %dma_wait3A_2392 = tpu.memref_slice %arg8[%dma_wait3A_2384, %dma_wait3A_2391] : memref<4x128xi32, #tpu.memory_space<vmem>> -> memref<1x128xi32, #tpu.memory_space<vmem>>
    %dma_wait3A_2393 = tpu.memref_squeeze %dma_wait3A_2392 : memref<1x128xi32, #tpu.memory_space<vmem>> -> memref<128xi32, #tpu.memory_space<vmem>>
    %dma_wait3A_2394 = arith.constant 0 : i32
    %dma_wait3A_2395 = arith.constant 0 : i32
    %dma_wait3A_2396 = tpu.memref_slice %arg4[%dma_wait3A_2394, %dma_wait3A_2395] : memref<10000x64xf32, #tpu.memory_space<hbm>> -> memref<10000x64xf32, #tpu.memory_space<hbm>>
    %dma_wait3A_2397 = tpu.memref_slice %arg11[%dma_wait3A_2386] : memref<4x!tpu.dma_semaphore, #tpu.memory_space<semaphore_mem>> -> memref<1x!tpu.dma_semaphore, #tpu.memory_space<semaphore_mem>>
    %dma_wait3A_2398 = tpu.memref_squeeze %dma_wait3A_2397 : memref<1x!tpu.dma_semaphore, #tpu.memory_space<semaphore_mem>> -> memref<!tpu.dma_semaphore, #tpu.memory_space<semaphore_mem>>
    tpu.wait_indirect_dma semaphore(%dma_wait3A_2398 : memref<!tpu.dma_semaphore, #tpu.memory_space<semaphore_mem>>) src(%dma_wait3A_2396 : memref<10000x64xf32, #tpu.memory_space<hbm>>) dst(%dma_wait3A_2390 : memref<128x64xf32, #tpu.memory_space<vmem>>)
    %dma_wait3A_2399 = arith.constant 1 : i32
    %dma_wait3A_2400 = arith.constant 1 : i32
    %dma_wait3A_2401 = arith.constant 1 : i32
    %dma_wait3A_2402 = arith.constant 128 : i32
    %dma_wait3A_2403 = arith.constant 0 : i32
    %dma_wait3A_2404 = tpu.memref_slice %arg10[%dma_wait3A_2400, %dma_wait3A_2402, %dma_wait3A_2403] : memref<2x512x64xf32, #tpu.memory_space<vmem>> -> memref<1x128x64xf32, #tpu.memory_space<vmem>>
    %dma_wait3A_2405 = tpu.memref_squeeze %dma_wait3A_2404 : memref<1x128x64xf32, #tpu.memory_space<vmem>> -> memref<128x64xf32, #tpu.memory_space<vmem>>
    %dma_wait3A_2406 = arith.constant 0 : i32
    %dma_wait3A_2407 = tpu.memref_slice %arg9[%dma_wait3A_2399, %dma_wait3A_2406] : memref<4x128xi32, #tpu.memory_space<vmem>> -> memref<1x128xi32, #tpu.memory_space<vmem>>
    %dma_wait3A_2408 = tpu.memref_squeeze %dma_wait3A_2407 : memref<1x128xi32, #tpu.memory_space<vmem>> -> memref<128xi32, #tpu.memory_space<vmem>>
    %dma_wait3A_2409 = arith.constant 0 : i32
    %dma_wait3A_2410 = arith.constant 0 : i32
    %dma_wait3A_2411 = tpu.memref_slice %arg5[%dma_wait3A_2409, %dma_wait3A_2410] : memref<10000x64xf32, #tpu.memory_space<hbm>> -> memref<10000x64xf32, #tpu.memory_space<hbm>>
    %dma_wait3A_2412 = tpu.memref_slice %arg11[%dma_wait3A_2401] : memref<4x!tpu.dma_semaphore, #tpu.memory_space<semaphore_mem>> -> memref<1x!tpu.dma_semaphore, #tpu.memory_space<semaphore_mem>>
    %dma_wait3A_2413 = tpu.memref_squeeze %dma_wait3A_2412 : memref<1x!tpu.dma_semaphore, #tpu.memory_space<semaphore_mem>> -> memref<!tpu.dma_semaphore, #tpu.memory_space<semaphore_mem>>
    tpu.wait_indirect_dma semaphore(%dma_wait3A_2413 : memref<!tpu.dma_semaphore, #tpu.memory_space<semaphore_mem>>) src(%dma_wait3A_2411 : memref<10000x64xf32, #tpu.memory_space<hbm>>) dst(%dma_wait3A_2405 : memref<128x64xf32, #tpu.memory_space<vmem>>)
    %add3A_2414 = arith.constant 128 : i32
    %add3A_2415 = arith.addi %mul3A_2, %add3A_2414 : i32
    %dma_start3A_2416 = arith.constant 0 : i32
    %dma_start3A_2417 = arith.constant 128 : i32
    %dma_start3A_2418 = arith.constant 0 : i32
    %dma_start3A_2419 = tpu.memref_slice %arg10[%dma_start3A_2416, %dma_start3A_2417, %dma_start3A_2418] : memref<2x512x64xf32, #tpu.memory_space<vmem>> -> memref<1x128x64xf32, #tpu.memory_space<vmem>>
    %dma_start3A_2420 = tpu.memref_squeeze %dma_start3A_2419 : memref<1x128x64xf32, #tpu.memory_space<vmem>> -> memref<128x64xf32, #tpu.memory_space<vmem>>
    %dma_start3A_2421 = arith.constant 0 : i32
    %dma_start3A_2422 = tpu.memref_slice %arg6[%add3A_2415, %dma_start3A_2421] : memref<16384x128xf32, #tpu.memory_space<hbm>> -> memref<128x64xf32, #tpu.memory_space<hbm>>
    %dma_start3A_2423 = arith.constant 0 : i32
    %dma_start3A_2424 = tpu.memref_slice %arg6[%add3A_2415, %dma_start3A_2423] : memref<16384x128xf32, #tpu.memory_space<hbm>> -> memref<128x64xf32, #tpu.memory_space<hbm>>
    %dma_start3A_2425 = arith.constant 128 : i32
    %dma_start3A_2426 = arith.constant 0 : i32
    %dma_start3A_2427 = tpu.memref_slice %arg10[%dma_start3A_2416, %dma_start3A_2425, %dma_start3A_2426] : memref<2x512x64xf32, #tpu.memory_space<vmem>> -> memref<1x128x64xf32, #tpu.memory_space<vmem>>
    %dma_start3A_2428 = tpu.memref_squeeze %dma_start3A_2427 : memref<1x128x64xf32, #tpu.memory_space<vmem>> -> memref<128x64xf32, #tpu.memory_space<vmem>>
    tpu.enqueue_dma source(%dma_start3A_2428 : memref<128x64xf32, #tpu.memory_space<vmem>>) target(%dma_start3A_2424 : memref<128x64xf32, #tpu.memory_space<hbm>>) target_semaphore(%arg12 : memref<!tpu.dma_semaphore, #tpu.memory_space<semaphore_mem>>)
    %dma_start3A_2429 = arith.constant 1 : i32
    %dma_start3A_2430 = arith.constant 128 : i32
    %dma_start3A_2431 = arith.constant 0 : i32
    %dma_start3A_2432 = tpu.memref_slice %arg10[%dma_start3A_2429, %dma_start3A_2430, %dma_start3A_2431] : memref<2x512x64xf32, #tpu.memory_space<vmem>> -> memref<1x128x64xf32, #tpu.memory_space<vmem>>
    %dma_start3A_2433 = tpu.memref_squeeze %dma_start3A_2432 : memref<1x128x64xf32, #tpu.memory_space<vmem>> -> memref<128x64xf32, #tpu.memory_space<vmem>>
    %dma_start3A_2434 = arith.constant 64 : i32
    %dma_start3A_2435 = tpu.memref_slice %arg6[%add3A_2415, %dma_start3A_2434] : memref<16384x128xf32, #tpu.memory_space<hbm>> -> memref<128x64xf32, #tpu.memory_space<hbm>>
    %dma_start3A_2436 = arith.constant 64 : i32
    %dma_start3A_2437 = tpu.memref_slice %arg6[%add3A_2415, %dma_start3A_2436] : memref<16384x128xf32, #tpu.memory_space<hbm>> -> memref<128x64xf32, #tpu.memory_space<hbm>>
    %dma_start3A_2438 = arith.constant 128 : i32
    %dma_start3A_2439 = arith.constant 0 : i32
    %dma_start3A_2440 = tpu.memref_slice %arg10[%dma_start3A_2429, %dma_start3A_2438, %dma_start3A_2439] : memref<2x512x64xf32, #tpu.memory_space<vmem>> -> memref<1x128x64xf32, #tpu.memory_space<vmem>>
    %dma_start3A_2441 = tpu.memref_squeeze %dma_start3A_2440 : memref<1x128x64xf32, #tpu.memory_space<vmem>> -> memref<128x64xf32, #tpu.memory_space<vmem>>
    tpu.enqueue_dma source(%dma_start3A_2441 : memref<128x64xf32, #tpu.memory_space<vmem>>) target(%dma_start3A_2437 : memref<128x64xf32, #tpu.memory_space<hbm>>) target_semaphore(%arg12 : memref<!tpu.dma_semaphore, #tpu.memory_space<semaphore_mem>>)
    %dma_wait3A_2442 = arith.constant 2 : i32
    %dma_wait3A_2443 = arith.constant 0 : i32
    %dma_wait3A_2444 = arith.constant 2 : i32
    %dma_wait3A_2445 = arith.constant 256 : i32
    %dma_wait3A_2446 = arith.constant 0 : i32
    %dma_wait3A_2447 = tpu.memref_slice %arg10[%dma_wait3A_2443, %dma_wait3A_2445, %dma_wait3A_2446] : memref<2x512x64xf32, #tpu.memory_space<vmem>> -> memref<1x128x64xf32, #tpu.memory_space<vmem>>
    %dma_wait3A_2448 = tpu.memref_squeeze %dma_wait3A_2447 : memref<1x128x64xf32, #tpu.memory_space<vmem>> -> memref<128x64xf32, #tpu.memory_space<vmem>>
    %dma_wait3A_2449 = arith.constant 0 : i32
    %dma_wait3A_2450 = tpu.memref_slice %arg8[%dma_wait3A_2442, %dma_wait3A_2449] : memref<4x128xi32, #tpu.memory_space<vmem>> -> memref<1x128xi32, #tpu.memory_space<vmem>>
    %dma_wait3A_2451 = tpu.memref_squeeze %dma_wait3A_2450 : memref<1x128xi32, #tpu.memory_space<vmem>> -> memref<128xi32, #tpu.memory_space<vmem>>
    %dma_wait3A_2452 = arith.constant 0 : i32
    %dma_wait3A_2453 = arith.constant 0 : i32
    %dma_wait3A_2454 = tpu.memref_slice %arg4[%dma_wait3A_2452, %dma_wait3A_2453] : memref<10000x64xf32, #tpu.memory_space<hbm>> -> memref<10000x64xf32, #tpu.memory_space<hbm>>
    %dma_wait3A_2455 = tpu.memref_slice %arg11[%dma_wait3A_2444] : memref<4x!tpu.dma_semaphore, #tpu.memory_space<semaphore_mem>> -> memref<1x!tpu.dma_semaphore, #tpu.memory_space<semaphore_mem>>
    %dma_wait3A_2456 = tpu.memref_squeeze %dma_wait3A_2455 : memref<1x!tpu.dma_semaphore, #tpu.memory_space<semaphore_mem>> -> memref<!tpu.dma_semaphore, #tpu.memory_space<semaphore_mem>>
    tpu.wait_indirect_dma semaphore(%dma_wait3A_2456 : memref<!tpu.dma_semaphore, #tpu.memory_space<semaphore_mem>>) src(%dma_wait3A_2454 : memref<10000x64xf32, #tpu.memory_space<hbm>>) dst(%dma_wait3A_2448 : memref<128x64xf32, #tpu.memory_space<vmem>>)
    %dma_wait3A_2457 = arith.constant 2 : i32
    %dma_wait3A_2458 = arith.constant 1 : i32
    %dma_wait3A_2459 = arith.constant 2 : i32
    %dma_wait3A_2460 = arith.constant 256 : i32
    %dma_wait3A_2461 = arith.constant 0 : i32
    %dma_wait3A_2462 = tpu.memref_slice %arg10[%dma_wait3A_2458, %dma_wait3A_2460, %dma_wait3A_2461] : memref<2x512x64xf32, #tpu.memory_space<vmem>> -> memref<1x128x64xf32, #tpu.memory_space<vmem>>
    %dma_wait3A_2463 = tpu.memref_squeeze %dma_wait3A_2462 : memref<1x128x64xf32, #tpu.memory_space<vmem>> -> memref<128x64xf32, #tpu.memory_space<vmem>>
    %dma_wait3A_2464 = arith.constant 0 : i32
    %dma_wait3A_2465 = tpu.memref_slice %arg9[%dma_wait3A_2457, %dma_wait3A_2464] : memref<4x128xi32, #tpu.memory_space<vmem>> -> memref<1x128xi32, #tpu.memory_space<vmem>>
    %dma_wait3A_2466 = tpu.memref_squeeze %dma_wait3A_2465 : memref<1x128xi32, #tpu.memory_space<vmem>> -> memref<128xi32, #tpu.memory_space<vmem>>
    %dma_wait3A_2467 = arith.constant 0 : i32
    %dma_wait3A_2468 = arith.constant 0 : i32
    %dma_wait3A_2469 = tpu.memref_slice %arg5[%dma_wait3A_2467, %dma_wait3A_2468] : memref<10000x64xf32, #tpu.memory_space<hbm>> -> memref<10000x64xf32, #tpu.memory_space<hbm>>
    %dma_wait3A_2470 = tpu.memref_slice %arg11[%dma_wait3A_2459] : memref<4x!tpu.dma_semaphore, #tpu.memory_space<semaphore_mem>> -> memref<1x!tpu.dma_semaphore, #tpu.memory_space<semaphore_mem>>
    %dma_wait3A_2471 = tpu.memref_squeeze %dma_wait3A_2470 : memref<1x!tpu.dma_semaphore, #tpu.memory_space<semaphore_mem>> -> memref<!tpu.dma_semaphore, #tpu.memory_space<semaphore_mem>>
    tpu.wait_indirect_dma semaphore(%dma_wait3A_2471 : memref<!tpu.dma_semaphore, #tpu.memory_space<semaphore_mem>>) src(%dma_wait3A_2469 : memref<10000x64xf32, #tpu.memory_space<hbm>>) dst(%dma_wait3A_2463 : memref<128x64xf32, #tpu.memory_space<vmem>>)
    %add3A_2472 = arith.constant 256 : i32
    %add3A_2473 = arith.addi %mul3A_2, %add3A_2472 : i32
    %dma_start3A_2474 = arith.constant 0 : i32
    %dma_start3A_2475 = arith.constant 256 : i32
    %dma_start3A_2476 = arith.constant 0 : i32
    %dma_start3A_2477 = tpu.memref_slice %arg10[%dma_start3A_2474, %dma_start3A_2475, %dma_start3A_2476] : memref<2x512x64xf32, #tpu.memory_space<vmem>> -> memref<1x128x64xf32, #tpu.memory_space<vmem>>
    %dma_start3A_2478 = tpu.memref_squeeze %dma_start3A_2477 : memref<1x128x64xf32, #tpu.memory_space<vmem>> -> memref<128x64xf32, #tpu.memory_space<vmem>>
    %dma_start3A_2479 = arith.constant 0 : i32
    %dma_start3A_2480 = tpu.memref_slice %arg6[%add3A_2473, %dma_start3A_2479] : memref<16384x128xf32, #tpu.memory_space<hbm>> -> memref<128x64xf32, #tpu.memory_space<hbm>>
    %dma_start3A_2481 = arith.constant 0 : i32
    %dma_start3A_2482 = tpu.memref_slice %arg6[%add3A_2473, %dma_start3A_2481] : memref<16384x128xf32, #tpu.memory_space<hbm>> -> memref<128x64xf32, #tpu.memory_space<hbm>>
    %dma_start3A_2483 = arith.constant 256 : i32
    %dma_start3A_2484 = arith.constant 0 : i32
    %dma_start3A_2485 = tpu.memref_slice %arg10[%dma_start3A_2474, %dma_start3A_2483, %dma_start3A_2484] : memref<2x512x64xf32, #tpu.memory_space<vmem>> -> memref<1x128x64xf32, #tpu.memory_space<vmem>>
    %dma_start3A_2486 = tpu.memref_squeeze %dma_start3A_2485 : memref<1x128x64xf32, #tpu.memory_space<vmem>> -> memref<128x64xf32, #tpu.memory_space<vmem>>
    tpu.enqueue_dma source(%dma_start3A_2486 : memref<128x64xf32, #tpu.memory_space<vmem>>) target(%dma_start3A_2482 : memref<128x64xf32, #tpu.memory_space<hbm>>) target_semaphore(%arg12 : memref<!tpu.dma_semaphore, #tpu.memory_space<semaphore_mem>>)
    %dma_start3A_2487 = arith.constant 1 : i32
    %dma_start3A_2488 = arith.constant 256 : i32
    %dma_start3A_2489 = arith.constant 0 : i32
    %dma_start3A_2490 = tpu.memref_slice %arg10[%dma_start3A_2487, %dma_start3A_2488, %dma_start3A_2489] : memref<2x512x64xf32, #tpu.memory_space<vmem>> -> memref<1x128x64xf32, #tpu.memory_space<vmem>>
    %dma_start3A_2491 = tpu.memref_squeeze %dma_start3A_2490 : memref<1x128x64xf32, #tpu.memory_space<vmem>> -> memref<128x64xf32, #tpu.memory_space<vmem>>
    %dma_start3A_2492 = arith.constant 64 : i32
    %dma_start3A_2493 = tpu.memref_slice %arg6[%add3A_2473, %dma_start3A_2492] : memref<16384x128xf32, #tpu.memory_space<hbm>> -> memref<128x64xf32, #tpu.memory_space<hbm>>
    %dma_start3A_2494 = arith.constant 64 : i32
    %dma_start3A_2495 = tpu.memref_slice %arg6[%add3A_2473, %dma_start3A_2494] : memref<16384x128xf32, #tpu.memory_space<hbm>> -> memref<128x64xf32, #tpu.memory_space<hbm>>
    %dma_start3A_2496 = arith.constant 256 : i32
    %dma_start3A_2497 = arith.constant 0 : i32
    %dma_start3A_2498 = tpu.memref_slice %arg10[%dma_start3A_2487, %dma_start3A_2496, %dma_start3A_2497] : memref<2x512x64xf32, #tpu.memory_space<vmem>> -> memref<1x128x64xf32, #tpu.memory_space<vmem>>
    %dma_start3A_2499 = tpu.memref_squeeze %dma_start3A_2498 : memref<1x128x64xf32, #tpu.memory_space<vmem>> -> memref<128x64xf32, #tpu.memory_space<vmem>>
    tpu.enqueue_dma source(%dma_start3A_2499 : memref<128x64xf32, #tpu.memory_space<vmem>>) target(%dma_start3A_2495 : memref<128x64xf32, #tpu.memory_space<hbm>>) target_semaphore(%arg12 : memref<!tpu.dma_semaphore, #tpu.memory_space<semaphore_mem>>)
    %dma_wait3A_2500 = arith.constant 3 : i32
    %dma_wait3A_2501 = arith.constant 0 : i32
    %dma_wait3A_2502 = arith.constant 3 : i32
    %dma_wait3A_2503 = arith.constant 384 : i32
    %dma_wait3A_2504 = arith.constant 0 : i32
    %dma_wait3A_2505 = tpu.memref_slice %arg10[%dma_wait3A_2501, %dma_wait3A_2503, %dma_wait3A_2504] : memref<2x512x64xf32, #tpu.memory_space<vmem>> -> memref<1x128x64xf32, #tpu.memory_space<vmem>>
    %dma_wait3A_2506 = tpu.memref_squeeze %dma_wait3A_2505 : memref<1x128x64xf32, #tpu.memory_space<vmem>> -> memref<128x64xf32, #tpu.memory_space<vmem>>
    %dma_wait3A_2507 = arith.constant 0 : i32
    %dma_wait3A_2508 = tpu.memref_slice %arg8[%dma_wait3A_2500, %dma_wait3A_2507] : memref<4x128xi32, #tpu.memory_space<vmem>> -> memref<1x128xi32, #tpu.memory_space<vmem>>
    %dma_wait3A_2509 = tpu.memref_squeeze %dma_wait3A_2508 : memref<1x128xi32, #tpu.memory_space<vmem>> -> memref<128xi32, #tpu.memory_space<vmem>>
    %dma_wait3A_2510 = arith.constant 0 : i32
    %dma_wait3A_2511 = arith.constant 0 : i32
    %dma_wait3A_2512 = tpu.memref_slice %arg4[%dma_wait3A_2510, %dma_wait3A_2511] : memref<10000x64xf32, #tpu.memory_space<hbm>> -> memref<10000x64xf32, #tpu.memory_space<hbm>>
    %dma_wait3A_2513 = tpu.memref_slice %arg11[%dma_wait3A_2502] : memref<4x!tpu.dma_semaphore, #tpu.memory_space<semaphore_mem>> -> memref<1x!tpu.dma_semaphore, #tpu.memory_space<semaphore_mem>>
    %dma_wait3A_2514 = tpu.memref_squeeze %dma_wait3A_2513 : memref<1x!tpu.dma_semaphore, #tpu.memory_space<semaphore_mem>> -> memref<!tpu.dma_semaphore, #tpu.memory_space<semaphore_mem>>
    tpu.wait_indirect_dma semaphore(%dma_wait3A_2514 : memref<!tpu.dma_semaphore, #tpu.memory_space<semaphore_mem>>) src(%dma_wait3A_2512 : memref<10000x64xf32, #tpu.memory_space<hbm>>) dst(%dma_wait3A_2506 : memref<128x64xf32, #tpu.memory_space<vmem>>)
    %dma_wait3A_2515 = arith.constant 3 : i32
    %dma_wait3A_2516 = arith.constant 1 : i32
    %dma_wait3A_2517 = arith.constant 3 : i32
    %dma_wait3A_2518 = arith.constant 384 : i32
    %dma_wait3A_2519 = arith.constant 0 : i32
    %dma_wait3A_2520 = tpu.memref_slice %arg10[%dma_wait3A_2516, %dma_wait3A_2518, %dma_wait3A_2519] : memref<2x512x64xf32, #tpu.memory_space<vmem>> -> memref<1x128x64xf32, #tpu.memory_space<vmem>>
    %dma_wait3A_2521 = tpu.memref_squeeze %dma_wait3A_2520 : memref<1x128x64xf32, #tpu.memory_space<vmem>> -> memref<128x64xf32, #tpu.memory_space<vmem>>
    %dma_wait3A_2522 = arith.constant 0 : i32
    %dma_wait3A_2523 = tpu.memref_slice %arg9[%dma_wait3A_2515, %dma_wait3A_2522] : memref<4x128xi32, #tpu.memory_space<vmem>> -> memref<1x128xi32, #tpu.memory_space<vmem>>
    %dma_wait3A_2524 = tpu.memref_squeeze %dma_wait3A_2523 : memref<1x128xi32, #tpu.memory_space<vmem>> -> memref<128xi32, #tpu.memory_space<vmem>>
    %dma_wait3A_2525 = arith.constant 0 : i32
    %dma_wait3A_2526 = arith.constant 0 : i32
    %dma_wait3A_2527 = tpu.memref_slice %arg5[%dma_wait3A_2525, %dma_wait3A_2526] : memref<10000x64xf32, #tpu.memory_space<hbm>> -> memref<10000x64xf32, #tpu.memory_space<hbm>>
    %dma_wait3A_2528 = tpu.memref_slice %arg11[%dma_wait3A_2517] : memref<4x!tpu.dma_semaphore, #tpu.memory_space<semaphore_mem>> -> memref<1x!tpu.dma_semaphore, #tpu.memory_space<semaphore_mem>>
    %dma_wait3A_2529 = tpu.memref_squeeze %dma_wait3A_2528 : memref<1x!tpu.dma_semaphore, #tpu.memory_space<semaphore_mem>> -> memref<!tpu.dma_semaphore, #tpu.memory_space<semaphore_mem>>
    tpu.wait_indirect_dma semaphore(%dma_wait3A_2529 : memref<!tpu.dma_semaphore, #tpu.memory_space<semaphore_mem>>) src(%dma_wait3A_2527 : memref<10000x64xf32, #tpu.memory_space<hbm>>) dst(%dma_wait3A_2521 : memref<128x64xf32, #tpu.memory_space<vmem>>)
    %add3A_2530 = arith.constant 384 : i32
    %add3A_2531 = arith.addi %mul3A_2, %add3A_2530 : i32
    %dma_start3A_2532 = arith.constant 0 : i32
    %dma_start3A_2533 = arith.constant 384 : i32
    %dma_start3A_2534 = arith.constant 0 : i32
    %dma_start3A_2535 = tpu.memref_slice %arg10[%dma_start3A_2532, %dma_start3A_2533, %dma_start3A_2534] : memref<2x512x64xf32, #tpu.memory_space<vmem>> -> memref<1x128x64xf32, #tpu.memory_space<vmem>>
    %dma_start3A_2536 = tpu.memref_squeeze %dma_start3A_2535 : memref<1x128x64xf32, #tpu.memory_space<vmem>> -> memref<128x64xf32, #tpu.memory_space<vmem>>
    %dma_start3A_2537 = arith.constant 0 : i32
    %dma_start3A_2538 = tpu.memref_slice %arg6[%add3A_2531, %dma_start3A_2537] : memref<16384x128xf32, #tpu.memory_space<hbm>> -> memref<128x64xf32, #tpu.memory_space<hbm>>
    %dma_start3A_2539 = arith.constant 0 : i32
    %dma_start3A_2540 = tpu.memref_slice %arg6[%add3A_2531, %dma_start3A_2539] : memref<16384x128xf32, #tpu.memory_space<hbm>> -> memref<128x64xf32, #tpu.memory_space<hbm>>
    %dma_start3A_2541 = arith.constant 384 : i32
    %dma_start3A_2542 = arith.constant 0 : i32
    %dma_start3A_2543 = tpu.memref_slice %arg10[%dma_start3A_2532, %dma_start3A_2541, %dma_start3A_2542] : memref<2x512x64xf32, #tpu.memory_space<vmem>> -> memref<1x128x64xf32, #tpu.memory_space<vmem>>
    %dma_start3A_2544 = tpu.memref_squeeze %dma_start3A_2543 : memref<1x128x64xf32, #tpu.memory_space<vmem>> -> memref<128x64xf32, #tpu.memory_space<vmem>>
    tpu.enqueue_dma source(%dma_start3A_2544 : memref<128x64xf32, #tpu.memory_space<vmem>>) target(%dma_start3A_2540 : memref<128x64xf32, #tpu.memory_space<hbm>>) target_semaphore(%arg12 : memref<!tpu.dma_semaphore, #tpu.memory_space<semaphore_mem>>)
    %dma_start3A_2545 = arith.constant 1 : i32
    %dma_start3A_2546 = arith.constant 384 : i32
    %dma_start3A_2547 = arith.constant 0 : i32
    %dma_start3A_2548 = tpu.memref_slice %arg10[%dma_start3A_2545, %dma_start3A_2546, %dma_start3A_2547] : memref<2x512x64xf32, #tpu.memory_space<vmem>> -> memref<1x128x64xf32, #tpu.memory_space<vmem>>
    %dma_start3A_2549 = tpu.memref_squeeze %dma_start3A_2548 : memref<1x128x64xf32, #tpu.memory_space<vmem>> -> memref<128x64xf32, #tpu.memory_space<vmem>>
    %dma_start3A_2550 = arith.constant 64 : i32
    %dma_start3A_2551 = tpu.memref_slice %arg6[%add3A_2531, %dma_start3A_2550] : memref<16384x128xf32, #tpu.memory_space<hbm>> -> memref<128x64xf32, #tpu.memory_space<hbm>>
    %dma_start3A_2552 = arith.constant 64 : i32
    %dma_start3A_2553 = tpu.memref_slice %arg6[%add3A_2531, %dma_start3A_2552] : memref<16384x128xf32, #tpu.memory_space<hbm>> -> memref<128x64xf32, #tpu.memory_space<hbm>>
    %dma_start3A_2554 = arith.constant 384 : i32
    %dma_start3A_2555 = arith.constant 0 : i32
    %dma_start3A_2556 = tpu.memref_slice %arg10[%dma_start3A_2545, %dma_start3A_2554, %dma_start3A_2555] : memref<2x512x64xf32, #tpu.memory_space<vmem>> -> memref<1x128x64xf32, #tpu.memory_space<vmem>>
    %dma_start3A_2557 = tpu.memref_squeeze %dma_start3A_2556 : memref<1x128x64xf32, #tpu.memory_space<vmem>> -> memref<128x64xf32, #tpu.memory_space<vmem>>
    tpu.enqueue_dma source(%dma_start3A_2557 : memref<128x64xf32, #tpu.memory_space<vmem>>) target(%dma_start3A_2553 : memref<128x64xf32, #tpu.memory_space<hbm>>) target_semaphore(%arg12 : memref<!tpu.dma_semaphore, #tpu.memory_space<semaphore_mem>>)
    %dma_wait3A_2558 = arith.constant 0 : i32
    %dma_wait3A_2559 = arith.constant 0 : i32
    %dma_wait3A_2560 = arith.constant 0 : i32
    %dma_wait3A_2561 = tpu.memref_slice %arg10[%dma_wait3A_2558, %dma_wait3A_2559, %dma_wait3A_2560] : memref<2x512x64xf32, #tpu.memory_space<vmem>> -> memref<1x128x64xf32, #tpu.memory_space<vmem>>
    %dma_wait3A_2562 = tpu.memref_squeeze %dma_wait3A_2561 : memref<1x128x64xf32, #tpu.memory_space<vmem>> -> memref<128x64xf32, #tpu.memory_space<vmem>>
    %dma_wait3A_2563 = arith.constant 0 : i32
    %dma_wait3A_2564 = tpu.memref_slice %arg6[%add3A_2357, %dma_wait3A_2563] : memref<16384x128xf32, #tpu.memory_space<hbm>> -> memref<128x64xf32, #tpu.memory_space<hbm>>
    %dma_wait3A_2565 = arith.constant 0 : i32
    %dma_wait3A_2566 = tpu.memref_slice %arg6[%add3A_2357, %dma_wait3A_2565] : memref<16384x128xf32, #tpu.memory_space<hbm>> -> memref<128x64xf32, #tpu.memory_space<hbm>>
    %dma_wait3A_2567 = arith.constant 0 : i32
    %dma_wait3A_2568 = arith.constant 0 : i32
    %dma_wait3A_2569 = tpu.memref_slice %arg10[%dma_wait3A_2558, %dma_wait3A_2567, %dma_wait3A_2568] : memref<2x512x64xf32, #tpu.memory_space<vmem>> -> memref<1x128x64xf32, #tpu.memory_space<vmem>>
    %dma_wait3A_2570 = tpu.memref_squeeze %dma_wait3A_2569 : memref<1x128x64xf32, #tpu.memory_space<vmem>> -> memref<128x64xf32, #tpu.memory_space<vmem>>
    tpu.wait_dma2 semaphore(%arg12 : memref<!tpu.dma_semaphore, #tpu.memory_space<semaphore_mem>>) src(%dma_wait3A_2570 : memref<128x64xf32, #tpu.memory_space<vmem>>) dst(%dma_wait3A_2566 : memref<128x64xf32, #tpu.memory_space<hbm>>)
    %dma_wait3A_2571 = arith.constant 1 : i32
    %dma_wait3A_2572 = arith.constant 0 : i32
    %dma_wait3A_2573 = arith.constant 0 : i32
    %dma_wait3A_2574 = tpu.memref_slice %arg10[%dma_wait3A_2571, %dma_wait3A_2572, %dma_wait3A_2573] : memref<2x512x64xf32, #tpu.memory_space<vmem>> -> memref<1x128x64xf32, #tpu.memory_space<vmem>>
    %dma_wait3A_2575 = tpu.memref_squeeze %dma_wait3A_2574 : memref<1x128x64xf32, #tpu.memory_space<vmem>> -> memref<128x64xf32, #tpu.memory_space<vmem>>
    %dma_wait3A_2576 = arith.constant 64 : i32
    %dma_wait3A_2577 = tpu.memref_slice %arg6[%add3A_2357, %dma_wait3A_2576] : memref<16384x128xf32, #tpu.memory_space<hbm>> -> memref<128x64xf32, #tpu.memory_space<hbm>>
    %dma_wait3A_2578 = arith.constant 64 : i32
    %dma_wait3A_2579 = tpu.memref_slice %arg6[%add3A_2357, %dma_wait3A_2578] : memref<16384x128xf32, #tpu.memory_space<hbm>> -> memref<128x64xf32, #tpu.memory_space<hbm>>
    %dma_wait3A_2580 = arith.constant 0 : i32
    %dma_wait3A_2581 = arith.constant 0 : i32
    %dma_wait3A_2582 = tpu.memref_slice %arg10[%dma_wait3A_2571, %dma_wait3A_2580, %dma_wait3A_2581] : memref<2x512x64xf32, #tpu.memory_space<vmem>> -> memref<1x128x64xf32, #tpu.memory_space<vmem>>
    %dma_wait3A_2583 = tpu.memref_squeeze %dma_wait3A_2582 : memref<1x128x64xf32, #tpu.memory_space<vmem>> -> memref<128x64xf32, #tpu.memory_space<vmem>>
    tpu.wait_dma2 semaphore(%arg12 : memref<!tpu.dma_semaphore, #tpu.memory_space<semaphore_mem>>) src(%dma_wait3A_2583 : memref<128x64xf32, #tpu.memory_space<vmem>>) dst(%dma_wait3A_2579 : memref<128x64xf32, #tpu.memory_space<hbm>>)
    %dma_wait3A_2584 = arith.constant 0 : i32
    %dma_wait3A_2585 = arith.constant 128 : i32
    %dma_wait3A_2586 = arith.constant 0 : i32
    %dma_wait3A_2587 = tpu.memref_slice %arg10[%dma_wait3A_2584, %dma_wait3A_2585, %dma_wait3A_2586] : memref<2x512x64xf32, #tpu.memory_space<vmem>> -> memref<1x128x64xf32, #tpu.memory_space<vmem>>
    %dma_wait3A_2588 = tpu.memref_squeeze %dma_wait3A_2587 : memref<1x128x64xf32, #tpu.memory_space<vmem>> -> memref<128x64xf32, #tpu.memory_space<vmem>>
    %dma_wait3A_2589 = arith.constant 0 : i32
    %dma_wait3A_2590 = tpu.memref_slice %arg6[%add3A_2415, %dma_wait3A_2589] : memref<16384x128xf32, #tpu.memory_space<hbm>> -> memref<128x64xf32, #tpu.memory_space<hbm>>
    %dma_wait3A_2591 = arith.constant 0 : i32
    %dma_wait3A_2592 = tpu.memref_slice %arg6[%add3A_2415, %dma_wait3A_2591] : memref<16384x128xf32, #tpu.memory_space<hbm>> -> memref<128x64xf32, #tpu.memory_space<hbm>>
    %dma_wait3A_2593 = arith.constant 128 : i32
    %dma_wait3A_2594 = arith.constant 0 : i32
    %dma_wait3A_2595 = tpu.memref_slice %arg10[%dma_wait3A_2584, %dma_wait3A_2593, %dma_wait3A_2594] : memref<2x512x64xf32, #tpu.memory_space<vmem>> -> memref<1x128x64xf32, #tpu.memory_space<vmem>>
    %dma_wait3A_2596 = tpu.memref_squeeze %dma_wait3A_2595 : memref<1x128x64xf32, #tpu.memory_space<vmem>> -> memref<128x64xf32, #tpu.memory_space<vmem>>
    tpu.wait_dma2 semaphore(%arg12 : memref<!tpu.dma_semaphore, #tpu.memory_space<semaphore_mem>>) src(%dma_wait3A_2596 : memref<128x64xf32, #tpu.memory_space<vmem>>) dst(%dma_wait3A_2592 : memref<128x64xf32, #tpu.memory_space<hbm>>)
    %dma_wait3A_2597 = arith.constant 1 : i32
    %dma_wait3A_2598 = arith.constant 128 : i32
    %dma_wait3A_2599 = arith.constant 0 : i32
    %dma_wait3A_2600 = tpu.memref_slice %arg10[%dma_wait3A_2597, %dma_wait3A_2598, %dma_wait3A_2599] : memref<2x512x64xf32, #tpu.memory_space<vmem>> -> memref<1x128x64xf32, #tpu.memory_space<vmem>>
    %dma_wait3A_2601 = tpu.memref_squeeze %dma_wait3A_2600 : memref<1x128x64xf32, #tpu.memory_space<vmem>> -> memref<128x64xf32, #tpu.memory_space<vmem>>
    %dma_wait3A_2602 = arith.constant 64 : i32
    %dma_wait3A_2603 = tpu.memref_slice %arg6[%add3A_2415, %dma_wait3A_2602] : memref<16384x128xf32, #tpu.memory_space<hbm>> -> memref<128x64xf32, #tpu.memory_space<hbm>>
    %dma_wait3A_2604 = arith.constant 64 : i32
    %dma_wait3A_2605 = tpu.memref_slice %arg6[%add3A_2415, %dma_wait3A_2604] : memref<16384x128xf32, #tpu.memory_space<hbm>> -> memref<128x64xf32, #tpu.memory_space<hbm>>
    %dma_wait3A_2606 = arith.constant 128 : i32
    %dma_wait3A_2607 = arith.constant 0 : i32
    %dma_wait3A_2608 = tpu.memref_slice %arg10[%dma_wait3A_2597, %dma_wait3A_2606, %dma_wait3A_2607] : memref<2x512x64xf32, #tpu.memory_space<vmem>> -> memref<1x128x64xf32, #tpu.memory_space<vmem>>
    %dma_wait3A_2609 = tpu.memref_squeeze %dma_wait3A_2608 : memref<1x128x64xf32, #tpu.memory_space<vmem>> -> memref<128x64xf32, #tpu.memory_space<vmem>>
    tpu.wait_dma2 semaphore(%arg12 : memref<!tpu.dma_semaphore, #tpu.memory_space<semaphore_mem>>) src(%dma_wait3A_2609 : memref<128x64xf32, #tpu.memory_space<vmem>>) dst(%dma_wait3A_2605 : memref<128x64xf32, #tpu.memory_space<hbm>>)
    %dma_wait3A_2610 = arith.constant 0 : i32
    %dma_wait3A_2611 = arith.constant 256 : i32
    %dma_wait3A_2612 = arith.constant 0 : i32
    %dma_wait3A_2613 = tpu.memref_slice %arg10[%dma_wait3A_2610, %dma_wait3A_2611, %dma_wait3A_2612] : memref<2x512x64xf32, #tpu.memory_space<vmem>> -> memref<1x128x64xf32, #tpu.memory_space<vmem>>
    %dma_wait3A_2614 = tpu.memref_squeeze %dma_wait3A_2613 : memref<1x128x64xf32, #tpu.memory_space<vmem>> -> memref<128x64xf32, #tpu.memory_space<vmem>>
    %dma_wait3A_2615 = arith.constant 0 : i32
    %dma_wait3A_2616 = tpu.memref_slice %arg6[%add3A_2473, %dma_wait3A_2615] : memref<16384x128xf32, #tpu.memory_space<hbm>> -> memref<128x64xf32, #tpu.memory_space<hbm>>
    %dma_wait3A_2617 = arith.constant 0 : i32
    %dma_wait3A_2618 = tpu.memref_slice %arg6[%add3A_2473, %dma_wait3A_2617] : memref<16384x128xf32, #tpu.memory_space<hbm>> -> memref<128x64xf32, #tpu.memory_space<hbm>>
    %dma_wait3A_2619 = arith.constant 256 : i32
    %dma_wait3A_2620 = arith.constant 0 : i32
    %dma_wait3A_2621 = tpu.memref_slice %arg10[%dma_wait3A_2610, %dma_wait3A_2619, %dma_wait3A_2620] : memref<2x512x64xf32, #tpu.memory_space<vmem>> -> memref<1x128x64xf32, #tpu.memory_space<vmem>>
    %dma_wait3A_2622 = tpu.memref_squeeze %dma_wait3A_2621 : memref<1x128x64xf32, #tpu.memory_space<vmem>> -> memref<128x64xf32, #tpu.memory_space<vmem>>
    tpu.wait_dma2 semaphore(%arg12 : memref<!tpu.dma_semaphore, #tpu.memory_space<semaphore_mem>>) src(%dma_wait3A_2622 : memref<128x64xf32, #tpu.memory_space<vmem>>) dst(%dma_wait3A_2618 : memref<128x64xf32, #tpu.memory_space<hbm>>)
    %dma_wait3A_2623 = arith.constant 1 : i32
    %dma_wait3A_2624 = arith.constant 256 : i32
    %dma_wait3A_2625 = arith.constant 0 : i32
    %dma_wait3A_2626 = tpu.memref_slice %arg10[%dma_wait3A_2623, %dma_wait3A_2624, %dma_wait3A_2625] : memref<2x512x64xf32, #tpu.memory_space<vmem>> -> memref<1x128x64xf32, #tpu.memory_space<vmem>>
    %dma_wait3A_2627 = tpu.memref_squeeze %dma_wait3A_2626 : memref<1x128x64xf32, #tpu.memory_space<vmem>> -> memref<128x64xf32, #tpu.memory_space<vmem>>
    %dma_wait3A_2628 = arith.constant 64 : i32
    %dma_wait3A_2629 = tpu.memref_slice %arg6[%add3A_2473, %dma_wait3A_2628] : memref<16384x128xf32, #tpu.memory_space<hbm>> -> memref<128x64xf32, #tpu.memory_space<hbm>>
    %dma_wait3A_2630 = arith.constant 64 : i32
    %dma_wait3A_2631 = tpu.memref_slice %arg6[%add3A_2473, %dma_wait3A_2630] : memref<16384x128xf32, #tpu.memory_space<hbm>> -> memref<128x64xf32, #tpu.memory_space<hbm>>
    %dma_wait3A_2632 = arith.constant 256 : i32
    %dma_wait3A_2633 = arith.constant 0 : i32
    %dma_wait3A_2634 = tpu.memref_slice %arg10[%dma_wait3A_2623, %dma_wait3A_2632, %dma_wait3A_2633] : memref<2x512x64xf32, #tpu.memory_space<vmem>> -> memref<1x128x64xf32, #tpu.memory_space<vmem>>
    %dma_wait3A_2635 = tpu.memref_squeeze %dma_wait3A_2634 : memref<1x128x64xf32, #tpu.memory_space<vmem>> -> memref<128x64xf32, #tpu.memory_space<vmem>>
    tpu.wait_dma2 semaphore(%arg12 : memref<!tpu.dma_semaphore, #tpu.memory_space<semaphore_mem>>) src(%dma_wait3A_2635 : memref<128x64xf32, #tpu.memory_space<vmem>>) dst(%dma_wait3A_2631 : memref<128x64xf32, #tpu.memory_space<hbm>>)
    %dma_wait3A_2636 = arith.constant 0 : i32
    %dma_wait3A_2637 = arith.constant 384 : i32
    %dma_wait3A_2638 = arith.constant 0 : i32
    %dma_wait3A_2639 = tpu.memref_slice %arg10[%dma_wait3A_2636, %dma_wait3A_2637, %dma_wait3A_2638] : memref<2x512x64xf32, #tpu.memory_space<vmem>> -> memref<1x128x64xf32, #tpu.memory_space<vmem>>
    %dma_wait3A_2640 = tpu.memref_squeeze %dma_wait3A_2639 : memref<1x128x64xf32, #tpu.memory_space<vmem>> -> memref<128x64xf32, #tpu.memory_space<vmem>>
    %dma_wait3A_2641 = arith.constant 0 : i32
    %dma_wait3A_2642 = tpu.memref_slice %arg6[%add3A_2531, %dma_wait3A_2641] : memref<16384x128xf32, #tpu.memory_space<hbm>> -> memref<128x64xf32, #tpu.memory_space<hbm>>
    %dma_wait3A_2643 = arith.constant 0 : i32
    %dma_wait3A_2644 = tpu.memref_slice %arg6[%add3A_2531, %dma_wait3A_2643] : memref<16384x128xf32, #tpu.memory_space<hbm>> -> memref<128x64xf32, #tpu.memory_space<hbm>>
    %dma_wait3A_2645 = arith.constant 384 : i32
    %dma_wait3A_2646 = arith.constant 0 : i32
    %dma_wait3A_2647 = tpu.memref_slice %arg10[%dma_wait3A_2636, %dma_wait3A_2645, %dma_wait3A_2646] : memref<2x512x64xf32, #tpu.memory_space<vmem>> -> memref<1x128x64xf32, #tpu.memory_space<vmem>>
    %dma_wait3A_2648 = tpu.memref_squeeze %dma_wait3A_2647 : memref<1x128x64xf32, #tpu.memory_space<vmem>> -> memref<128x64xf32, #tpu.memory_space<vmem>>
    tpu.wait_dma2 semaphore(%arg12 : memref<!tpu.dma_semaphore, #tpu.memory_space<semaphore_mem>>) src(%dma_wait3A_2648 : memref<128x64xf32, #tpu.memory_space<vmem>>) dst(%dma_wait3A_2644 : memref<128x64xf32, #tpu.memory_space<hbm>>)
    %dma_wait3A_2649 = arith.constant 1 : i32
    %dma_wait3A_2650 = arith.constant 384 : i32
    %dma_wait3A_2651 = arith.constant 0 : i32
    %dma_wait3A_2652 = tpu.memref_slice %arg10[%dma_wait3A_2649, %dma_wait3A_2650, %dma_wait3A_2651] : memref<2x512x64xf32, #tpu.memory_space<vmem>> -> memref<1x128x64xf32, #tpu.memory_space<vmem>>
    %dma_wait3A_2653 = tpu.memref_squeeze %dma_wait3A_2652 : memref<1x128x64xf32, #tpu.memory_space<vmem>> -> memref<128x64xf32, #tpu.memory_space<vmem>>
    %dma_wait3A_2654 = arith.constant 64 : i32
    %dma_wait3A_2655 = tpu.memref_slice %arg6[%add3A_2531, %dma_wait3A_2654] : memref<16384x128xf32, #tpu.memory_space<hbm>> -> memref<128x64xf32, #tpu.memory_space<hbm>>
    %dma_wait3A_2656 = arith.constant 64 : i32
    %dma_wait3A_2657 = tpu.memref_slice %arg6[%add3A_2531, %dma_wait3A_2656] : memref<16384x128xf32, #tpu.memory_space<hbm>> -> memref<128x64xf32, #tpu.memory_space<hbm>>
    %dma_wait3A_2658 = arith.constant 384 : i32
    %dma_wait3A_2659 = arith.constant 0 : i32
    %dma_wait3A_2660 = tpu.memref_slice %arg10[%dma_wait3A_2649, %dma_wait3A_2658, %dma_wait3A_2659] : memref<2x512x64xf32, #tpu.memory_space<vmem>> -> memref<1x128x64xf32, #tpu.memory_space<vmem>>
    %dma_wait3A_2661 = tpu.memref_squeeze %dma_wait3A_2660 : memref<1x128x64xf32, #tpu.memory_space<vmem>> -> memref<128x64xf32, #tpu.memory_space<vmem>>
    tpu.wait_dma2 semaphore(%arg12 : memref<!tpu.dma_semaphore, #tpu.memory_space<semaphore_mem>>) src(%dma_wait3A_2661 : memref<128x64xf32, #tpu.memory_space<vmem>>) dst(%dma_wait3A_2657 : memref<128x64xf32, #tpu.memory_space<hbm>>)
    return
  }
}

</mosaic_0001>

<sc_bundles>
// kernel: kernel.3.cloned.1.call-start
scs
__scs_entry_jumppad:
0x0: {  	(pc) =	sbr.rel $0x88, $3  }
0x1: {  	(tag) =	ssettag $0x0;
	lr =	simm.s32 $0x1  }
0x2: {  	[smem:$0x3F9D] =	sst lr;
	_ =	strace $0xD0000000  }
0x3: {  	_ = 	snop  }
0x4: {  	_ = 	snop  }
0x5: {  	_ = 	snop  }
0x6: {  	_ = 	snop  }
0x7: {  	_ = 	snop  }
__scs_overlays_trampoline_lowered:
0x8: {  	[smem:$0x3FAC] =	sst s0  }
0x9: {  	[smem:$0x3FAD] =	sst s1  }
0xa: {  	[smem:$0x3FAE] =	sst s2  }
0xb: {  	[smem:$0x3FAF] =	sst s3  }
0xc: {  	[smem:$0x3FB0] =	sst s4  }
0xd: {  	[smem:$0x3FB1] =	sst s5  }
0xe: {  	[smem:$0x3FB2] =	sst s6  }
0xf: {  	[smem:$0x3FB3] =	sst s7  }
0x10: {  	[smem:$0x3FB4] =	sst s8  }
0x11: {  	[smem:$0x3FB5] =	sst s9;
	s0 =	simm.s32 @!p0 $0x0  }
0x12: {  	s1 =	sld [smem:$0x3F9B];
	s0 =	simm.s32 @p0 $0x1  }
0x13: {  	[smem:$0x3FB6] =	sst s0;
	s0 =	simm.s32 @!p1 $0x0  }
0x14: {  	s2 =	sld [smem:$0x3F9A];
	s0 =	simm.s32 @p1 $0x1  }
0x15: {  	[smem:$0x3FB7] =	sst s0;
	s0 =	simm.s32 @!p2 $0x0  }
0x16: {  	s3 =	sld [smem:$0x3FDB];
	s0 =	simm.s32 @p2 $0x1  }
0x17: {  	s4 =	simm.s32 $0x1BF5;
	[smem:$0x3FB9] =	sst s0  }
0x18: {  	s0 =	sld [smem:$0x3F9C];
	_ =	swait.ge [sflag:s4], $0x0  }
0x19: {  	s7 =	sld [smem:$0x3F9D]  }
0x1a: {  	s8 =	sadd.s32 $0xFFFFE003, lr  }
0x1b: {  	s9 =	sadd.s32 $0xFFFFFEF7, lr;
	s5 =	simm.s32 $0xFFFFFFFF;
	p2 =	slt.u32 s8, $0xFFFFF086  }
0x1c: {  	p1 =	slt.u32 s9, $0xF7A;
	s5 =	simm.s32 @!p2 $0x0  }
0x1d: {  	s5 =	simm.s32 @p1 $0x1;
	p0 =	seq.s32 s7, s2  }
0x1e: {  	s7 =	smul.u32 @!p0 $0xF7A, s2;
	p2 =	seq.s32 @!p0 s5, $0x0  }
0x1f: {  	s9 =	smul.u32 $0xF7A, s1;
	s8 =	simm.s32 @!p0 $0x1BF5;
	p2 =	por !p2, p0  }
0x20: {  	[sflag:s8] =	ssyncset.s32 @!p0 $0xFFFFF086;
	s6 =	sadd.s32 @!p0 s3, s7;
	s7 =	simm.s32 @!p0 $0x108  }
0x21: {  	s3 =	sadd.s32 s3, s9;
	s6 =	sadd.s32 @!p0 $0x88, s6;
	s7 =	simm.s32 @p2 $0x1082  }
0x22: {  	[simem:s7], [sflag:s8] =	dma.local @!p0 [hbm:s6], $0xF7A  }
0x23: {  	s9 =	sor.u32 $0xD0000000, s2;
	s6 =	simm.s32 $0x108;
	_ =	swait.ge @!p0 [sflag:s8], $0x0  }
0x24: {  	s3 =	sadd.s32 $0x88, s3;
	s6 =	simm.s32 @!p1 $0x1082;
	[sflag:s4] =	ssyncset.s32 $0xFFFFF086  }
0x25: {  	[simem:s6], [sflag:s4] =	dma.local [hbm:s3], $0xF7A  }
0x26: {  	[smem:$0x3F9D] =	sst s1;
	(tag) =	ssettag s2;
	_ =	strace s9  }
0x27: {  	s1 =	sld [smem:$0x3FAD]  }
0x28: {  	s2 =	sld [smem:$0x3FAE]  }
0x29: {  	s4 =	sld [smem:$0x3FB0]  }
0x2a: {  	p0 =	seq.s32 s5, $0x0;
	s5 =	sld [smem:$0x3FB1]  }
0x2b: {  	s6 =	sld [smem:$0x3FB2]  }
0x2c: {  	s7 =	sld [smem:$0x3FB3]  }
0x2d: {  	s3 =	simm.s32 $0x108;
	s8 =	sld [smem:$0x3FB4]  }
0x2e: {  	s3 =	simm.s32 @!p0 $0x1082;
	s9 =	sld [smem:$0x3FB5]  }
0x2f: {  	lr =	sadd.s32 s0, s3;
	s0 =	sld [smem:$0x3FAC]  }
0x30: {  	s3 =	sld [smem:$0x3FAF]  }
0x31: {  	[smem:$0x3FB8] =	sst s10  }
0x32: {  	s10 =	sld [smem:$0x3FB6];
	_ =	sdelay $0x3  }
0x33: {  	p0 =	seq.s32 s10, $0x1;
	s10 =	sld [smem:$0x3FB8];
	_ =	sdelay $0x3  }
0x34: {  	[smem:$0x3FB8] =	sst s10  }
0x35: {  	s10 =	sld [smem:$0x3FB7];
	_ =	sdelay $0x3  }
0x36: {  	p1 =	seq.s32 s10, $0x1;
	s10 =	sld [smem:$0x3FB8];
	_ =	sdelay $0x3  }
0x37: {  	[smem:$0x3FB8] =	sst s10  }
0x38: {  	s10 =	sld [smem:$0x3FB9]  }
0x39: {  	_ = 	snop;
	(pc) =	sbr.ind lr, $3  }
0x3a: {  	_ = 	snop  }
0x3b: {  	_ = 	snop  }
0x3c: {  	p2 =	seq.s32 s10, $0x1;
	s10 =	sld [smem:$0x3FB8]  }
0x3d: {  	_ =	shalt  }
0x3e: {  	_ =	shalt  }
0x3f: {  	_ =	shalt  }
0x40: {  	_ =	shalt  }
0x41: {  	_ =	shalt  }
0x42: {  	_ =	shalt  }
0x43: {  	_ =	shalt  }
0x44: {  	_ =	shalt  }
0x45: {  	_ =	shalt  }
0x46: {  	_ =	shalt  }
0x47: {  	_ =	shalt  }
0x48: {  	_ =	shalt  }
0x49: {  	_ =	shalt  }
0x4a: {  	_ =	shalt  }
0x4b: {  	_ =	shalt  }
0x4c: {  	_ =	shalt  }
0x4d: {  	_ =	shalt  }
0x4e: {  	_ =	shalt  }
0x4f: {  	_ =	shalt  }
0x50: {  	_ =	shalt  }
0x51: {  	_ =	shalt  }
0x52: {  	_ =	shalt  }
0x53: {  	_ =	shalt  }
0x54: {  	_ =	shalt  }
0x55: {  	_ =	shalt  }
0x56: {  	_ =	shalt  }
0x57: {  	_ =	shalt  }
0x58: {  	_ =	shalt  }
0x59: {  	_ =	shalt  }
0x5a: {  	_ =	shalt  }
0x5b: {  	_ =	shalt  }
0x5c: {  	_ =	shalt  }
0x5d: {  	_ =	shalt  }
0x5e: {  	_ =	shalt  }
0x5f: {  	_ =	shalt  }
0x60: {  	_ =	shalt  }
0x61: {  	_ =	shalt  }
0x62: {  	_ =	shalt  }
0x63: {  	_ =	shalt  }
0x64: {  	_ =	shalt  }
0x65: {  	_ =	shalt  }
0x66: {  	_ =	shalt  }
0x67: {  	_ =	shalt  }
0x68: {  	_ =	shalt  }
0x69: {  	_ =	shalt  }
0x6a: {  	_ =	shalt  }
0x6b: {  	_ =	shalt  }
0x6c: {  	_ =	shalt  }
0x6d: {  	_ =	shalt  }
0x6e: {  	_ =	shalt  }
0x6f: {  	_ =	shalt  }
0x70: {  	_ =	shalt  }
0x71: {  	_ =	shalt  }
0x72: {  	_ =	shalt  }
0x73: {  	_ =	shalt  }
0x74: {  	_ =	shalt  }
0x75: {  	_ =	shalt  }
0x76: {  	_ =	shalt  }
0x77: {  	_ =	shalt  }
0x78: {  	_ =	shalt  }
0x79: {  	_ =	shalt  }
0x7a: {  	_ =	shalt  }
0x7b: {  	_ =	shalt  }
0x7c: {  	_ =	shalt  }
0x7d: {  	_ =	shalt  }
0x7e: {  	_ =	shalt  }
0x7f: {  	_ =	shalt  }
0x80: {  	_ =	shalt  }
0x81: {  	_ =	shalt  }
0x82: {  	_ =	shalt  }
0x83: {  	_ =	shalt  }
0x84: {  	_ =	shalt  }
0x85: {  	_ =	shalt  }
0x86: {  	_ =	shalt  }
0x87: {  	_ =	shalt  }
.Lfunc_end0:
.L_simem_size_0:
called_computation_lowered:
.L_overlay_start_0:
0x88: {  	s2 =	sld [smem:$0x3FD9]  }
0x89: {  	s3 =	sld [smem:$0x3FFE];
	_ =	sdelay $0x1  }
0x8a: {  	s1 =	srdreg.scid  }
0x8b: {  	s0 =	sand.u32 $0x1, s1  }
0x8c: {  	s17 =	sshll.u32 s0, $0xA;
	s2 =	sadd.s32 s3, s2  }
0x8d: {  	s2 =	sadd.s32 s2, s17  }
0x8e: {  	[smem:$0x3FC4] =	sst s2  }
0x8f: {  	_ = 	snop  }
0x90: {  	s2 =	sld [smem:$0x3FC9]  }
0x91: {  	s18 =	sld [smem:$0x3FC8]  }
0x92: {  	s4 =	sld [smem:$0x3FD0];
	(tm) =	ssettm $0x1  }
0x93: {  	s5 =	sld [smem:$0x3FFB];
	_ =	sdelay $0x3  }
0x94: {  	_ =	strace s5  }
0x95: {  	s5 =	sld [smem:$0x3FFC];
	_ =	sdelay $0x3  }
0x96: {  	_ =	strace s5  }
0x97: {  	s5 =	sld [smem:$0x3FFD];
	_ =	sdelay $0x3  }
0x98: {  	_ =	strace s5  }
0x99: {  	_ =	strace $0x8FFFFFFF  }
0x9a: {  	s19 =	sld [smem:$0x3FDB];
	_ =	sdelay $0x1  }
0x9b: {  	s6 =	simm.s32 $_scs_section_size  }
0x9c: {  	s7 =	simm.s32 $_size__tile_overlayer_lowered;
	s8 =	simm.s32 $_tile_overlayer_lowered  }
0x9d: {  	s22 =	simm.s32 $0x1BFF;
	s21 =	sshll.u32 s8, $0x1;
	s5 =	sadd.s32 s6, s19  }
0x9e: {  	s9 =	simm.s32 $0x0;
	s20 =	sshll.u32 s7, $0x1;
	s7 =	sadd.s32 s21, s5  }
0x9f: {  	[timem:s9], [sflag:s22] =	dma.local [hbm:s7], s20  }
0xa0: {  	_ =	swait.ge [sflag:s22], s20  }
0xa1: {  	s6 =	ssub.s32 $0x0, s20;
	[sflag:s22] =	ssyncset.done $0x0  }
0xa2: {  	[sflag:s22] =	ssyncadd.s32 s6;
	_ =	sdelay $0x1  }
0xa3: {  	s23 =	simm.s32 $0x1B8B  }
0xa4: {  	_ =	swait.ge [sflag:s23], $0x1  }
0xa5: {  	[sflag:s23] =	ssyncset.done $0x0  }
0xa6: {  	s25 =	simm.s32 $0x1B8E;
	s24 =	sld [smem:$0x3FFE];
	[sflag:s23] =	ssyncadd.s32 $0xFFFFFFFF  }
0xa7: {  	s26 =	simm.s32 $execute0_lowered;
	[smem:$0x3FD2] =	sst s25  }
0xa8: {  	s7 =	sshll.u32 s26, $0x1;
	_ =	strace $0x80000046;
	[dreg:$0x1] =	wrdreg $0xFFFFFFFF  }
0xa9: {  	s28 =	simm.s32 $_size_execute0_lowered;
	s5 =	sadd.s32 s5, s7;
	[dreg:$0x0] =	wrdreg $0x0  }
0xaa: {  	s7 =	sshll.u32 s28, $0x1;
	[dreg:$0x2] =	wrdreg s5  }
0xab: {  	[dreg:$0x3] =	wrdreg s7  }
0xac: {  	[dreg:$0x4] =	wrdreg $0xC0  }
0xad: {  	_ =	task [dreg:s9], $0x5FFFF  }
0xae: {  	[dreg:$0x1] =	wrdreg $0xFFFFFFFF  }
0xaf: {  	[dreg:$0x0] =	wrdreg $0x60  }
0xb0: {  	[dreg:$0x2] =	wrdreg s2  }
0xb1: {  	[dreg:$0x3] =	wrdreg s18  }
0xb2: {  	[dreg:$0x4] =	wrdreg s24  }
0xb3: {  	[dreg:$0x5] =	wrdreg s4  }
0xb4: {  	[dreg:$0x6] =	wrdreg $0x9  }
0xb5: {  	_ =	task.clear_ibuf [dreg:s9], $0x7FFFF;
	_ =	strace $0x90000046  }
0xb6: {  	s29 =	simm.s32 $0x9;
	_ =	strace $0x80000048  }
0xb7: {  	_ =	swait.ge [sflag:s29], $0x1  }
0xb8: {  	[sflag:s29] =	ssyncadd.s32 $0xFFFFFFFF  }
0xb9: {  	_ =	strace $0x90000048  }
0xba: {  	_ =	sfence  }
0xbb: {  	s30 =	sld [smem:$0x0];
	_ =	sdelay $0x2  }
0xbc: {  	s31 =	sshll.u32 s1, $0xD;
	s1 =	sshrl.u32 s1, $0x2  }
0xbd: {  	s3 =	sand.u32 $0x4000, s31;
	s1 =	sadd.s32 s1, s30  }
0xbe: {  	s0 =	sor.u32 s3, s0;
	s1 =	sshll.u32 s1, $0x11  }
0xbf: {  	s0 =	sor.u32 s1, s0  }
0xc0: {  	s0 =	sadd.s32 $0x8F2B, s0  }
0xc1: {  	[sflag:s0] =	ssyncadd.remote.s32 $0x1  }
0xc2: {  	_ =	sfence.sel $0xFFFF  }
0xc3: {  	[dreg:$0x0] =	wrdreg $0xFFFFFFFF;
	(pc) =	sbr.abs _section_cstart, $3  }
0xc4: {  	[dreg:$0x1] =	wrdreg $0xFFFFFFFF  }
0xc5: {  	_ =	task.clear_ibuf [dreg:s9], $0x2FFFF;
	_ =	strace $0x9FFFFFFF  }
0xc6: {  	(tm) =	ssettm $0x7FFFFFFF  }
0xc7: {  	_ =	shalt  }
tec
execute0_lowered:
.L_overlay_start_1:
0x0: {  	(tag) =	ssettag $0x1  }
0x1: {  	s1 =	rddreg [dreg:$0x0]  }
0x2: {  	s3 =	rddreg [dreg:$0x1];
	s2 =	srdreg.scid  }
0x3: {  	s5 =	rddreg [dreg:$0x2];
	s0 =	stileid.u32  }
0x4: {  	s4 =	rddreg [dreg:$0x3];
	s9 =	simm.s32 $0x5;
	s10 =	simm.s32 $0x80  }
0x5: {  	s11 =	simm.s32 $0x400;
	s12 =	simm.s32 $0x800;
	s13 =	simm.s32 $0x600  }
0x6: {  	s14 =	simm.s32 $0x8800;
	s15 =	simm.s32 $0x480;
	s16 =	simm.s32 $0x2800  }
0x7: {  	s17 =	simm.s32 $0x680;
	s18 =	simm.s32 $0xA800;
	s28 =	simm.s32 $0x1  }
0x8: {  	s29 =	simm.s32 $0x40;
	s30 =	simm.s32 $0x2;
	s6 =	sand.u32 $0x1, s2  }
0x9: {  	s7 =	sshll.u32 s0, $0xA;
	s2 =	simm.s32 $0x0;
	s8 =	sshll.u32 s6, $0x9  }
0xa: {  	s31 =	simm.s32 $0x3;
	[smem:$0x7FF] =	sst s2;
	s7 =	sor.u32 s8, s7  }
0xb: {  	s6 =	ssub.s32 $0x2, s6;
	_ =	strace $0x80000047;
	s8 =	sshrl.u32 s7, $0x3  }
0xc: {  	s24 =	sshrl.u32 s6, $0x1;
	s7 =	sshll.u32 s7, $0x4;
	s1 =	sadd.s32 s1, s8  }
0xd: {  	s19 =	sadd.s32 s3, s8;
	s3 =	sadd.s32 s4, s7;
	[dreg:$0x5] =	wrdreg s1  }
0xe: {  	s4 =	sadd.s32 $0x600, s5;
	[dreg:$0x6] =	wrdreg s19;
	s20 =	sadd.s32 $0x8, s3  }
0xf: {  	s5 =	sadd.s32 $0x14000, s5;
	s21 =	sadd.s32 $0x800, s3;
	[dreg:$0x7] =	wrdreg s20  }
0x10: {  	s7 =	ssub.s32 s6, s24;
	s22 =	sadd.s32 $0x808, s3;
	[dreg:$0x8] =	wrdreg s21  }
0x11: {  	s24 =	simm.s32 $0x6800;
	s23 =	sadd.s32 $0x1000, s3;
	[dreg:$0x9] =	wrdreg s22  }
0x12: {  	s25 =	sadd.s32 $0x1008, s3;
	s26 =	sadd.s32 $0x1800, s3;
	[dreg:$0xa] =	wrdreg s23  }
0x13: {  	s6 =	sadd.s32 $0x1808, s3;
	s7 =	smax.u32 s7, $0x1;
	[dreg:$0xb] =	wrdreg s25  }
0x14: {  	s19 =	simm.s32 $0x500;
	s1 =	simm.s32 $0x4;
	[dreg:$0xc] =	wrdreg s26  }
0x15: {  	s20 =	simm.s32 $0x4800;
	s21 =	simm.s32 $0x700;
	s22 =	simm.s32 $0xC800  }
0x16: {  	s23 =	simm.s32 $0x580;
	s25 =	simm.s32 $0x780;
	s26 =	simm.s32 $0xE800  }
.LBB2_1:
0x17: {  	s0 =	rddreg [dreg:$0x5]  }
0x18: {  	[tilespmem:s2], [sflag:$0x5] =	stream.linear.gather [hbm4b:s0+s2], $0x200, $0x38;
	[tilespmem:$0x10800] =	vst v63  }
0x19: {  	s8 =	rddreg [dreg:$0x6];
	s0 =	simm.s32 $0x200  }
0x1a: {  	[tilespmem:s0], [sflag:$0x5] =	stream.linear.gather [hbm4b:s8+s2], $0x200, $0x38;
	[tilespmem:$0x10800] =	vst v63  }
0x1b: {  	_ =	swait.ge [sflag:s9], $0x200  }
0x1c: {  	[sflag:s9] =	ssyncset.done $0x0  }
0x1d: {  	[sflag:s9] =	ssyncadd.s32 $0xFFFFFE00  }
0x1e: {  	_ =	swait.ge [sflag:s9], $0x200  }
0x1f: {  	[sflag:s9] =	ssyncset.done $0x0  }
0x20: {  	[sflag:s9] =	ssyncadd.s32 $0xFFFFFE00  }
0x21: {  	v0 =	vld [tilespmem:$0x0]  }
0x22: {  	v1 =	vld [tilespmem:$0x200]  }
0x23: {  	v4 =	vld [tilespmem:$0x10]  }
0x24: {  	v5 =	vld [tilespmem:$0x210]  }
0x25: {  	v63 =	vld [tilespmem:$0x20]  }
0x26: {  	v7 =	vld [tilespmem:$0x220]  }
0x27: {  	v11 =	vld [tilespmem:$0x30]  }
0x28: {  	v12 =	vld [tilespmem:$0x230]  }
0x29: {  	v27 =	vld [tilespmem:$0x40]  }
0x2a: {  	v32 =	vld [tilespmem:$0x240]  }
0x2b: {  	v34 =	vld [tilespmem:$0x50];
	v2 =	vcvt.s32.f32 v0  }
0x2c: {  	v44 =	vld [tilespmem:$0x260];
	v3 =	vcvt.s32.f32 v1;
	v62 =	vcvt.s32.f32 v4  }
0x2d: {  	v49 =	vld [tilespmem:$0x70];
	v17 =	vcvt.s32.f32 v5;
	v18 =	vcvt.s32.f32 v63  }
0x2e: {  	v51 =	vld [tilespmem:$0x270];
	v19 =	vcvt.s32.f32 v7;
	v24 =	vcvt.s32.f32 v11  }
0x2f: {  	v29 =	vcvt.s32.f32 v12;
	v33 =	vcvt.s32.f32 v27  }
0x30: {  	v35 =	vcvt.s32.f32 v32;
	v36 =	vcvt.s32.f32 v34  }
0x31: {  	v50 =	vcvt.s32.f32 v44;
	v2 =	vmul.f32 $9.999999740e-05, v2  }
0x32: {  	v53 =	vcvt.s32.f32 v49;
	v3 =	vmul.f32 $9.999999740e-05, v3  }
0x33: {  	v56 =	vcvt.s32.f32 v51;
	v2 =	vtrunc.f32 v2  }
0x34: {  	v3 =	vtrunc.f32 v3;
	v2 =	vcvt.f32.s32 v2  }
0x35: {  	v61 =	vcvt.f32.s32 v3;
	v3 =	vmul.f32 $9.999999740e-05, v62  }
0x36: {  	v25 =	vmul.f32 $9.999999740e-05, v24;
	v58 =	vmul.f32 $9.999999740e-05, v53;
	v2 =	vmul.u32 $0xFFFFD8F0, v2  }
0x37: {  	v16 =	vtrunc.f32 v3;
	v3 =	vmul.f32 $9.999999740e-05, v17  }
0x38: {  	v60 =	vmul.f32 $9.999999740e-05, v56;
	v0 =	vadd.s32 v0, v2;
	v2 =	vmul.u32 $0xFFFFD8F0, v61  }
0x39: {  	v17 =	vld [tilespmem:$0x60];
	v3 =	vtrunc.f32 v3;
	v61 =	vtrunc.f32 v58;
	vm0 =	vlt.s32 v0, $0x0  }
0x3a: {  	v6 =	vadd.s32 $0x2710, v0;
	v3 =	vcvt.f32.s32 v3;
	v62 =	vcvt.f32.s32 v61  }
0x3b: {  	v0 =	vsel vm0, v6, v0;
	v1 =	vadd.s32 v1, v2;
	v2 =	vcvt.f32.s32 v16  }
0x3c: {  	v6 =	vtrunc.f32 v25;
	vm0 =	vgt.s32 v0, $0x270F;
	vm1 =	vlt.s32 v1, $0x0  }
0x3d: {  	v8 =	vadd.s32 $0x2710, v1;
	v9 =	vadd.s32 $0xFFFFD8F0, v0;
	v3 =	vmul.u32 $0xFFFFD8F0, v3  }
0x3e: {  	v6 =	vcvt.f32.s32 v6;
	v46 =	vcvt.s32.f32 v17;
	v1 =	vsel vm1, v8, v1  }
0x3f: {  	v0 =	vsel vm0, v9, v0;
	v2 =	vmul.u32 $0xFFFFD8F0, v2;
	v9 =	vmul.f32 $9.999999740e-05, v18  }
0x40: {  	v16 =	vld [tilespmem:$0x250];
	vm13 =	vgt.s32 v1, $0x270F;
	v8 =	vadd.s32 $0xFFFFD8F0, v1;
	v3 =	vadd.s32 v5, v3  }
0x41: {  	v6 =	vmul.u32 $0xFFFFD8F0, v6;
	v2 =	vadd.s32 v4, v2;
	v4 =	vmul.f32 $9.999999740e-05, v19  }
0x42: {  	v1 =	vsel vm13, v8, v1;
	v20 =	vtrunc.f32 v9;
	vm4 =	vlt.s32 v3, $0x0  }
0x43: {  	v23 =	vadd.s32 $0x2710, v3;
	v9 =	vmul.f32 $9.999999740e-05, v29;
	vm14 =	vlt.s32 v2, $0x0  }
0x44: {  	v10 =	vadd.s32 $0x2710, v2;
	v21 =	vcvt.f32.s32 v20;
	v3 =	vsel vm4, v23, v3  }
0x45: {  	v6 =	vadd.s32 v11, v6;
	v41 =	vcvt.s32.f32 v16;
	v2 =	vsel vm14, v10, v2  }
0x46: {  	v4 =	vtrunc.f32 v4;
	vm5 =	vgt.s32 v3, $0x270F;
	v30 =	vadd.s32 $0xFFFFD8F0, v3  }
0x47: {  	v9 =	vtrunc.f32 v9;
	vm10 =	vlt.s32 v6, $0x0;
	v13 =	vadd.s32 $0x2710, v6  }
0x48: {  	v10 =	vmul.f32 $9.999999740e-05, v33;
	vm15 =	vgt.s32 v2, $0x270F;
	v22 =	vadd.s32 $0xFFFFD8F0, v2  }
0x49: {  	v4 =	vcvt.f32.s32 v4;
	v5 =	vmul.u32 $0xFFFFD8F0, v21;
	v3 =	vsel vm5, v30, v3  }
0x4a: {  	v9 =	vcvt.f32.s32 v9;
	v6 =	vsel vm10, v13, v6;
	v42 =	vmul.f32 $9.999999740e-05, v41  }
0x4b: {  	v2 =	vsel vm15, v22, v2;
	vm11 =	vgt.s32 v6, $0x270F;
	v13 =	vadd.s32 $0xFFFFD8F0, v6  }
0x4c: {  	v10 =	vtrunc.f32 v10;
	[tilespmem:$0x610] =	vst v3;
	v3 =	vtrunc.f32 v60;
	v4 =	vmul.u32 $0xFFFFD8F0, v4  }
0x4d: {  	v5 =	vadd.s32 v63, v5;
	v9 =	vmul.u32 $0xFFFFD8F0, v9;
	v10 =	vcvt.f32.s32 v10  }
0x4e: {  	v6 =	vsel vm11, v13, v6;
	vm6 =	vlt.s32 v5, $0x0;
	v26 =	vadd.s32 $0x2710, v5  }
0x4f: {  	v3 =	vcvt.f32.s32 v3;
	v4 =	vadd.s32 v7, v4;
	v5 =	vsel vm6, v26, v5  }
0x50: {  	v9 =	vadd.s32 v12, v9;
	v10 =	vmul.u32 $0xFFFFD8F0, v10;
	v12 =	vmul.f32 $9.999999740e-05, v36  }
0x51: {  	v3 =	vmul.u32 $0xFFFFD8F0, v3;
	vm7 =	vlt.s32 v4, $0x0;
	v28 =	vadd.s32 $0x2710, v4  }
0x52: {  	vm8 =	vgt.s32 v5, $0x270F;
	v31 =	vadd.s32 $0xFFFFD8F0, v5;
	vm12 =	vlt.s32 v9, $0x0  }
0x53: {  	v15 =	vadd.s32 $0x2710, v9;
	v4 =	vsel vm7, v28, v4;
	v5 =	vsel vm8, v31, v5  }
0x54: {  	v9 =	vsel vm12, v15, v9;
	v7 =	vadd.s32 v27, v10;
	v12 =	vtrunc.f32 v12  }
0x55: {  	v15 =	vmul.f32 $9.999999740e-05, v50;
	v3 =	vadd.s32 v51, v3;
	vm9 =	vgt.s32 v4, $0x270F  }
0x56: {  	v14 =	vadd.s32 $0xFFFFD8F0, v4;
	vm13 =	vgt.s32 v9, $0x270F;
	v39 =	vadd.s32 $0xFFFFD8F0, v9  }
0x57: {  	vm14 =	vlt.s32 v7, $0x0;
	v12 =	vcvt.f32.s32 v12;
	v40 =	vadd.s32 $0x2710, v7  }
0x58: {  	v13 =	vadd.s32 $0x2710, v3;
	v4 =	vsel vm9, v14, v4;
	v14 =	vmul.f32 $9.999999740e-05, v35  }
0x59: {  	v9 =	vsel vm13, v39, v9;
	v7 =	vsel vm14, v40, v7;
	v15 =	vtrunc.f32 v15  }
0x5a: {  	vm14 =	vlt.s32 v3, $0x0;
	v12 =	vmul.u32 $0xFFFFD8F0, v12;
	vm15 =	vgt.s32 v7, $0x270F  }
0x5b: {  	v47 =	vadd.s32 $0xFFFFD8F0, v7;
	v55 =	vcvt.f32.s32 v15;
	[tilespmem:$0x620] =	vst v4;
	v4 =	vmul.u32 $0xFFFFD8F0, v62  }
0x5c: {  	v3 =	vsel vm14, v13, v3;
	v37 =	vtrunc.f32 v14;
	v14 =	vmul.f32 $9.999999740e-05, v46  }
0x5d: {  	v7 =	vsel vm15, v47, v7;
	vm0 =	vgt.s32 v3, $0x270F;
	v15 =	vadd.s32 $0xFFFFD8F0, v3  }
0x5e: {  	v38 =	vcvt.f32.s32 v37;
	v11 =	vadd.s32 v34, v12;
	v59 =	vmul.u32 $0xFFFFD8F0, v55  }
0x5f: {  	v4 =	vadd.s32 v49, v4;
	vm5 =	vlt.s32 v11, $0x0;
	v45 =	vadd.s32 $0x2710, v11  }
0x60: {  	v14 =	vtrunc.f32 v14;
	vm13 =	vlt.s32 v4, $0x0;
	v10 =	vmul.u32 $0xFFFFD8F0, v38  }
0x61: {  	[tilespmem:$0x410] =	vst v2;
	v11 =	vsel vm5, v45, v11;
	v14 =	vcvt.f32.s32 v14;
	v2 =	vadd.s32 v44, v59  }
0x62: {  	vm7 =	vgt.s32 v11, $0x270F;
	v19 =	vadd.s32 $0xFFFFD8F0, v11;
	vm12 =	vlt.s32 v2, $0x0  }
0x63: {  	v63 =	vadd.s32 $0x2710, v2;
	v8 =	vadd.s32 v32, v10;
	v10 =	vtrunc.f32 v42  }
0x64: {  	[tilespmem:$0x400] =	vst v0;
	v11 =	vsel vm7, v19, v11;
	v14 =	vmul.u32 $0xFFFFD8F0, v14;
	v2 =	vsel vm12, v63, v2  }
0x65: {  	[tilespmem:$0x420] =	vst v5;
	vm4 =	vlt.s32 v8, $0x0;
	v43 =	vadd.s32 $0x2710, v8;
	v10 =	vcvt.f32.s32 v10  }
0x66: {  	vm1 =	vgt.s32 v2, $0x270F;
	v5 =	vadd.s32 $0xFFFFD8F0, v2;
	[tilespmem:$0x450] =	vst v11;
	v11 =	vadd.s32 $0x2710, v4  }
0x67: {  	[tilespmem:$0x600] =	vst v1;
	v8 =	vsel vm4, v43, v8;
	v54 =	vadd.s32 v17, v14;
	v10 =	vmul.u32 $0xFFFFD8F0, v10  }
0x68: {  	[tilespmem:$0x430] =	vst v6;
	v2 =	vsel vm1, v5, v2;
	v12 =	vsel vm13, v11, v4;
	vm6 =	vgt.s32 v8, $0x270F  }
0x69: {  	[tilespmem:$0x630] =	vst v9;
	v48 =	vadd.s32 $0xFFFFD8F0, v8;
	vm10 =	vlt.s32 v54, $0x0;
	v10 =	vadd.s32 v16, v10  }
0x6a: {  	[tilespmem:$0x440] =	vst v7;
	v57 =	vadd.s32 $0x2710, v54;
	vm8 =	vlt.s32 v10, $0x0;
	v18 =	vadd.s32 $0x2710, v10  }
0x6b: {  	[tilespmem:$0x660] =	vst v2;
	v8 =	vsel vm6, v48, v8;
	v1 =	vsel vm10, v57, v54;
	v10 =	vsel vm8, v18, v10  }
0x6c: {  	[tilespmem:$0x640] =	vst v8;
	v16 =	vsel vm0, v15, v3;
	vm9 =	vgt.s32 v10, $0x270F;
	v52 =	vadd.s32 $0xFFFFD8F0, v10  }
0x6d: {  	vm11 =	vgt.s32 v1, $0x270F;
	[tilespmem:$0x670] =	vst v16;
	v0 =	vsel vm9, v52, v10;
	v10 =	vadd.s32 $0xFFFFD8F0, v1  }
0x6e: {  	vm15 =	vgt.s32 v12, $0x270F;
	v14 =	vadd.s32 $0xFFFFD8F0, v12;
	v1 =	vsel vm11, v10, v1;
	[tilespmem:$0x650] =	vst v0  }
0x6f: {  	v0 =	vsel vm15, v14, v12;
	[tilespmem:$0x460] =	vst v1  }
0x70: {  	[tilespmem:$0x470] =	vst v0  }
0x71: {  	[tilespmem:s12], [sflag:$0x1] =	stream.indirect.gather [hbm4b:s4+s10], $0x40, s11, s10, $0xb8;
	[tilespmem:$0x10800] =	vst v63  }
0x72: {  	_ = 	snop  }
0x73: {  	[tilespmem:s14], [sflag:$0x1] =	stream.indirect.gather [hbm4b:s5+s10], $0x40, s13, s10, $0xb8;
	[tilespmem:$0x10800] =	vst v63  }
0x74: {  	v17 =	vld [tilespmem:$0x80]  }
0x75: {  	v18 =	vld [tilespmem:$0x280]  }
0x76: {  	v21 =	vld [tilespmem:$0x90]  }
0x77: {  	v22 =	vld [tilespmem:$0x290]  }
0x78: {  	v26 =	vld [tilespmem:$0xA0]  }
0x79: {  	v29 =	vld [tilespmem:$0x2A0]  }
0x7a: {  	v35 =	vld [tilespmem:$0xB0]  }
0x7b: {  	v41 =	vld [tilespmem:$0x2B0]  }
0x7c: {  	v44 =	vld [tilespmem:$0xC0]  }
0x7d: {  	v49 =	vld [tilespmem:$0x2C0]  }
0x7e: {  	v51 =	vld [tilespmem:$0xD0];
	v19 =	vcvt.s32.f32 v17  }
0x7f: {  	v57 =	vld [tilespmem:$0x2D0];
	v20 =	vcvt.s32.f32 v18;
	v24 =	vcvt.s32.f32 v21  }
0x80: {  	v28 =	vcvt.s32.f32 v22;
	v32 =	vcvt.s32.f32 v26  }
0x81: {  	v33 =	vcvt.s32.f32 v29;
	v40 =	vcvt.s32.f32 v35  }
0x82: {  	v46 =	vcvt.s32.f32 v41;
	v50 =	vcvt.s32.f32 v44  }
0x83: {  	v54 =	vcvt.s32.f32 v49;
	v55 =	vcvt.s32.f32 v51  }
0x84: {  	v62 =	vcvt.s32.f32 v57;
	v2 =	vmul.f32 $9.999999740e-05, v19  }
0x85: {  	v3 =	vmul.f32 $9.999999740e-05, v20;
	v9 =	vmul.f32 $9.999999740e-05, v32  }
0x86: {  	v4 =	vmul.f32 $9.999999740e-05, v33;
	v42 =	vmul.f32 $9.999999740e-05, v40  }
0x87: {  	v10 =	vmul.f32 $9.999999740e-05, v50;
	v14 =	vmul.f32 $9.999999740e-05, v54  }
0x88: {  	v12 =	vmul.f32 $9.999999740e-05, v55;
	v20 =	vmul.f32 $9.999999740e-05, v62  }
0x89: {  	v2 =	vtrunc.f32 v2;
	v3 =	vtrunc.f32 v3  }
0x8a: {  	v36 =	vtrunc.f32 v9;
	v4 =	vtrunc.f32 v4  }
0x8b: {  	v6 =	vtrunc.f32 v42;
	v9 =	vmul.f32 $9.999999740e-05, v46  }
0x8c: {  	v10 =	vtrunc.f32 v10;
	v58 =	vtrunc.f32 v14  }
0x8d: {  	v63 =	vld [tilespmem:$0xE0];
	v12 =	vtrunc.f32 v12;
	v2 =	vcvt.f32.s32 v2  }
0x8e: {  	v23 =	vcvt.f32.s32 v3;
	v3 =	vmul.f32 $9.999999740e-05, v24  }
0x8f: {  	v37 =	vcvt.f32.s32 v36;
	v4 =	vcvt.f32.s32 v4  }
0x90: {  	v6 =	vcvt.f32.s32 v6;
	v10 =	vcvt.f32.s32 v10  }
0x91: {  	v59 =	vcvt.f32.s32 v58;
	v12 =	vcvt.f32.s32 v12  }
0x92: {  	v24 =	vcvt.s32.f32 v63;
	v9 =	vtrunc.f32 v9  }
0x93: {  	v2 =	vmul.u32 $0xFFFFD8F0, v2;
	v27 =	vtrunc.f32 v3;
	v3 =	vmul.f32 $9.999999740e-05, v28  }
0x94: {  	v5 =	vmul.u32 $0xFFFFD8F0, v37;
	v4 =	vmul.u32 $0xFFFFD8F0, v4;
	v6 =	vmul.u32 $0xFFFFD8F0, v6  }
0x95: {  	v9 =	vcvt.f32.s32 v9;
	v10 =	vmul.u32 $0xFFFFD8F0, v10;
	v12 =	vmul.u32 $0xFFFFD8F0, v12  }
0x96: {  	v14 =	vmul.f32 $9.999999740e-05, v24;
	v0 =	vadd.s32 v17, v2;
	v2 =	vmul.u32 $0xFFFFD8F0, v23  }
0x97: {  	v3 =	vtrunc.f32 v3;
	v5 =	vadd.s32 v26, v5;
	v4 =	vadd.s32 v29, v4  }
0x98: {  	v6 =	vadd.s32 v35, v6;
	v9 =	vmul.u32 $0xFFFFD8F0, v9;
	v7 =	vadd.s32 v44, v10  }
0x99: {  	v10 =	vmul.u32 $0xFFFFD8F0, v59;
	v11 =	vadd.s32 v51, v12;
	v14 =	vtrunc.f32 v14  }
0x9a: {  	vm4 =	vlt.s32 v0, $0x0;
	v25 =	vadd.s32 $0x2710, v0;
	v3 =	vcvt.f32.s32 v3  }
0x9b: {  	vm11 =	vlt.s32 v5, $0x0;
	v43 =	vadd.s32 $0x2710, v5;
	vm12 =	vlt.s32 v4, $0x0  }
0x9c: {  	v45 =	vadd.s32 $0x2710, v4;
	vm15 =	vlt.s32 v6, $0x0;
	v52 =	vadd.s32 $0x2710, v6  }
0x9d: {  	v61 =	vadd.s32 $0x2710, v7;
	v23 =	vadd.s32 $0x2710, v11;
	v14 =	vcvt.f32.s32 v14  }
0x9e: {  	v0 =	vsel vm4, v25, v0;
	v1 =	vadd.s32 v18, v2;
	v2 =	vcvt.f32.s32 v27  }
0x9f: {  	v5 =	vsel vm11, v43, v5;
	v4 =	vsel vm12, v45, v4;
	v6 =	vsel vm15, v52, v6  }
0xa0: {  	v9 =	vadd.s32 v41, v9;
	vm0 =	vgt.s32 v0, $0x270F;
	vm5 =	vlt.s32 v1, $0x0  }
0xa1: {  	v30 =	vadd.s32 $0x2710, v1;
	v31 =	vadd.s32 $0xFFFFD8F0, v0;
	v3 =	vmul.u32 $0xFFFFD8F0, v3  }
0xa2: {  	vm13 =	vgt.s32 v5, $0x270F;
	v48 =	vadd.s32 $0xFFFFD8F0, v5;
	vm14 =	vgt.s32 v4, $0x270F  }
0xa3: {  	v29 =	vld [tilespmem:$0x2F0];
	v53 =	vadd.s32 $0xFFFFD8F0, v4;
	vm4 =	vgt.s32 v6, $0x270F;
	v13 =	vadd.s32 $0xFFFFD8F0, v6  }
0xa4: {  	v56 =	vadd.s32 $0x2710, v9;
	v14 =	vmul.u32 $0xFFFFD8F0, v14;
	v1 =	vsel vm5, v30, v1  }
0xa5: {  	v0 =	vsel vm0, v31, v0;
	v2 =	vmul.u32 $0xFFFFD8F0, v2;
	v5 =	vsel vm13, v48, v5  }
0xa6: {  	v4 =	vsel vm14, v53, v4;
	vm5 =	vlt.s32 v9, $0x0;
	v6 =	vsel vm4, v13, v6  }
0xa7: {  	vm6 =	vgt.s32 v1, $0x270F;
	v8 =	vadd.s32 $0xFFFFD8F0, v1;
	v3 =	vadd.s32 v22, v3  }
0xa8: {  	v27 =	vld [tilespmem:$0xF0];
	v9 =	vsel vm5, v56, v9;
	v36 =	vcvt.s32.f32 v29;
	v2 =	vadd.s32 v21, v2  }
0xa9: {  	v1 =	vsel vm6, v8, v1;
	vm9 =	vlt.s32 v3, $0x0;
	v39 =	vadd.s32 $0x2710, v3  }
0xaa: {  	vm6 =	vgt.s32 v9, $0x270F;
	v60 =	vadd.s32 $0xFFFFD8F0, v9;
	v8 =	vadd.s32 v49, v10  }
0xab: {  	v10 =	vtrunc.f32 v20;
	vm7 =	vlt.s32 v2, $0x0;
	v34 =	vadd.s32 $0x2710, v2  }
0xac: {  	v3 =	vsel vm9, v39, v3;
	v9 =	vsel vm6, v60, v9;
	vm9 =	vlt.s32 v8, $0x0  }
0xad: {  	v21 =	vadd.s32 $0x2710, v8;
	v10 =	vcvt.f32.s32 v10;
	v33 =	vcvt.s32.f32 v27  }
0xae: {  	v40 =	vmul.f32 $9.999999740e-05, v36;
	v2 =	vsel vm7, v34, v2;
	vm10 =	vgt.s32 v3, $0x270F  }
0xaf: {  	v47 =	vadd.s32 $0xFFFFD8F0, v3;
	vm7 =	vlt.s32 v7, $0x0;
	v8 =	vsel vm9, v21, v8  }
0xb0: {  	v22 =	vld [tilespmem:$0x2E0];
	v34 =	vadd.s32 v63, v14;
	vm8 =	vgt.s32 v2, $0x270F;
	v38 =	vadd.s32 $0xFFFFD8F0, v2  }
0xb1: {  	v3 =	vsel vm10, v47, v3;
	v7 =	vsel vm7, v61, v7;
	vm10 =	vlt.s32 v11, $0x0  }
0xb2: {  	vm11 =	vgt.s32 v8, $0x270F;
	v26 =	vadd.s32 $0xFFFFD8F0, v8;
	v10 =	vmul.u32 $0xFFFFD8F0, v10  }
0xb3: {  	vm15 =	vlt.s32 v34, $0x0;
	v37 =	vadd.s32 $0x2710, v34;
	v2 =	vsel vm8, v38, v2  }
0xb4: {  	vm8 =	vgt.s32 v7, $0x270F;
	v25 =	vadd.s32 $0xFFFFD8F0, v7;
	v11 =	vsel vm10, v23, v11  }
0xb5: {  	[tilespmem:$0x680] =	vst v1;
	v8 =	vsel vm11, v26, v8;
	v28 =	vcvt.s32.f32 v22;
	v38 =	vmul.f32 $9.999999740e-05, v33  }
0xb6: {  	[tilespmem:$0x690] =	vst v3;
	v1 =	vsel vm15, v37, v34;
	v3 =	vtrunc.f32 v40;
	v7 =	vsel vm8, v25, v7  }
0xb7: {  	vm12 =	vgt.s32 v11, $0x270F;
	v10 =	vadd.s32 v57, v10;
	v31 =	vadd.s32 $0xFFFFD8F0, v11  }
0xb8: {  	vm4 =	vgt.s32 v1, $0x270F;
	v3 =	vcvt.f32.s32 v3;
	v44 =	vadd.s32 $0xFFFFD8F0, v1  }
0xb9: {  	[tilespmem:$0x480] =	vst v0;
	vm13 =	vlt.s32 v10, $0x0;
	v30 =	vadd.s32 $0x2710, v10;
	v15 =	vmul.f32 $9.999999740e-05, v28  }
0xba: {  	[tilespmem:$0x4A0] =	vst v5;
	v11 =	vsel vm12, v31, v11;
	v41 =	vtrunc.f32 v38;
	v1 =	vsel vm4, v44, v1  }
0xbb: {  	[tilespmem:$0x6A0] =	vst v4;
	v10 =	vsel vm13, v30, v10;
	v42 =	vcvt.f32.s32 v41;
	v3 =	vmul.u32 $0xFFFFD8F0, v3  }
0xbc: {  	[tilespmem:$0x4B0] =	vst v6;
	vm14 =	vgt.s32 v10, $0x270F;
	v32 =	vadd.s32 $0xFFFFD8F0, v10;
	v15 =	vtrunc.f32 v15  }
0xbd: {  	[tilespmem:$0x6B0] =	vst v9;
	v35 =	vcvt.f32.s32 v15;
	v4 =	vmul.u32 $0xFFFFD8F0, v42;
	v3 =	vadd.s32 v29, v3  }
0xbe: {  	[tilespmem:$0x490] =	vst v2;
	v0 =	vsel vm14, v32, v10;
	vm7 =	vlt.s32 v3, $0x0;
	v47 =	vadd.s32 $0x2710, v3  }
0xbf: {  	[tilespmem:$0x6C0] =	vst v8;
	v39 =	vmul.u32 $0xFFFFD8F0, v35;
	v4 =	vadd.s32 v27, v4;
	v3 =	vsel vm7, v47, v3  }
0xc0: {  	[tilespmem:$0x4C0] =	vst v7;
	vm6 =	vlt.s32 v4, $0x0;
	v45 =	vadd.s32 $0x2710, v4;
	vm0 =	vgt.s32 v3, $0x270F  }
0xc1: {  	[tilespmem:$0x4D0] =	vst v11;
	v49 =	vadd.s32 $0xFFFFD8F0, v3;
	v2 =	vadd.s32 v22, v39;
	v46 =	vsel vm6, v45, v4  }
0xc2: {  	[tilespmem:$0x4E0] =	vst v1;
	v50 =	vsel vm0, v49, v3;
	vm5 =	vlt.s32 v2, $0x0;
	v43 =	vadd.s32 $0x2710, v2  }
0xc3: {  	[tilespmem:$0x6D0] =	vst v0;
	vm8 =	vgt.s32 v46, $0x270F;
	v48 =	vadd.s32 $0xFFFFD8F0, v46;
	v2 =	vsel vm5, v43, v2  }
0xc4: {  	[tilespmem:$0x6F0] =	vst v50;
	v0 =	vsel vm8, v48, v46;
	vm1 =	vgt.s32 v2, $0x270F;
	v5 =	vadd.s32 $0xFFFFD8F0, v2  }
0xc5: {  	[tilespmem:$0x4F0] =	vst v0;
	v2 =	vsel vm1, v5, v2  }
0xc6: {  	[tilespmem:$0x6E0] =	vst v2  }
0xc7: {  	[tilespmem:s16], [sflag:$0x2] =	stream.indirect.gather [hbm4b:s4+s10], $0x40, s15, s10, $0xb8;
	[tilespmem:$0x10800] =	vst v63  }
0xc8: {  	_ = 	snop  }
0xc9: {  	[tilespmem:s18], [sflag:$0x2] =	stream.indirect.gather [hbm4b:s5+s10], $0x40, s17, s10, $0xb8;
	[tilespmem:$0x10800] =	vst v63  }
0xca: {  	v51 =	vld [tilespmem:$0x100]  }
0xcb: {  	v52 =	vld [tilespmem:$0x300]  }
0xcc: {  	v55 =	vld [tilespmem:$0x110]  }
0xcd: {  	v56 =	vld [tilespmem:$0x310]  }
0xce: {  	v60 =	vld [tilespmem:$0x120]  }
0xcf: {  	v63 =	vld [tilespmem:$0x320]  }
0xd0: {  	v17 =	vld [tilespmem:$0x130]  }
0xd1: {  	v23 =	vld [tilespmem:$0x330]  }
0xd2: {  	v26 =	vld [tilespmem:$0x140]  }
0xd3: {  	v31 =	vld [tilespmem:$0x340]  }
0xd4: {  	v33 =	vld [tilespmem:$0x150]  }
0xd5: {  	v39 =	vld [tilespmem:$0x350];
	v53 =	vcvt.s32.f32 v51  }
0xd6: {  	v45 =	vld [tilespmem:$0x160];
	v54 =	vcvt.s32.f32 v52;
	v58 =	vcvt.s32.f32 v55  }
0xd7: {  	v62 =	vcvt.s32.f32 v56;
	v14 =	vcvt.s32.f32 v60  }
0xd8: {  	v15 =	vcvt.s32.f32 v63;
	v22 =	vcvt.s32.f32 v17  }
0xd9: {  	v28 =	vcvt.s32.f32 v23;
	v32 =	vcvt.s32.f32 v26  }
0xda: {  	v36 =	vcvt.s32.f32 v31;
	v37 =	vcvt.s32.f32 v33  }
0xdb: {  	v48 =	vld [tilespmem:$0x360];
	v44 =	vcvt.s32.f32 v39;
	v50 =	vcvt.s32.f32 v45  }
0xdc: {  	v2 =	vmul.f32 $9.999999740e-05, v53;
	v3 =	vmul.f32 $9.999999740e-05, v54  }
0xdd: {  	v9 =	vmul.f32 $9.999999740e-05, v14;
	v4 =	vmul.f32 $9.999999740e-05, v15  }
0xde: {  	v24 =	vmul.f32 $9.999999740e-05, v22;
	v10 =	vmul.f32 $9.999999740e-05, v32  }
0xdf: {  	v14 =	vmul.f32 $9.999999740e-05, v36;
	v46 =	vmul.f32 $9.999999740e-05, v44  }
0xe0: {  	v54 =	vcvt.s32.f32 v48;
	v2 =	vtrunc.f32 v2  }
0xe1: {  	v3 =	vtrunc.f32 v3;
	v18 =	vtrunc.f32 v9  }
0xe2: {  	v4 =	vtrunc.f32 v4;
	v6 =	vtrunc.f32 v24  }
0xe3: {  	v9 =	vmul.f32 $9.999999740e-05, v28;
	v10 =	vtrunc.f32 v10  }
0xe4: {  	v40 =	vtrunc.f32 v14;
	v14 =	vmul.f32 $9.999999740e-05, v50  }
0xe5: {  	v15 =	vmul.f32 $9.999999740e-05, v54;
	v2 =	vcvt.f32.s32 v2  }
0xe6: {  	v57 =	vcvt.f32.s32 v3;
	v3 =	vmul.f32 $9.999999740e-05, v58  }
0xe7: {  	v19 =	vcvt.f32.s32 v18;
	v4 =	vcvt.f32.s32 v4  }
0xe8: {  	v6 =	vcvt.f32.s32 v6;
	v10 =	vcvt.f32.s32 v10  }
0xe9: {  	v41 =	vcvt.f32.s32 v40;
	v9 =	vtrunc.f32 v9  }
0xea: {  	v14 =	vtrunc.f32 v14;
	v15 =	vtrunc.f32 v15;
	v2 =	vmul.u32 $0xFFFFD8F0, v2  }
0xeb: {  	v61 =	vtrunc.f32 v3;
	v3 =	vmul.f32 $9.999999740e-05, v62;
	v5 =	vmul.u32 $0xFFFFD8F0, v19  }
0xec: {  	v4 =	vmul.u32 $0xFFFFD8F0, v4;
	v6 =	vmul.u32 $0xFFFFD8F0, v6;
	v9 =	vcvt.f32.s32 v9  }
0xed: {  	v10 =	vmul.u32 $0xFFFFD8F0, v10;
	v14 =	vcvt.f32.s32 v14;
	v0 =	vadd.s32 v51, v2  }
0xee: {  	v2 =	vmul.u32 $0xFFFFD8F0, v57;
	v3 =	vtrunc.f32 v3;
	v5 =	vadd.s32 v60, v5  }
0xef: {  	v4 =	vadd.s32 v63, v4;
	v6 =	vadd.s32 v17, v6;
	v9 =	vmul.u32 $0xFFFFD8F0, v9  }
0xf0: {  	v7 =	vadd.s32 v26, v10;
	v10 =	vmul.u32 $0xFFFFD8F0, v41;
	v14 =	vmul.u32 $0xFFFFD8F0, v14  }
0xf1: {  	v53 =	vld [tilespmem:$0x170];
	vm9 =	vlt.s32 v0, $0x0;
	v59 =	vadd.s32 $0x2710, v0;
	v3 =	vcvt.f32.s32 v3  }
0xf2: {  	vm4 =	vlt.s32 v5, $0x0;
	v25 =	vadd.s32 $0x2710, v5;
	vm5 =	vlt.s32 v4, $0x0  }
0xf3: {  	v27 =	vadd.s32 $0x2710, v4;
	vm8 =	vlt.s32 v6, $0x0;
	v34 =	vadd.s32 $0x2710, v6  }
0xf4: {  	v43 =	vadd.s32 $0x2710, v7;
	v0 =	vsel vm9, v59, v0;
	v1 =	vadd.s32 v52, v2  }
0xf5: {  	v2 =	vcvt.f32.s32 v61;
	v5 =	vsel vm4, v25, v5;
	v4 =	vsel vm5, v27, v4  }
0xf6: {  	v6 =	vsel vm8, v34, v6;
	v9 =	vadd.s32 v23, v9;
	v59 =	vcvt.s32.f32 v53  }
0xf7: {  	v60 =	vadd.s32 v45, v14;
	v61 =	vcvt.f32.s32 v15;
	vm0 =	vgt.s32 v0, $0x270F  }
0xf8: {  	vm10 =	vlt.s32 v1, $0x0;
	v12 =	vadd.s32 $0x2710, v1;
	v13 =	vadd.s32 $0xFFFFD8F0, v0  }
0xf9: {  	v3 =	vmul.u32 $0xFFFFD8F0, v3;
	vm6 =	vgt.s32 v5, $0x270F;
	v30 =	vadd.s32 $0xFFFFD8F0, v5  }
0xfa: {  	vm7 =	vgt.s32 v4, $0x270F;
	v35 =	vadd.s32 $0xFFFFD8F0, v4;
	vm9 =	vgt.s32 v6, $0x270F  }
0xfb: {  	v38 =	vadd.s32 $0x2710, v9;
	vm8 =	vlt.s32 v60, $0x0;
	v63 =	vadd.s32 $0x2710, v60  }
0xfc: {  	v1 =	vsel vm10, v12, v1;
	v0 =	vsel vm0, v13, v0;
	v2 =	vmul.u32 $0xFFFFD8F0, v2  }
0xfd: {  	v5 =	vsel vm6, v30, v5;
	v4 =	vsel vm7, v35, v4;
	v13 =	vadd.s32 $0xFFFFD8F0, v6  }
0xfe: {  	vm10 =	vlt.s32 v9, $0x0;
	v12 =	vmul.f32 $9.999999740e-05, v37;
	vm11 =	vgt.s32 v1, $0x270F  }
0xff: {  	v8 =	vadd.s32 $0xFFFFD8F0, v1;
	v3 =	vadd.s32 v56, v3;
	v9 =	vsel vm10, v38, v9  }
0x100: {  	v6 =	vsel vm9, v13, v6;
	v2 =	vadd.s32 v55, v2;
	v1 =	vsel vm11, v8, v1  }
0x101: {  	vm14 =	vlt.s32 v3, $0x0;
	v21 =	vadd.s32 $0x2710, v3;
	vm11 =	vgt.s32 v9, $0x270F  }
0x102: {  	v12 =	vtrunc.f32 v12;
	v42 =	vadd.s32 $0xFFFFD8F0, v9;
	v8 =	vadd.s32 v31, v10  }
0x103: {  	v10 =	vtrunc.f32 v46;
	vm12 =	vlt.s32 v2, $0x0;
	v16 =	vadd.s32 $0x2710, v2  }
0x104: {  	v3 =	vsel vm14, v21, v3;
	v12 =	vcvt.f32.s32 v12;
	v9 =	vsel vm11, v42, v9  }
0x105: {  	vm14 =	vlt.s32 v8, $0x0;
	v47 =	vadd.s32 $0x2710, v8;
	v10 =	vcvt.f32.s32 v10  }
0x106: {  	[tilespmem:$0x700] =	vst v1;
	v1 =	vsel vm8, v63, v60;
	v21 =	vmul.u32 $0xFFFFD8F0, v61;
	v2 =	vsel vm12, v16, v2  }
0x107: {  	vm15 =	vgt.s32 v3, $0x270F;
	v29 =	vadd.s32 $0xFFFFD8F0, v3;
	vm12 =	vlt.s32 v7, $0x0  }
0x108: {  	v8 =	vsel vm14, v47, v8;
	vm9 =	vgt.s32 v1, $0x270F;
	v26 =	vadd.s32 $0xFFFFD8F0, v1  }
0x109: {  	v55 =	vld [tilespmem:$0x370];
	vm13 =	vgt.s32 v2, $0x270F;
	v20 =	vadd.s32 $0xFFFFD8F0, v2;
	v3 =	vsel vm15, v29, v3  }
0x10a: {  	v7 =	vsel vm12, v43, v7;
	v12 =	vmul.u32 $0xFFFFD8F0, v12;
	vm4 =	vgt.s32 v8, $0x270F  }
0x10b: {  	v52 =	vadd.s32 $0xFFFFD8F0, v8;
	v10 =	vmul.u32 $0xFFFFD8F0, v10;
	v1 =	vsel vm9, v26, v1  }
0x10c: {  	v2 =	vsel vm13, v20, v2;
	vm13 =	vgt.s32 v7, $0x270F;
	v51 =	vadd.s32 $0xFFFFD8F0, v7  }
0x10d: {  	v8 =	vsel vm4, v52, v8;
	v20 =	vmul.f32 $9.999999740e-05, v59;
	v11 =	vadd.s32 v33, v12  }
0x10e: {  	v7 =	vsel vm13, v51, v7;
	v10 =	vadd.s32 v39, v10;
	v62 =	vcvt.s32.f32 v55  }
0x10f: {  	[tilespmem:$0x510] =	vst v2;
	v2 =	vadd.s32 v48, v21;
	vm15 =	vlt.s32 v11, $0x0;
	v49 =	vadd.s32 $0x2710, v11  }
0x110: {  	[tilespmem:$0x500] =	vst v0;
	vm6 =	vlt.s32 v10, $0x0;
	v56 =	vadd.s32 $0x2710, v10;
	v23 =	vtrunc.f32 v20  }
0x111: {  	[tilespmem:$0x520] =	vst v5;
	vm10 =	vlt.s32 v2, $0x0;
	v25 =	vadd.s32 $0x2710, v2;
	v22 =	vmul.f32 $9.999999740e-05, v62  }
0x112: {  	[tilespmem:$0x720] =	vst v4;
	v11 =	vsel vm15, v49, v11;
	v10 =	vsel vm6, v56, v10;
	v24 =	vcvt.f32.s32 v23  }
0x113: {  	[tilespmem:$0x710] =	vst v3;
	v2 =	vsel vm10, v25, v2;
	vm5 =	vgt.s32 v11, $0x270F;
	v3 =	vtrunc.f32 v22  }
0x114: {  	[tilespmem:$0x530] =	vst v6;
	v57 =	vadd.s32 $0xFFFFD8F0, v11;
	vm7 =	vgt.s32 v10, $0x270F;
	v3 =	vcvt.f32.s32 v3  }
0x115: {  	[tilespmem:$0x730] =	vst v9;
	v58 =	vadd.s32 $0xFFFFD8F0, v10;
	vm1 =	vgt.s32 v2, $0x270F;
	v4 =	vmul.u32 $0xFFFFD8F0, v24  }
0x116: {  	[tilespmem:$0x560] =	vst v1;
	v5 =	vadd.s32 $0xFFFFD8F0, v2;
	v11 =	vsel vm5, v57, v11;
	v3 =	vmul.u32 $0xFFFFD8F0, v3  }
0x117: {  	[tilespmem:$0x740] =	vst v8;
	v0 =	vsel vm7, v58, v10;
	v2 =	vsel vm1, v5, v2;
	v4 =	vadd.s32 v53, v4  }
0x118: {  	[tilespmem:$0x540] =	vst v7;
	vm11 =	vlt.s32 v4, $0x0;
	v27 =	vadd.s32 $0x2710, v4;
	v3 =	vadd.s32 v55, v3  }
0x119: {  	[tilespmem:$0x550] =	vst v11;
	v28 =	vsel vm11, v27, v4;
	vm12 =	vlt.s32 v3, $0x0;
	v29 =	vadd.s32 $0x2710, v3  }
0x11a: {  	[tilespmem:$0x750] =	vst v0;
	vm13 =	vgt.s32 v28, $0x270F;
	v30 =	vadd.s32 $0xFFFFD8F0, v28;
	v3 =	vsel vm12, v29, v3  }
0x11b: {  	[tilespmem:$0x760] =	vst v2;
	v0 =	vsel vm13, v30, v28;
	vm0 =	vgt.s32 v3, $0x270F;
	v31 =	vadd.s32 $0xFFFFD8F0, v3  }
0x11c: {  	[tilespmem:$0x570] =	vst v0;
	v32 =	vsel vm0, v31, v3  }
0x11d: {  	[tilespmem:$0x770] =	vst v32  }
0x11e: {  	[tilespmem:s20], [sflag:$0x3] =	stream.indirect.gather [hbm4b:s4+s10], $0x40, s19, s10, $0xb8;
	[tilespmem:$0x10800] =	vst v63  }
0x11f: {  	_ = 	snop  }
0x120: {  	[tilespmem:s22], [sflag:$0x3] =	stream.indirect.gather [hbm4b:s5+s10], $0x40, s21, s10, $0xb8;
	[tilespmem:$0x10800] =	vst v63  }
0x121: {  	v33 =	vld [tilespmem:$0x180]  }
0x122: {  	v34 =	vld [tilespmem:$0x380]  }
0x123: {  	v36 =	vld [tilespmem:$0x190]  }
0x124: {  	v39 =	vld [tilespmem:$0x390]  }
0x125: {  	v43 =	vld [tilespmem:$0x1A0]  }
0x126: {  	v48 =	vld [tilespmem:$0x3A0]  }
0x127: {  	v51 =	vld [tilespmem:$0x1B0]  }
0x128: {  	v57 =	vld [tilespmem:$0x3B0]  }
0x129: {  	v63 =	vld [tilespmem:$0x1C0]  }
0x12a: {  	v20 =	vld [tilespmem:$0x3C0]  }
0x12b: {  	v24 =	vld [tilespmem:$0x1D0];
	v35 =	vcvt.s32.f32 v33  }
0x12c: {  	v28 =	vld [tilespmem:$0x3D0];
	v37 =	vcvt.s32.f32 v34;
	v38 =	vcvt.s32.f32 v36  }
0x12d: {  	v45 =	vcvt.s32.f32 v39;
	v50 =	vcvt.s32.f32 v43  }
0x12e: {  	v54 =	vcvt.s32.f32 v48;
	v55 =	vcvt.s32.f32 v51  }
0x12f: {  	v62 =	vcvt.s32.f32 v57;
	v22 =	vcvt.s32.f32 v63  }
0x130: {  	v26 =	vcvt.s32.f32 v20;
	v30 =	vcvt.s32.f32 v24  }
0x131: {  	v32 =	vcvt.s32.f32 v28;
	v2 =	vmul.f32 $9.999999740e-05, v35  }
0x132: {  	v4 =	vmul.f32 $9.999999740e-05, v37;
	v5 =	vmul.f32 $9.999999740e-05, v38  }
0x133: {  	v10 =	vmul.f32 $9.999999740e-05, v54;
	v6 =	vmul.f32 $9.999999740e-05, v55  }
0x134: {  	v18 =	vmul.f32 $9.999999740e-05, v62;
	v11 =	vmul.f32 $9.999999740e-05, v26  }
0x135: {  	v31 =	vmul.f32 $9.999999740e-05, v30;
	v13 =	vmul.f32 $9.999999740e-05, v32  }
0x136: {  	v2 =	vtrunc.f32 v2;
	v4 =	vtrunc.f32 v4  }
0x137: {  	v42 =	vtrunc.f32 v5;
	v58 =	vtrunc.f32 v10  }
0x138: {  	v6 =	vtrunc.f32 v6;
	v7 =	vtrunc.f32 v18  }
0x139: {  	v10 =	vmul.f32 $9.999999740e-05, v22;
	v11 =	vtrunc.f32 v11  }
0x13a: {  	v12 =	vtrunc.f32 v31;
	v13 =	vtrunc.f32 v13  }
0x13b: {  	v2 =	vcvt.f32.s32 v2;
	v40 =	vcvt.f32.s32 v4  }
0x13c: {  	v44 =	vcvt.f32.s32 v42;
	v4 =	vmul.f32 $9.999999740e-05, v45  }
0x13d: {  	v59 =	vcvt.f32.s32 v58;
	v6 =	vcvt.f32.s32 v6  }
0x13e: {  	v7 =	vcvt.f32.s32 v7;
	v11 =	vcvt.f32.s32 v11  }
0x13f: {  	v12 =	vcvt.f32.s32 v12;
	v10 =	vtrunc.f32 v10  }
0x140: {  	v2 =	vmul.u32 $0xFFFFD8F0, v2;
	v49 =	vtrunc.f32 v4;
	v4 =	vmul.f32 $9.999999740e-05, v50  }
0x141: {  	v5 =	vmul.u32 $0xFFFFD8F0, v59;
	v6 =	vmul.u32 $0xFFFFD8F0, v6;
	v7 =	vmul.u32 $0xFFFFD8F0, v7  }
0x142: {  	v10 =	vcvt.f32.s32 v10;
	v11 =	vmul.u32 $0xFFFFD8F0, v11;
	v35 =	vmul.u32 $0xFFFFD8F0, v12  }
0x143: {  	v3 =	vcvt.f32.s32 v49;
	v0 =	vadd.s32 v33, v2;
	v2 =	vmul.u32 $0xFFFFD8F0, v40  }
0x144: {  	v45 =	vld [tilespmem:$0x3F0];
	v4 =	vtrunc.f32 v4;
	v5 =	vadd.s32 v48, v5;
	v6 =	vadd.s32 v51, v6  }
0x145: {  	v7 =	vadd.s32 v57, v7;
	v10 =	vmul.u32 $0xFFFFD8F0, v10;
	v8 =	vadd.s32 v20, v11  }
0x146: {  	vm14 =	vlt.s32 v0, $0x0;
	v41 =	vadd.s32 $0x2710, v0;
	v3 =	vmul.u32 $0xFFFFD8F0, v3  }
0x147: {  	v4 =	vcvt.f32.s32 v4;
	vm11 =	vlt.s32 v5, $0x0;
	v19 =	vadd.s32 $0x2710, v5  }
0x148: {  	vm12 =	vlt.s32 v6, $0x0;
	v21 =	vadd.s32 $0x2710, v6;
	v29 =	vadd.s32 $0x2710, v7  }
0x149: {  	v38 =	vadd.s32 $0x2710, v8;
	v51 =	vcvt.s32.f32 v45;
	v0 =	vsel vm14, v41, v0  }
0x14a: {  	v1 =	vadd.s32 v34, v2;
	v2 =	vmul.u32 $0xFFFFD8F0, v44;
	v5 =	vsel vm11, v19, v5  }
0x14b: {  	v6 =	vsel vm12, v21, v6;
	v10 =	vadd.s32 v63, v10;
	vm0 =	vgt.s32 v0, $0x270F  }
0x14c: {  	v46 =	vadd.s32 $0xFFFFD8F0, v0;
	vm15 =	vlt.s32 v1, $0x0;
	v47 =	vadd.s32 $0x2710, v1  }
0x14d: {  	v3 =	vadd.s32 v39, v3;
	v4 =	vmul.u32 $0xFFFFD8F0, v4;
	vm13 =	vgt.s32 v5, $0x270F  }
0x14e: {  	v25 =	vadd.s32 $0xFFFFD8F0, v5;
	vm14 =	vgt.s32 v6, $0x270F;
	v27 =	vadd.s32 $0xFFFFD8F0, v6  }
0x14f: {  	v33 =	vadd.s32 $0x2710, v10;
	v39 =	vcvt.f32.s32 v13;
	v1 =	vsel vm15, v47, v1  }
0x150: {  	v37 =	vld [tilespmem:$0x3E0];
	v0 =	vsel vm0, v46, v0;
	v2 =	vadd.s32 v36, v2;
	vm7 =	vlt.s32 v3, $0x0  }
0x151: {  	v56 =	vadd.s32 $0x2710, v3;
	v5 =	vsel vm13, v25, v5;
	vm15 =	vlt.s32 v7, $0x0  }
0x152: {  	v6 =	vsel vm14, v27, v6;
	vm4 =	vgt.s32 v1, $0x270F;
	vm5 =	vlt.s32 v2, $0x0  }
0x153: {  	v52 =	vadd.s32 $0x2710, v2;
	v53 =	vadd.s32 $0xFFFFD8F0, v1;
	v3 =	vsel vm7, v56, v3  }
0x154: {  	v4 =	vadd.s32 v43, v4;
	v7 =	vsel vm15, v29, v7;
	vm7 =	vlt.s32 v8, $0x0  }
0x155: {  	v11 =	vmul.u32 $0xFFFFD8F0, v39;
	v43 =	vcvt.s32.f32 v37;
	v2 =	vsel vm5, v52, v2  }
0x156: {  	v34 =	vld [tilespmem:$0x1E0];
	v1 =	vsel vm4, v53, v1;
	vm8 =	vgt.s32 v3, $0x270F;
	v60 =	vadd.s32 $0xFFFFD8F0, v3  }
0x157: {  	v44 =	vld [tilespmem:$0x1F0];
	vm9 =	vlt.s32 v4, $0x0;
	v61 =	vadd.s32 $0x2710, v4;
	vm4 =	vgt.s32 v7, $0x270F  }
0x158: {  	v15 =	vadd.s32 $0xFFFFD8F0, v7;
	vm5 =	vlt.s32 v10, $0x0;
	v8 =	vsel vm7, v38, v8  }
0x159: {  	vm6 =	vgt.s32 v2, $0x270F;
	v9 =	vadd.s32 $0xFFFFD8F0, v2;
	v3 =	vsel vm8, v60, v3  }
0x15a: {  	v4 =	vsel vm9, v61, v4;
	v7 =	vsel vm4, v15, v7;
	v10 =	vsel vm5, v33, v10  }
0x15b: {  	v41 =	vcvt.s32.f32 v34;
	vm1 =	vgt.s32 v8, $0x270F;
	v17 =	vadd.s32 $0xFFFFD8F0, v8  }
0x15c: {  	v11 =	vadd.s32 v28, v11;
	v13 =	vmul.f32 $9.999999740e-05, v43;
	v50 =	vcvt.s32.f32 v44  }
0x15d: {  	[tilespmem:$0x780] =	vst v1;
	v1 =	vmul.f32 $9.999999740e-05, v51;
	v2 =	vsel vm6, v9, v2;
	vm10 =	vgt.s32 v4, $0x270F  }
0x15e: {  	v23 =	vadd.s32 $0xFFFFD8F0, v4;
	vm6 =	vgt.s32 v10, $0x270F;
	v36 =	vadd.s32 $0xFFFFD8F0, v10  }
0x15f: {  	v9 =	vadd.s32 v24, v35;
	v8 =	vsel vm1, v17, v8;
	vm9 =	vlt.s32 v11, $0x0  }
0x160: {  	v46 =	vadd.s32 $0x2710, v11;
	v4 =	vsel vm10, v23, v4;
	v10 =	vsel vm6, v36, v10  }
0x161: {  	vm8 =	vlt.s32 v9, $0x0;
	v40 =	vadd.s32 $0x2710, v9;
	v42 =	vmul.f32 $9.999999740e-05, v41  }
0x162: {  	v11 =	vsel vm9, v46, v11;
	v13 =	vtrunc.f32 v13;
	v53 =	vmul.f32 $9.999999740e-05, v50  }
0x163: {  	v1 =	vtrunc.f32 v1;
	v9 =	vsel vm8, v40, v9;
	vm1 =	vgt.s32 v11, $0x270F  }
0x164: {  	v18 =	vadd.s32 $0xFFFFD8F0, v11;
	v49 =	vcvt.f32.s32 v13;
	v1 =	vcvt.f32.s32 v1  }
0x165: {  	[tilespmem:$0x580] =	vst v0;
	vm0 =	vgt.s32 v9, $0x270F;
	v12 =	vtrunc.f32 v42;
	v47 =	vadd.s32 $0xFFFFD8F0, v9  }
0x166: {  	[tilespmem:$0x7A0] =	vst v5;
	v55 =	vtrunc.f32 v53;
	v12 =	vcvt.f32.s32 v12;
	v52 =	vmul.u32 $0xFFFFD8F0, v49  }
0x167: {  	[tilespmem:$0x790] =	vst v3;
	v11 =	vsel vm1, v18, v11;
	v3 =	vcvt.f32.s32 v55;
	v1 =	vmul.u32 $0xFFFFD8F0, v1  }
0x168: {  	[tilespmem:$0x590] =	vst v2;
	v9 =	vsel vm0, v47, v9;
	v48 =	vmul.u32 $0xFFFFD8F0, v12;
	v2 =	vadd.s32 v37, v52  }
0x169: {  	[tilespmem:$0x5B0] =	vst v6;
	v3 =	vmul.u32 $0xFFFFD8F0, v3;
	v1 =	vadd.s32 v45, v1;
	vm11 =	vlt.s32 v2, $0x0  }
0x16a: {  	[tilespmem:$0x7B0] =	vst v7;
	v56 =	vadd.s32 $0x2710, v2;
	vm13 =	vlt.s32 v1, $0x0;
	v60 =	vadd.s32 $0x2710, v1  }
0x16b: {  	[tilespmem:$0x7C0] =	vst v8;
	v0 =	vadd.s32 v34, v48;
	v2 =	vsel vm11, v56, v2;
	v3 =	vadd.s32 v44, v3  }
0x16c: {  	[tilespmem:$0x5A0] =	vst v4;
	v61 =	vsel vm13, v60, v1;
	vm10 =	vlt.s32 v0, $0x0;
	v54 =	vadd.s32 $0x2710, v0  }
0x16d: {  	[tilespmem:$0x5C0] =	vst v10;
	vm1 =	vgt.s32 v2, $0x270F;
	v58 =	vadd.s32 $0xFFFFD8F0, v2;
	vm12 =	vlt.s32 v3, $0x0  }
0x16e: {  	[tilespmem:$0x7D0] =	vst v11;
	v59 =	vadd.s32 $0x2710, v3;
	v0 =	vsel vm10, v54, v0;
	v2 =	vsel vm1, v58, v2  }
0x16f: {  	[tilespmem:$0x5D0] =	vst v9;
	v3 =	vsel vm12, v59, v3;
	vm0 =	vgt.s32 v0, $0x270F;
	v57 =	vadd.s32 $0xFFFFD8F0, v0  }
0x170: {  	vm14 =	vgt.s32 v3, $0x270F;
	v62 =	vadd.s32 $0xFFFFD8F0, v3;
	[tilespmem:$0x7E0] =	vst v2;
	v0 =	vsel vm0, v57, v0  }
0x171: {  	vm15 =	vgt.s32 v61, $0x270F;
	v63 =	vadd.s32 $0xFFFFD8F0, v61;
	v1 =	vsel vm14, v62, v3;
	[tilespmem:$0x5E0] =	vst v0  }
0x172: {  	[tilespmem:$0x5F0] =	vst v1;
	v0 =	vsel vm15, v63, v61  }
0x173: {  	[tilespmem:$0x7F0] =	vst v0  }
0x174: {  	[tilespmem:s24], [sflag:$0x4] =	stream.indirect.gather [hbm4b:s4+s10], $0x40, s23, s10, $0xb8;
	[tilespmem:$0x10800] =	vst v63  }
0x175: {  	_ = 	snop  }
0x176: {  	[tilespmem:s26], [sflag:$0x4] =	stream.indirect.gather [hbm4b:s5+s10], $0x40, s25, s10, $0xb8;
	[tilespmem:$0x10800] =	vst v63  }
0x177: {  	_ =	swait.ge [sflag:s28], $0x2000  }
0x178: {  	[sflag:s28] =	ssyncset.done $0x0  }
0x179: {  	[sflag:s28] =	ssyncadd.s32 $0xFFFFE000  }
0x17a: {  	_ =	swait.ge [sflag:s28], $0x2000  }
0x17b: {  	[sflag:s28] =	ssyncset.done $0x0  }
0x17c: {  	[sflag:s28] =	ssyncadd.s32 $0xFFFFE000  }
0x17d: {  	[hbm4b:s3+s29] =	stream.strided.scatter [tilespmem:s12], [sflag:$0x5], $0x2000, s10, s29, $0x38;
	[tilespmem:$0x10800] =	vst v63  }
0x17e: {  	s8 =	rddreg [dreg:$0x7]  }
0x17f: {  	[hbm4b:s8+s29] =	stream.strided.scatter [tilespmem:s14], [sflag:$0x5], $0x2000, s10, s29, $0x38;
	[tilespmem:$0x10800] =	vst v63  }
0x180: {  	_ =	swait.ge [sflag:s30], $0x2000  }
0x181: {  	[sflag:s30] =	ssyncset.done $0x0  }
0x182: {  	[sflag:s30] =	ssyncadd.s32 $0xFFFFE000  }
0x183: {  	_ =	swait.ge [sflag:s30], $0x2000  }
0x184: {  	[sflag:s30] =	ssyncset.done $0x0  }
0x185: {  	s0 =	rddreg [dreg:$0x8];
	[sflag:s30] =	ssyncadd.s32 $0xFFFFE000  }
0x186: {  	[hbm4b:s0+s29] =	stream.strided.scatter [tilespmem:s16], [sflag:$0x5], $0x2000, s10, s29, $0x38;
	[tilespmem:$0x10800] =	vst v63  }
0x187: {  	s8 =	rddreg [dreg:$0x9]  }
0x188: {  	[hbm4b:s8+s29] =	stream.strided.scatter [tilespmem:s18], [sflag:$0x5], $0x2000, s10, s29, $0x38;
	[tilespmem:$0x10800] =	vst v63  }
0x189: {  	_ =	swait.ge [sflag:s31], $0x2000  }
0x18a: {  	[sflag:s31] =	ssyncset.done $0x0  }
0x18b: {  	[sflag:s31] =	ssyncadd.s32 $0xFFFFE000  }
0x18c: {  	_ =	swait.ge [sflag:s31], $0x2000  }
0x18d: {  	[sflag:s31] =	ssyncset.done $0x0  }
0x18e: {  	s0 =	rddreg [dreg:$0xa];
	[sflag:s31] =	ssyncadd.s32 $0xFFFFE000  }
0x18f: {  	[hbm4b:s0+s29] =	stream.strided.scatter [tilespmem:s20], [sflag:$0x5], $0x2000, s10, s29, $0x38;
	[tilespmem:$0x10800] =	vst v63  }
0x190: {  	s8 =	rddreg [dreg:$0xb]  }
0x191: {  	[hbm4b:s8+s29] =	stream.strided.scatter [tilespmem:s22], [sflag:$0x5], $0x2000, s10, s29, $0x38;
	[tilespmem:$0x10800] =	vst v63  }
0x192: {  	_ =	swait.ge [sflag:s1], $0x2000  }
0x193: {  	[sflag:s1] =	ssyncset.done $0x0  }
0x194: {  	[sflag:s1] =	ssyncadd.s32 $0xFFFFE000  }
0x195: {  	_ =	swait.ge [sflag:s1], $0x2000  }
0x196: {  	[sflag:s1] =	ssyncset.done $0x0  }
0x197: {  	s8 =	rddreg [dreg:$0xc];
	[sflag:s1] =	ssyncadd.s32 $0xFFFFE000  }
0x198: {  	[hbm4b:s8+s29] =	stream.strided.scatter [tilespmem:s24], [sflag:$0x5], $0x2000, s10, s29, $0x38;
	[tilespmem:$0x10800] =	vst v63  }
0x199: {  	_ = 	snop  }
0x19a: {  	[hbm4b:s6+s29] =	stream.strided.scatter [tilespmem:s26], [sflag:$0x5], $0x2000, s10, s29, $0x38;
	[tilespmem:$0x10800] =	vst v63  }
0x19b: {  	_ =	swait.ge [sflag:s9], $0x2000  }
0x19c: {  	[sflag:s9] =	ssyncset.done $0x0  }
0x19d: {  	[sflag:s9] =	ssyncadd.s32 $0xFFFFE000  }
0x19e: {  	_ =	swait.ge [sflag:s9], $0x2000  }
0x19f: {  	[sflag:s9] =	ssyncset.done $0x0  }
0x1a0: {  	[sflag:s9] =	ssyncadd.s32 $0xFFFFE000  }
0x1a1: {  	_ =	swait.ge [sflag:s9], $0x2000  }
0x1a2: {  	[sflag:s9] =	ssyncset.done $0x0  }
0x1a3: {  	[sflag:s9] =	ssyncadd.s32 $0xFFFFE000  }
0x1a4: {  	_ =	swait.ge [sflag:s9], $0x2000  }
0x1a5: {  	[sflag:s9] =	ssyncset.done $0x0  }
0x1a6: {  	[sflag:s9] =	ssyncadd.s32 $0xFFFFE000  }
0x1a7: {  	_ =	swait.ge [sflag:s9], $0x2000  }
0x1a8: {  	[sflag:s9] =	ssyncset.done $0x0  }
0x1a9: {  	[sflag:s9] =	ssyncadd.s32 $0xFFFFE000  }
0x1aa: {  	_ =	swait.ge [sflag:s9], $0x2000  }
0x1ab: {  	[sflag:s9] =	ssyncset.done $0x0  }
0x1ac: {  	[sflag:s9] =	ssyncadd.s32 $0xFFFFE000  }
0x1ad: {  	p0 =	sne.s32 s7, $0x1;
	_ =	swait.ge [sflag:s9], $0x2000  }
.Ltmp0:
0x1ae: {  	[sflag:s9] =	ssyncset.done $0x0;
	(pc) =	sbr.rel @p0 .LBB2_1-.Ltmp0, $4  }
0x1af: {  	[sflag:s9] =	ssyncadd.s32 $0xFFFFE000  }
0x1b0: {  	_ =	swait.ge [sflag:s9], $0x2000  }
0x1b1: {  	[sflag:s9] =	ssyncset.done $0x0  }
0x1b2: {  	s7 =	sadd.s32 $0xFFFFFFFF, s7;
	[sflag:s9] =	ssyncadd.s32 $0xFFFFE000  }
0x1b3: {  	_ =	sfence.sel $0x180000  }
0x1b4: {  	[bflag:$0x0] =	sbarrier.arrive $0xFFFF  }
0x1b5: {  	_ =	strace $0x90000047  }
0x1b6: {  	s0 =	stileid.u32;
	[bflag:$0x2] =	sbarrier.arrive $0xFFFF  }
0x1b7: {  	p0 =	sne.s32 s0, $0x0;
	s0 =	rddreg [dreg:$0x4]  }
0x1b8: {  	s0 =	sadd.s32 @!p0 $0x100000, s0  }
0x1b9: {  	[sflag:s0] =	ssyncadd.tile.s32 @!p0 $0x1;
	_ =	shalt  }
.Lfunc_end2:
_tile_overlayer_lowered:
.L_overlay_start_2:
0x1ba: {  	(tag) =	ssettag $0x2  }
0x1bb: {  	s0 =	rddreg [dreg:$0x0];
	s2 =	stileid.u32  }
0x1bc: {  	s1 =	rddreg [dreg:$0x1];
	p0 =	sne.s32 s2, $0x0  }
0x1bd: {  	s3 =	rddreg [dreg:$0x2];
	[bflag:$0x3] =	sbarrier.arrive $0xFFFF;
	s2 =	simm.s32 @!p0 $0x1C06  }
0x1be: {  	[timem:s3], [sflag:s2] =	dma.local @!p0 [hbm:s0], s1  }
0x1bf: {  	s0 =	simm.s32 @!p0 $0x6  }
0x1c0: {  	_ =	swait.ge @!p0 [sflag:s0], s1  }
0x1c1: {  	s1 =	ssub.s32 @!p0 $0x0, s1;
	[sflag:s0] =	ssyncset.done @!p0 $0x0  }
0x1c2: {  	[sflag:s0] =	ssyncadd.s32 @!p0 s1  }
0x1c3: {  	[bflag:$0x3] =	sbarrier.arrive $0xFFFF  }
0x1c4: {  	_ =	shalt  }

</sc_bundles>
